<compile_context>
chip_gen: v7x
topology: tpu7x:2x2x1
jax: 0.10.2.dev20260603
libtpu: 0.0.44.dev20260713+nightly
codegen_flags: <defaults>
</compile_context>

<pallas_src>
import functools

import jax
import jax.numpy as jnp
from jax import lax
from jax.experimental import pallas as pl
from jax.experimental.pallas import tpu as pltpu
from jax.experimental.pallas import tpu_sc as plsc

N = 10000
D = 128
E = 320000
NSEED = 3000
NG = 2
NSC = 2
NSUB = 16
NP = 10240
CH = 128
EE = 2 * E
NCH = 316
EPT = NCH * CH
EP = NSUB * EPT
RPT = NP // NSUB
BLK = 256
GB = NP // BLK
SPAD = 3072
SB = 96

_mesh = plsc.VectorSubcoreMesh(core_axis_name="c", subcore_axis_name="s",
                               num_cores=NSC, num_subcores=NSUB)



@functools.partial(
    pl.kernel, mesh=_mesh,
    out_type=jax.ShapeDtypeStruct((NG, NSUB, NP), jnp.float32),
    compiler_params=pltpu.CompilerParams(needs_layout_passes=False),
    scratch_types=[
        pltpu.VMEM((EPT,), jnp.int32),
        pltpu.VMEM((NP,), jnp.float32),
    ])
def _deg_call(dst_hbm, zeros_hbm, out_hbm, idx_v, hist_v):
    c = lax.axis_index("c")
    s = lax.axis_index("s")
    pltpu.sync_copy(zeros_hbm, hist_v)
    base = c * EP + s * EPT
    pltpu.sync_copy(dst_hbm.at[pl.ds(base, EPT)], idx_v)
    ones = jnp.full((16,), 1.0, jnp.float32)

    def chunk(i, carry):
        off = i * CH
        for j in range(CH // 16):
            idx = idx_v[pl.ds(off + j * 16, 16)]
            plsc.addupdate_scatter(hist_v, [idx], ones)
        return carry

    lax.fori_loop(0, NCH, chunk, 0)
    pltpu.sync_copy(hist_v, out_hbm.at[c, s])


@functools.partial(
    pl.kernel, mesh=_mesh,
    out_type=jax.ShapeDtypeStruct((NG * NP, D), jnp.float32),
    scratch_types=[
        pltpu.VMEM_SHARED((NP, D), jnp.float32),
        [pltpu.VMEM((2, CH), jnp.int32)] * 4,
        [pltpu.VMEM((CH, D), jnp.float32)] * 2,
        [pltpu.SemaphoreType.DMA] * 4,
        [pltpu.SemaphoreType.DMA] * 2,
        [pltpu.SemaphoreType.DMA] * 2,
    ])
def _mp_call(idx2_hbm, tab_hbm, zrow_hbm, out_hbm,
             acc, ib, rows, isem, gsem, ssem):
    c = lax.axis_index("c")
    s = lax.axis_index("s")
    r0 = s * RPT
    pltpu.sync_copy(zrow_hbm, rows[0])
    for j in range(RPT // CH):
        pltpu.sync_copy(rows[0], acc.at[pl.ds(r0 + j * CH, CH)])
    plsc.subcore_barrier()
    g0 = (c * NSUB + s) * NCH

    def wait_rows(sem):
        pltpu.make_async_copy(zrow_hbm, rows[0], sem).wait()

    def wait_idx(sem):
        pltpu.make_async_copy(idx2_hbm.at[g0], ib[0], sem).wait()

    for t in range(3):
        pltpu.async_copy(idx2_hbm.at[g0 + t], ib[t], isem[t])
    wait_idx(isem[0])
    pltpu.async_copy(tab_hbm.at[ib[0].at[0]], rows[0], gsem[0])

    def body(b, carry):
        for t in range(4):
            i = 4 * b + t
            p = t % 2

            @pl.when(i > 0)
            def _():
                wait_rows(ssem[1 - p])

            @pl.when(i + 1 < NCH)
            def _():
                wait_idx(isem[(t + 1) % 4])
                pltpu.async_copy(tab_hbm.at[ib[(t + 1) % 4].at[0]],
                                 rows[1 - p], gsem[1 - p])

            @pl.when(i + 3 < NCH)
            def _():
                pltpu.async_copy(idx2_hbm.at[g0 + i + 3], ib[(t + 3) % 4],
                                 isem[(t + 3) % 4])
            wait_rows(gsem[p])
            pltpu.async_copy(rows[p], acc.at[ib[t].at[1]], ssem[p], add=True)
        return carry

    lax.fori_loop(0, NCH // 4, body, 0)
    wait_rows(ssem[1])
    plsc.subcore_barrier()
    for j in range(RPT // CH):
        pltpu.sync_copy(acc.at[pl.ds(r0 + j * CH, CH)], rows[0])
        pltpu.sync_copy(rows[0], out_hbm.at[pl.ds(c * NP + r0 + j * CH, CH)])


@functools.partial(
    pl.kernel, mesh=_mesh,
    out_type=jax.ShapeDtypeStruct((NG * SPAD, D), jnp.float32),
    scratch_types=[
        pltpu.VMEM((SB,), jnp.int32),
        pltpu.VMEM((SB, D), jnp.float32),
        pltpu.SemaphoreType.DMA,
    ])
def _seed_call(seed_hbm, tab_hbm, out_hbm, idx_v, rows_v, sem):
    c = lax.axis_index("c")
    s = lax.axis_index("s")
    w = s * NSC + c
    base = w * 2 * SB
    for j in range(2):
        pltpu.sync_copy(seed_hbm.at[pl.ds(base + j * SB, SB)], idx_v)
        pltpu.async_copy(tab_hbm.at[idx_v], rows_v, sem).wait()
        pltpu.sync_copy(rows_v, out_hbm.at[pl.ds(base + j * SB, SB)])



def _dinv(dg_ref):
    cnt = jnp.sum(dg_ref[0], axis=0)
    return lax.rsqrt(cnt + 1.0)


def _mm1_body(h_ref, w_ref, dg_ref, o_ref):
    dinv = _dinv(dg_ref)
    hw = jnp.dot(h_ref[...], w_ref[...], preferred_element_type=jnp.float32,
                 precision=lax.Precision.HIGHEST)
    o_ref[...] = hw * dinv[:, None]


def _fin1_body(p_ref, hws_ref, h0_ref, dg_ref, w_ref, h1_ref, o2_ref):
    dinv = _dinv(dg_ref)
    agg = (p_ref[...] + hws_ref[...]) * dinv[:, None]
    h1 = jnp.maximum(agg, 0.0) + h0_ref[...]
    h1_ref[...] = h1
    o2_ref[...] = jnp.dot(h1, w_ref[...], preferred_element_type=jnp.float32,
                          precision=lax.Precision.HIGHEST) * dinv[:, None]


def _fin2_body(p_ref, hws_ref, h1_ref, dg_ref, o_ref):
    dinv = _dinv(dg_ref)
    agg = (p_ref[...] + hws_ref[...]) * dinv[:, None]
    o_ref[...] = jnp.maximum(agg, 0.0) + h1_ref[...]


_row_spec = pl.BlockSpec((BLK, D), lambda i: (i, 0))
_w_spec = pl.BlockSpec((D, D), lambda i: (0, 0))
_deg_spec = pl.BlockSpec((1, NSUB, BLK), lambda i: (i // GB, 0, i % GB))
_rows_out = jax.ShapeDtypeStruct((NG * NP, D), jnp.float32)


def _mm1(h0, w0, deg):
    return pl.pallas_call(
        _mm1_body, grid=(NG * GB,),
        in_specs=[_row_spec, _w_spec, _deg_spec],
        out_specs=_row_spec, out_shape=_rows_out)(h0, w0, deg)


def _fin1(p1, hws1, h0, deg, w1):
    return pl.pallas_call(
        _fin1_body, grid=(NG * GB,),
        in_specs=[_row_spec, _row_spec, _row_spec, _deg_spec, _w_spec],
        out_specs=(_row_spec, _row_spec),
        out_shape=(_rows_out, _rows_out))(p1, hws1, h0, deg, w1)


def _fin2(p2, hws2, h1, deg):
    return pl.pallas_call(
        _fin2_body, grid=(NG * GB,),
        in_specs=[_row_spec, _row_spec, _row_spec, _deg_spec],
        out_specs=_row_spec, out_shape=_rows_out)(p2, hws2, h1, deg)



def kernel(sr_ent_seeds, tg_ent_seeds, triples_sr, triples_tg,
           embedding_sr, embedding_tg, edges_sr, edges_tg, W0, W1):
    f32 = jnp.float32
    i32 = jnp.int32

    def prep_edges(edges, goff):
        s0 = edges[:, 0]
        d0 = edges[:, 1]
        pad = N + (jnp.arange(EP - EE, dtype=i32) % (NP - N))
        src = jnp.concatenate([s0, d0, pad]) + goff
        dst = jnp.concatenate([d0, s0, pad])
        return src, dst

    src_a, dst_a = prep_edges(edges_sr, 0)
    src_b, dst_b = prep_edges(edges_tg, NP)
    src_all = jnp.concatenate([src_a, src_b])
    dst_all = jnp.concatenate([dst_a, dst_b])
    idx2 = jnp.stack([src_all.reshape(NG * NSUB * NCH, CH),
                      dst_all.reshape(NG * NSUB * NCH, CH)], axis=1)

    zpad = jnp.zeros((NP - N, D), f32)
    h0 = jnp.concatenate([embedding_sr, zpad, embedding_tg, zpad])
    zhist = jnp.zeros((NP,), f32)
    zrow = jnp.zeros((CH, D), f32)

    deg = _deg_call(dst_all, zhist)
    hws1 = _mm1(h0, W0, deg)
    p1 = _mp_call(idx2, hws1, zrow)
    h1, hws2 = _fin1(p1, hws1, h0, deg, W1)
    p2 = _mp_call(idx2, hws2, zrow)
    h2 = _fin2(p2, hws2, h1, deg)

    spad = jnp.zeros((SPAD - NSEED,), i32)
    seeds = jnp.concatenate([sr_ent_seeds, spad, tg_ent_seeds + NP, spad])
    sg = _seed_call(seeds, h2)

    return (sg[0:NSEED], sg[SPAD:SPAD + NSEED], h2[0:N], h2[NP:NP + N])

# --- scband reference (transcript-rebuilt; emitter-appended) ---
"""Pipeline reference for scband-name-gcn-4956392259829 (READ-ONLY COPY).

The authoritative reference and input builder live on the scoring server;
editing this copy changes nothing except your own understanding.
"""

import jax, jax.numpy as jnp
import numpy as np

N = 10000
E = 320000
D = 128
NUM_SEEDS = 3000


def _gcn(edges, x, Ws):
    # edges: [E, 2] int, x: [N, D] float, Ws: list of [D, D] weight matrices
    num_nodes = x.shape[0]
    src0 = edges[:, 0]
    dst0 = edges[:, 1]
    loop = jnp.arange(num_nodes, dtype=src0.dtype)
    # symmetric adjacency with self-loops
    src = jnp.concatenate([src0, dst0, loop])
    dst = jnp.concatenate([dst0, src0, loop])
    deg = jax.ops.segment_sum(jnp.ones(src.shape[0], dtype=x.dtype), dst, num_segments=num_nodes)
    dinv = jax.lax.rsqrt(jnp.maximum(deg, 1.0))
    norm = dinv[src] * dinv[dst]
    h = x
    for W in Ws:
        hw = h @ W
        msg = jnp.take(hw, src, axis=0) * norm[:, None]
        agg = jax.ops.segment_sum(msg, dst, num_segments=num_nodes)
        h = jax.nn.relu(agg) + h  # residual connection; dropout=0.0 (inference)
    return h


def setup_inputs(seed: int = 0) -> dict:
    key = jax.random.key(seed)
    ks = jax.random.split(key, 10)
    edges_sr = jax.random.randint(ks[0], (E, 2), 0, N, dtype=jnp.int32)
    edges_tg = jax.random.randint(ks[1], (E, 2), 0, N, dtype=jnp.int32)
    embedding_sr = jax.random.normal(ks[2], (N, D), dtype=jnp.float32)
    embedding_tg = jax.random.normal(ks[3], (N, D), dtype=jnp.float32)
    sr_ent_seeds = jax.random.randint(ks[4], (NUM_SEEDS,), 0, N, dtype=jnp.int32)
    tg_ent_seeds = jax.random.randint(ks[5], (NUM_SEEDS,), 0, N, dtype=jnp.int32)
    triples_sr = jax.random.randint(ks[6], (E, 3), 0, N, dtype=jnp.int32)
    triples_tg = jax.random.randint(ks[7], (E, 3), 0, N, dtype=jnp.int32)
    scale = 1.0 / np.sqrt(D)
    W0 = jax.random.normal(ks[8], (D, D), dtype=jnp.float32) * scale
    W1 = jax.random.normal(ks[9], (D, D), dtype=jnp.float32) * scale
    return {
        "sr_ent_seeds": sr_ent_seeds,
        "tg_ent_seeds": tg_ent_seeds,
        "triples_sr": triples_sr,
        "triples_tg": triples_tg,
        "embedding_sr": embedding_sr,
        "embedding_tg": embedding_tg,
        "edges_sr": edges_sr,
        "edges_tg": edges_tg,
        "W0": W0,
        "W1": W1,
    }


def reference(sr_ent_seeds, tg_ent_seeds, triples_sr, triples_tg,
              embedding_sr, embedding_tg, edges_sr, edges_tg, W0, W1):
    # triples_sr / triples_tg are accepted by the original forward but unused
    sr_ent_hid = _gcn(edges_sr, embedding_sr, [W0, W1])
    tg_ent_hid = _gcn(edges_tg, embedding_tg, [W0, W1])
    sr_seed_hid = jnp.take(sr_ent_hid, sr_ent_seeds, axis=0)
    tg_seed_hid = jnp.take(tg_ent_hid, tg_ent_seeds, axis=0)
    return (sr_seed_hid, tg_seed_hid, sr_ent_hid, tg_ent_hid)

if __name__ == "__main__":
    import jax
    _d = setup_inputs()
    print(jax.jit(kernel)(*tuple(_d.values())))

</pallas_src>

<mosaic_0001>
#map = affine_map<(d0, d1) -> (0)>
#map1 = affine_map<(d0, d1) -> (0, 0, 0)>
module attributes {stable_mosaic.version = 14 : i64} {
  func.func @_deg_call(%arg0: i32, %arg1: i32, %arg2: memref<1294336xi32, #tpu.memory_space<hbm>>, %arg3: memref<10240xf32, #tpu.memory_space<hbm>>, %arg4: memref<2x16x10240xf32, #tpu.memory_space<hbm>>, %arg5: memref<40448xi32, #tpu.memory_space<vmem>>, %arg6: memref<10240xf32, #tpu.memory_space<vmem>>) attributes {dimension_semantics = [#tpu.dimension_semantics<core_parallel>, #tpu.dimension_semantics<subcore_parallel>], iteration_bounds = array<i64: 2, 16>, scalar_prefetch = 0 : i64, scratch_operands = 2 : i64, tpu.core_type = #tpu.core_type<sc_vector_subcore>, window_params = [{transform_indices = #map}, {transform_indices = #map}, {transform_indices = #map1}]} {
    "tpu.region"() ({
      %run_scoped3A = tpu.sem_alloc : memref<!tpu.dma_semaphore, #tpu.memory_space<semaphore_mem>>
      tpu.enqueue_dma source(%arg3 : memref<10240xf32, #tpu.memory_space<hbm>>) target(%arg6 : memref<10240xf32, #tpu.memory_space<vmem>>) target_semaphore(%run_scoped3A : memref<!tpu.dma_semaphore, #tpu.memory_space<semaphore_mem>>)
      tpu.wait_dma2 semaphore(%run_scoped3A : memref<!tpu.dma_semaphore, #tpu.memory_space<semaphore_mem>>) src(%arg3 : memref<10240xf32, #tpu.memory_space<hbm>>) dst(%arg6 : memref<10240xf32, #tpu.memory_space<vmem>>)
      tpu.yield
    }) : () -> ()
    %mul3A = arith.constant 647168 : i32
    %mul3A_0 = arith.muli %arg0, %mul3A : i32
    %mul3A_1 = arith.constant 40448 : i32
    %mul3A_2 = arith.muli %arg1, %mul3A_1 : i32
    %add3A = arith.addi %mul3A_0, %mul3A_2 : i32
    "tpu.region"() ({
      %run_scoped3A = tpu.sem_alloc : memref<!tpu.dma_semaphore, #tpu.memory_space<semaphore_mem>>
      %dma_start3A = tpu.memref_slice %arg2[%add3A] : memref<1294336xi32, #tpu.memory_space<hbm>> -> memref<40448xi32, #tpu.memory_space<hbm>>
      %dma_start3A_9 = tpu.memref_slice %arg2[%add3A] : memref<1294336xi32, #tpu.memory_space<hbm>> -> memref<40448xi32, #tpu.memory_space<hbm>>
      tpu.enqueue_dma source(%dma_start3A_9 : memref<40448xi32, #tpu.memory_space<hbm>>) target(%arg5 : memref<40448xi32, #tpu.memory_space<vmem>>) target_semaphore(%run_scoped3A : memref<!tpu.dma_semaphore, #tpu.memory_space<semaphore_mem>>)
      %dma_wait3A = tpu.memref_slice %arg2[%add3A] : memref<1294336xi32, #tpu.memory_space<hbm>> -> memref<40448xi32, #tpu.memory_space<hbm>>
      %dma_wait3A_10 = tpu.memref_slice %arg2[%add3A] : memref<1294336xi32, #tpu.memory_space<hbm>> -> memref<40448xi32, #tpu.memory_space<hbm>>
      tpu.wait_dma2 semaphore(%run_scoped3A : memref<!tpu.dma_semaphore, #tpu.memory_space<semaphore_mem>>) src(%dma_wait3A_10 : memref<40448xi32, #tpu.memory_space<hbm>>) dst(%arg5 : memref<40448xi32, #tpu.memory_space<vmem>>)
      tpu.yield
    }) : () -> ()
    %broadcast_in_dim3A = arith.constant 1.000000e+00 : f32
    %broadcast_in_dim3A_3 = vector.broadcast %broadcast_in_dim3A : f32 to vector<16xf32>
    %scan3A = arith.constant 0 : i32
    %scan3A_4 = arith.constant 0 : i32
    %scan3A_5 = arith.constant 316 : i32
    %scan3A_6 = arith.addi %scan3A_4, %scan3A_5 : i32
    %scan3A_7 = arith.constant 1 : i32
    scf.for %scan3A_9 = %scan3A_4 to %scan3A_6 step %scan3A_7  : i32 {
      %mul3A_10 = arith.constant 128 : i32
      %mul3A_11 = arith.muli %scan3A_9, %mul3A_10 : i32
      %add3A_12 = arith.constant 0 : i32
      %add3A_13 = arith.addi %mul3A_11, %add3A_12 : i32
      %get3A = arith.index_cast %add3A_13 : i32 to index
      %get3A_14 = tpu.vector_load %arg5[%get3A] {strides = array<i32>} : memref<40448xi32, #tpu.memory_space<vmem>>, vector<16xi32>,
      tpu.vector_store_idx %arg6[%get3A_14], %broadcast_in_dim3A_3 {add = true} : memref<10240xf32, #tpu.memory_space<vmem>>[vector<16xi32>], vector<16xf32>,
      %add3A_15 = arith.constant 16 : i32
      %add3A_16 = arith.addi %mul3A_11, %add3A_15 : i32
      %get3A_17 = arith.index_cast %add3A_16 : i32 to index
      %get3A_18 = tpu.vector_load %arg5[%get3A_17] {strides = array<i32>} : memref<40448xi32, #tpu.memory_space<vmem>>, vector<16xi32>,
      tpu.vector_store_idx %arg6[%get3A_18], %broadcast_in_dim3A_3 {add = true} : memref<10240xf32, #tpu.memory_space<vmem>>[vector<16xi32>], vector<16xf32>,
      %add3A_19 = arith.constant 32 : i32
      %add3A_20 = arith.addi %mul3A_11, %add3A_19 : i32
      %get3A_21 = arith.index_cast %add3A_20 : i32 to index
      %get3A_22 = tpu.vector_load %arg5[%get3A_21] {strides = array<i32>} : memref<40448xi32, #tpu.memory_space<vmem>>, vector<16xi32>,
      tpu.vector_store_idx %arg6[%get3A_22], %broadcast_in_dim3A_3 {add = true} : memref<10240xf32, #tpu.memory_space<vmem>>[vector<16xi32>], vector<16xf32>,
      %add3A_23 = arith.constant 48 : i32
      %add3A_24 = arith.addi %mul3A_11, %add3A_23 : i32
      %get3A_25 = arith.index_cast %add3A_24 : i32 to index
      %get3A_26 = tpu.vector_load %arg5[%get3A_25] {strides = array<i32>} : memref<40448xi32, #tpu.memory_space<vmem>>, vector<16xi32>,
      tpu.vector_store_idx %arg6[%get3A_26], %broadcast_in_dim3A_3 {add = true} : memref<10240xf32, #tpu.memory_space<vmem>>[vector<16xi32>], vector<16xf32>,
      %add3A_27 = arith.constant 64 : i32
      %add3A_28 = arith.addi %mul3A_11, %add3A_27 : i32
      %get3A_29 = arith.index_cast %add3A_28 : i32 to index
      %get3A_30 = tpu.vector_load %arg5[%get3A_29] {strides = array<i32>} : memref<40448xi32, #tpu.memory_space<vmem>>, vector<16xi32>,
      tpu.vector_store_idx %arg6[%get3A_30], %broadcast_in_dim3A_3 {add = true} : memref<10240xf32, #tpu.memory_space<vmem>>[vector<16xi32>], vector<16xf32>,
      %add3A_31 = arith.constant 80 : i32
      %add3A_32 = arith.addi %mul3A_11, %add3A_31 : i32
      %get3A_33 = arith.index_cast %add3A_32 : i32 to index
      %get3A_34 = tpu.vector_load %arg5[%get3A_33] {strides = array<i32>} : memref<40448xi32, #tpu.memory_space<vmem>>, vector<16xi32>,
      tpu.vector_store_idx %arg6[%get3A_34], %broadcast_in_dim3A_3 {add = true} : memref<10240xf32, #tpu.memory_space<vmem>>[vector<16xi32>], vector<16xf32>,
      %add3A_35 = arith.constant 96 : i32
      %add3A_36 = arith.addi %mul3A_11, %add3A_35 : i32
      %get3A_37 = arith.index_cast %add3A_36 : i32 to index
      %get3A_38 = tpu.vector_load %arg5[%get3A_37] {strides = array<i32>} : memref<40448xi32, #tpu.memory_space<vmem>>, vector<16xi32>,
      tpu.vector_store_idx %arg6[%get3A_38], %broadcast_in_dim3A_3 {add = true} : memref<10240xf32, #tpu.memory_space<vmem>>[vector<16xi32>], vector<16xf32>,
      %add3A_39 = arith.constant 112 : i32
      %add3A_40 = arith.addi %mul3A_11, %add3A_39 : i32
      %get3A_41 = arith.index_cast %add3A_40 : i32 to index
      %get3A_42 = tpu.vector_load %arg5[%get3A_41] {strides = array<i32>} : memref<40448xi32, #tpu.memory_space<vmem>>, vector<16xi32>,
      tpu.vector_store_idx %arg6[%get3A_42], %broadcast_in_dim3A_3 {add = true} : memref<10240xf32, #tpu.memory_space<vmem>>[vector<16xi32>], vector<16xf32>,
    }
    %scan3A_8 = arith.constant 316 : i32
    "tpu.region"() ({
      %run_scoped3A = tpu.sem_alloc : memref<!tpu.dma_semaphore, #tpu.memory_space<semaphore_mem>>
      %dma_start3A = arith.constant 0 : i32
      %dma_start3A_9 = tpu.memref_slice %arg4[%arg0, %arg1, %dma_start3A] : memref<2x16x10240xf32, #tpu.memory_space<hbm>> -> memref<1x1x10240xf32, #tpu.memory_space<hbm>>
      %dma_start3A_10 = tpu.memref_squeeze %dma_start3A_9 : memref<1x1x10240xf32, #tpu.memory_space<hbm>> -> memref<10240xf32, #tpu.memory_space<hbm>>
      %dma_start3A_11 = arith.constant 0 : i32
      %dma_start3A_12 = tpu.memref_slice %arg4[%arg0, %arg1, %dma_start3A_11] : memref<2x16x10240xf32, #tpu.memory_space<hbm>> -> memref<1x1x10240xf32, #tpu.memory_space<hbm>>
      %dma_start3A_13 = tpu.memref_squeeze %dma_start3A_12 : memref<1x1x10240xf32, #tpu.memory_space<hbm>> -> memref<10240xf32, #tpu.memory_space<hbm>>
      tpu.enqueue_dma source(%arg6 : memref<10240xf32, #tpu.memory_space<vmem>>) target(%dma_start3A_13 : memref<10240xf32, #tpu.memory_space<hbm>>) target_semaphore(%run_scoped3A : memref<!tpu.dma_semaphore, #tpu.memory_space<semaphore_mem>>)
      %dma_wait3A = arith.constant 0 : i32
      %dma_wait3A_14 = tpu.memref_slice %arg4[%arg0, %arg1, %dma_wait3A] : memref<2x16x10240xf32, #tpu.memory_space<hbm>> -> memref<1x1x10240xf32, #tpu.memory_space<hbm>>
      %dma_wait3A_15 = tpu.memref_squeeze %dma_wait3A_14 : memref<1x1x10240xf32, #tpu.memory_space<hbm>> -> memref<10240xf32, #tpu.memory_space<hbm>>
      %dma_wait3A_16 = arith.constant 0 : i32
      %dma_wait3A_17 = tpu.memref_slice %arg4[%arg0, %arg1, %dma_wait3A_16] : memref<2x16x10240xf32, #tpu.memory_space<hbm>> -> memref<1x1x10240xf32, #tpu.memory_space<hbm>>
      %dma_wait3A_18 = tpu.memref_squeeze %dma_wait3A_17 : memref<1x1x10240xf32, #tpu.memory_space<hbm>> -> memref<10240xf32, #tpu.memory_space<hbm>>
      tpu.wait_dma2 semaphore(%run_scoped3A : memref<!tpu.dma_semaphore, #tpu.memory_space<semaphore_mem>>) src(%arg6 : memref<10240xf32, #tpu.memory_space<vmem>>) dst(%dma_wait3A_18 : memref<10240xf32, #tpu.memory_space<hbm>>)
      tpu.yield
    }) : () -> ()
    return
  }
}

#map = affine_map<(d0, d1) -> (0, 0, 0)>
#map1 = affine_map<(d0, d1) -> (0, 0)>
module attributes {stable_mosaic.version = 14 : i64} {
  func.func @_mp_call(%arg0: i32, %arg1: i32, %arg2: memref<10112x2x128xi32, #tpu.memory_space<hbm>>, %arg3: memref<20480x128xf32, #tpu.memory_space<hbm>>, %arg4: memref<128x128xf32, #tpu.memory_space<hbm>>, %arg5: memref<20480x128xf32, #tpu.memory_space<hbm>>, %arg6: memref<10240x128xf32, #tpu.memory_space<vmem_shared>>, %arg7: memref<2x128xi32, #tpu.memory_space<vmem>>, %arg8: memref<2x128xi32, #tpu.memory_space<vmem>>, %arg9: memref<2x128xi32, #tpu.memory_space<vmem>>, %arg10: memref<2x128xi32, #tpu.memory_space<vmem>>, %arg11: memref<128x128xf32, #tpu.memory_space<vmem>>, %arg12: memref<128x128xf32, #tpu.memory_space<vmem>>, %arg13: memref<!tpu.dma_semaphore, #tpu.memory_space<semaphore_mem>>, %arg14: memref<!tpu.dma_semaphore, #tpu.memory_space<semaphore_mem>>, %arg15: memref<!tpu.dma_semaphore, #tpu.memory_space<semaphore_mem>>, %arg16: memref<!tpu.dma_semaphore, #tpu.memory_space<semaphore_mem>>, %arg17: memref<!tpu.dma_semaphore, #tpu.memory_space<semaphore_mem>>, %arg18: memref<!tpu.dma_semaphore, #tpu.memory_space<semaphore_mem>>, %arg19: memref<!tpu.dma_semaphore, #tpu.memory_space<semaphore_mem>>, %arg20: memref<!tpu.dma_semaphore, #tpu.memory_space<semaphore_mem>>) attributes {dimension_semantics = [#tpu.dimension_semantics<core_parallel>, #tpu.dimension_semantics<subcore_parallel>], iteration_bounds = array<i64: 2, 16>, scalar_prefetch = 0 : i64, scratch_operands = 15 : i64, tpu.core_type = #tpu.core_type<sc_vector_subcore>, window_params = [{transform_indices = #map}, {transform_indices = #map1}, {transform_indices = #map1}, {transform_indices = #map1}]} {
    %mul3A = arith.constant 640 : i32
    %mul3A_0 = arith.muli %arg1, %mul3A : i32
    "tpu.region"() ({
      %run_scoped3A = tpu.sem_alloc : memref<!tpu.dma_semaphore, #tpu.memory_space<semaphore_mem>>
      tpu.enqueue_dma source(%arg4 : memref<128x128xf32, #tpu.memory_space<hbm>>) target(%arg11 : memref<128x128xf32, #tpu.memory_space<vmem>>) target_semaphore(%run_scoped3A : memref<!tpu.dma_semaphore, #tpu.memory_space<semaphore_mem>>)
      tpu.wait_dma2 semaphore(%run_scoped3A : memref<!tpu.dma_semaphore, #tpu.memory_space<semaphore_mem>>) src(%arg4 : memref<128x128xf32, #tpu.memory_space<hbm>>) dst(%arg11 : memref<128x128xf32, #tpu.memory_space<vmem>>)
      tpu.yield
    }) : () -> ()
    %add3A = arith.constant 0 : i32
    %add3A_1 = arith.addi %mul3A_0, %add3A : i32
    "tpu.region"() ({
      %run_scoped3A = tpu.sem_alloc : memref<!tpu.dma_semaphore, #tpu.memory_space<semaphore_mem>>
      %dma_start3A_99 = arith.constant 0 : i32
      %dma_start3A_100 = tpu.memref_slice %arg6[%add3A_1, %dma_start3A_99] : memref<10240x128xf32, #tpu.memory_space<vmem_shared>> -> memref<128x128xf32, #tpu.memory_space<vmem_shared>>
      %dma_start3A_101 = arith.constant 0 : i32
      %dma_start3A_102 = tpu.memref_slice %arg6[%add3A_1, %dma_start3A_101] : memref<10240x128xf32, #tpu.memory_space<vmem_shared>> -> memref<128x128xf32, #tpu.memory_space<vmem_shared>>
      tpu.enqueue_dma source(%arg11 : memref<128x128xf32, #tpu.memory_space<vmem>>) target(%dma_start3A_102 : memref<128x128xf32, #tpu.memory_space<vmem_shared>>) target_semaphore(%run_scoped3A : memref<!tpu.dma_semaphore, #tpu.memory_space<semaphore_mem>>)
      %dma_wait3A_103 = arith.constant 0 : i32
      %dma_wait3A_104 = tpu.memref_slice %arg6[%add3A_1, %dma_wait3A_103] : memref<10240x128xf32, #tpu.memory_space<vmem_shared>> -> memref<128x128xf32, #tpu.memory_space<vmem_shared>>
      %dma_wait3A_105 = arith.constant 0 : i32
      %dma_wait3A_106 = tpu.memref_slice %arg6[%add3A_1, %dma_wait3A_105] : memref<10240x128xf32, #tpu.memory_space<vmem_shared>> -> memref<128x128xf32, #tpu.memory_space<vmem_shared>>
      tpu.wait_dma2 semaphore(%run_scoped3A : memref<!tpu.dma_semaphore, #tpu.memory_space<semaphore_mem>>) src(%arg11 : memref<128x128xf32, #tpu.memory_space<vmem>>) dst(%dma_wait3A_106 : memref<128x128xf32, #tpu.memory_space<vmem_shared>>)
      tpu.yield
    }) : () -> ()
    %add3A_2 = arith.constant 128 : i32
    %add3A_3 = arith.addi %mul3A_0, %add3A_2 : i32
    "tpu.region"() ({
      %run_scoped3A = tpu.sem_alloc : memref<!tpu.dma_semaphore, #tpu.memory_space<semaphore_mem>>
      %dma_start3A_99 = arith.constant 0 : i32
      %dma_start3A_100 = tpu.memref_slice %arg6[%add3A_3, %dma_start3A_99] : memref<10240x128xf32, #tpu.memory_space<vmem_shared>> -> memref<128x128xf32, #tpu.memory_space<vmem_shared>>
      %dma_start3A_101 = arith.constant 0 : i32
      %dma_start3A_102 = tpu.memref_slice %arg6[%add3A_3, %dma_start3A_101] : memref<10240x128xf32, #tpu.memory_space<vmem_shared>> -> memref<128x128xf32, #tpu.memory_space<vmem_shared>>
      tpu.enqueue_dma source(%arg11 : memref<128x128xf32, #tpu.memory_space<vmem>>) target(%dma_start3A_102 : memref<128x128xf32, #tpu.memory_space<vmem_shared>>) target_semaphore(%run_scoped3A : memref<!tpu.dma_semaphore, #tpu.memory_space<semaphore_mem>>)
      %dma_wait3A_103 = arith.constant 0 : i32
      %dma_wait3A_104 = tpu.memref_slice %arg6[%add3A_3, %dma_wait3A_103] : memref<10240x128xf32, #tpu.memory_space<vmem_shared>> -> memref<128x128xf32, #tpu.memory_space<vmem_shared>>
      %dma_wait3A_105 = arith.constant 0 : i32
      %dma_wait3A_106 = tpu.memref_slice %arg6[%add3A_3, %dma_wait3A_105] : memref<10240x128xf32, #tpu.memory_space<vmem_shared>> -> memref<128x128xf32, #tpu.memory_space<vmem_shared>>
      tpu.wait_dma2 semaphore(%run_scoped3A : memref<!tpu.dma_semaphore, #tpu.memory_space<semaphore_mem>>) src(%arg11 : memref<128x128xf32, #tpu.memory_space<vmem>>) dst(%dma_wait3A_106 : memref<128x128xf32, #tpu.memory_space<vmem_shared>>)
      tpu.yield
    }) : () -> ()
    %add3A_4 = arith.constant 256 : i32
    %add3A_5 = arith.addi %mul3A_0, %add3A_4 : i32
    "tpu.region"() ({
      %run_scoped3A = tpu.sem_alloc : memref<!tpu.dma_semaphore, #tpu.memory_space<semaphore_mem>>
      %dma_start3A_99 = arith.constant 0 : i32
      %dma_start3A_100 = tpu.memref_slice %arg6[%add3A_5, %dma_start3A_99] : memref<10240x128xf32, #tpu.memory_space<vmem_shared>> -> memref<128x128xf32, #tpu.memory_space<vmem_shared>>
      %dma_start3A_101 = arith.constant 0 : i32
      %dma_start3A_102 = tpu.memref_slice %arg6[%add3A_5, %dma_start3A_101] : memref<10240x128xf32, #tpu.memory_space<vmem_shared>> -> memref<128x128xf32, #tpu.memory_space<vmem_shared>>
      tpu.enqueue_dma source(%arg11 : memref<128x128xf32, #tpu.memory_space<vmem>>) target(%dma_start3A_102 : memref<128x128xf32, #tpu.memory_space<vmem_shared>>) target_semaphore(%run_scoped3A : memref<!tpu.dma_semaphore, #tpu.memory_space<semaphore_mem>>)
      %dma_wait3A_103 = arith.constant 0 : i32
      %dma_wait3A_104 = tpu.memref_slice %arg6[%add3A_5, %dma_wait3A_103] : memref<10240x128xf32, #tpu.memory_space<vmem_shared>> -> memref<128x128xf32, #tpu.memory_space<vmem_shared>>
      %dma_wait3A_105 = arith.constant 0 : i32
      %dma_wait3A_106 = tpu.memref_slice %arg6[%add3A_5, %dma_wait3A_105] : memref<10240x128xf32, #tpu.memory_space<vmem_shared>> -> memref<128x128xf32, #tpu.memory_space<vmem_shared>>
      tpu.wait_dma2 semaphore(%run_scoped3A : memref<!tpu.dma_semaphore, #tpu.memory_space<semaphore_mem>>) src(%arg11 : memref<128x128xf32, #tpu.memory_space<vmem>>) dst(%dma_wait3A_106 : memref<128x128xf32, #tpu.memory_space<vmem_shared>>)
      tpu.yield
    }) : () -> ()
    %add3A_6 = arith.constant 384 : i32
    %add3A_7 = arith.addi %mul3A_0, %add3A_6 : i32
    "tpu.region"() ({
      %run_scoped3A = tpu.sem_alloc : memref<!tpu.dma_semaphore, #tpu.memory_space<semaphore_mem>>
      %dma_start3A_99 = arith.constant 0 : i32
      %dma_start3A_100 = tpu.memref_slice %arg6[%add3A_7, %dma_start3A_99] : memref<10240x128xf32, #tpu.memory_space<vmem_shared>> -> memref<128x128xf32, #tpu.memory_space<vmem_shared>>
      %dma_start3A_101 = arith.constant 0 : i32
      %dma_start3A_102 = tpu.memref_slice %arg6[%add3A_7, %dma_start3A_101] : memref<10240x128xf32, #tpu.memory_space<vmem_shared>> -> memref<128x128xf32, #tpu.memory_space<vmem_shared>>
      tpu.enqueue_dma source(%arg11 : memref<128x128xf32, #tpu.memory_space<vmem>>) target(%dma_start3A_102 : memref<128x128xf32, #tpu.memory_space<vmem_shared>>) target_semaphore(%run_scoped3A : memref<!tpu.dma_semaphore, #tpu.memory_space<semaphore_mem>>)
      %dma_wait3A_103 = arith.constant 0 : i32
      %dma_wait3A_104 = tpu.memref_slice %arg6[%add3A_7, %dma_wait3A_103] : memref<10240x128xf32, #tpu.memory_space<vmem_shared>> -> memref<128x128xf32, #tpu.memory_space<vmem_shared>>
      %dma_wait3A_105 = arith.constant 0 : i32
      %dma_wait3A_106 = tpu.memref_slice %arg6[%add3A_7, %dma_wait3A_105] : memref<10240x128xf32, #tpu.memory_space<vmem_shared>> -> memref<128x128xf32, #tpu.memory_space<vmem_shared>>
      tpu.wait_dma2 semaphore(%run_scoped3A : memref<!tpu.dma_semaphore, #tpu.memory_space<semaphore_mem>>) src(%arg11 : memref<128x128xf32, #tpu.memory_space<vmem>>) dst(%dma_wait3A_106 : memref<128x128xf32, #tpu.memory_space<vmem_shared>>)
      tpu.yield
    }) : () -> ()
    %add3A_8 = arith.constant 512 : i32
    %add3A_9 = arith.addi %mul3A_0, %add3A_8 : i32
    "tpu.region"() ({
      %run_scoped3A = tpu.sem_alloc : memref<!tpu.dma_semaphore, #tpu.memory_space<semaphore_mem>>
      %dma_start3A_99 = arith.constant 0 : i32
      %dma_start3A_100 = tpu.memref_slice %arg6[%add3A_9, %dma_start3A_99] : memref<10240x128xf32, #tpu.memory_space<vmem_shared>> -> memref<128x128xf32, #tpu.memory_space<vmem_shared>>
      %dma_start3A_101 = arith.constant 0 : i32
      %dma_start3A_102 = tpu.memref_slice %arg6[%add3A_9, %dma_start3A_101] : memref<10240x128xf32, #tpu.memory_space<vmem_shared>> -> memref<128x128xf32, #tpu.memory_space<vmem_shared>>
      tpu.enqueue_dma source(%arg11 : memref<128x128xf32, #tpu.memory_space<vmem>>) target(%dma_start3A_102 : memref<128x128xf32, #tpu.memory_space<vmem_shared>>) target_semaphore(%run_scoped3A : memref<!tpu.dma_semaphore, #tpu.memory_space<semaphore_mem>>)
      %dma_wait3A_103 = arith.constant 0 : i32
      %dma_wait3A_104 = tpu.memref_slice %arg6[%add3A_9, %dma_wait3A_103] : memref<10240x128xf32, #tpu.memory_space<vmem_shared>> -> memref<128x128xf32, #tpu.memory_space<vmem_shared>>
      %dma_wait3A_105 = arith.constant 0 : i32
      %dma_wait3A_106 = tpu.memref_slice %arg6[%add3A_9, %dma_wait3A_105] : memref<10240x128xf32, #tpu.memory_space<vmem_shared>> -> memref<128x128xf32, #tpu.memory_space<vmem_shared>>
      tpu.wait_dma2 semaphore(%run_scoped3A : memref<!tpu.dma_semaphore, #tpu.memory_space<semaphore_mem>>) src(%arg11 : memref<128x128xf32, #tpu.memory_space<vmem>>) dst(%dma_wait3A_106 : memref<128x128xf32, #tpu.memory_space<vmem_shared>>)
      tpu.yield
    }) : () -> ()
    %barrier3A = arith.constant 0 : index
    tpu.barrier barrier_id(%barrier3A)
    %mul3A_10 = arith.constant 16 : i32
    %mul3A_11 = arith.muli %arg0, %mul3A_10 : i32
    %add3A_12 = arith.addi %mul3A_11, %arg1 : i32
    %mul3A_13 = arith.constant 316 : i32
    %mul3A_14 = arith.muli %add3A_12, %mul3A_13 : i32
    %add3A_15 = arith.constant 0 : i32
    %add3A_16 = arith.addi %mul3A_14, %add3A_15 : i32
    %dma_start3A = arith.constant 0 : i32
    %dma_start3A_17 = arith.constant 0 : i32
    %dma_start3A_18 = tpu.memref_slice %arg2[%add3A_16, %dma_start3A, %dma_start3A_17] : memref<10112x2x128xi32, #tpu.memory_space<hbm>> -> memref<1x2x128xi32, #tpu.memory_space<hbm>>
    %dma_start3A_19 = tpu.memref_squeeze %dma_start3A_18 : memref<1x2x128xi32, #tpu.memory_space<hbm>> -> memref<2x128xi32, #tpu.memory_space<hbm>>
    %dma_start3A_20 = arith.constant 0 : i32
    %dma_start3A_21 = arith.constant 0 : i32
    %dma_start3A_22 = tpu.memref_slice %arg2[%add3A_16, %dma_start3A_20, %dma_start3A_21] : memref<10112x2x128xi32, #tpu.memory_space<hbm>> -> memref<1x2x128xi32, #tpu.memory_space<hbm>>
    %dma_start3A_23 = tpu.memref_squeeze %dma_start3A_22 : memref<1x2x128xi32, #tpu.memory_space<hbm>> -> memref<2x128xi32, #tpu.memory_space<hbm>>
    tpu.enqueue_dma source(%dma_start3A_23 : memref<2x128xi32, #tpu.memory_space<hbm>>) target(%arg7 : memref<2x128xi32, #tpu.memory_space<vmem>>) target_semaphore(%arg13 : memref<!tpu.dma_semaphore, #tpu.memory_space<semaphore_mem>>)
    %add3A_24 = arith.constant 1 : i32
    %add3A_25 = arith.addi %mul3A_14, %add3A_24 : i32
    %dma_start3A_26 = arith.constant 0 : i32
    %dma_start3A_27 = arith.constant 0 : i32
    %dma_start3A_28 = tpu.memref_slice %arg2[%add3A_25, %dma_start3A_26, %dma_start3A_27] : memref<10112x2x128xi32, #tpu.memory_space<hbm>> -> memref<1x2x128xi32, #tpu.memory_space<hbm>>
    %dma_start3A_29 = tpu.memref_squeeze %dma_start3A_28 : memref<1x2x128xi32, #tpu.memory_space<hbm>> -> memref<2x128xi32, #tpu.memory_space<hbm>>
    %dma_start3A_30 = arith.constant 0 : i32
    %dma_start3A_31 = arith.constant 0 : i32
    %dma_start3A_32 = tpu.memref_slice %arg2[%add3A_25, %dma_start3A_30, %dma_start3A_31] : memref<10112x2x128xi32, #tpu.memory_space<hbm>> -> memref<1x2x128xi32, #tpu.memory_space<hbm>>
    %dma_start3A_33 = tpu.memref_squeeze %dma_start3A_32 : memref<1x2x128xi32, #tpu.memory_space<hbm>> -> memref<2x128xi32, #tpu.memory_space<hbm>>
    tpu.enqueue_dma source(%dma_start3A_33 : memref<2x128xi32, #tpu.memory_space<hbm>>) target(%arg8 : memref<2x128xi32, #tpu.memory_space<vmem>>) target_semaphore(%arg14 : memref<!tpu.dma_semaphore, #tpu.memory_space<semaphore_mem>>)
    %add3A_34 = arith.constant 2 : i32
    %add3A_35 = arith.addi %mul3A_14, %add3A_34 : i32
    %dma_start3A_36 = arith.constant 0 : i32
    %dma_start3A_37 = arith.constant 0 : i32
    %dma_start3A_38 = tpu.memref_slice %arg2[%add3A_35, %dma_start3A_36, %dma_start3A_37] : memref<10112x2x128xi32, #tpu.memory_space<hbm>> -> memref<1x2x128xi32, #tpu.memory_space<hbm>>
    %dma_start3A_39 = tpu.memref_squeeze %dma_start3A_38 : memref<1x2x128xi32, #tpu.memory_space<hbm>> -> memref<2x128xi32, #tpu.memory_space<hbm>>
    %dma_start3A_40 = arith.constant 0 : i32
    %dma_start3A_41 = arith.constant 0 : i32
    %dma_start3A_42 = tpu.memref_slice %arg2[%add3A_35, %dma_start3A_40, %dma_start3A_41] : memref<10112x2x128xi32, #tpu.memory_space<hbm>> -> memref<1x2x128xi32, #tpu.memory_space<hbm>>
    %dma_start3A_43 = tpu.memref_squeeze %dma_start3A_42 : memref<1x2x128xi32, #tpu.memory_space<hbm>> -> memref<2x128xi32, #tpu.memory_space<hbm>>
    tpu.enqueue_dma source(%dma_start3A_43 : memref<2x128xi32, #tpu.memory_space<hbm>>) target(%arg9 : memref<2x128xi32, #tpu.memory_space<vmem>>) target_semaphore(%arg15 : memref<!tpu.dma_semaphore, #tpu.memory_space<semaphore_mem>>)
    %dma_wait3A = arith.constant 0 : i32
    %dma_wait3A_44 = arith.constant 0 : i32
    %dma_wait3A_45 = tpu.memref_slice %arg2[%mul3A_14, %dma_wait3A, %dma_wait3A_44] : memref<10112x2x128xi32, #tpu.memory_space<hbm>> -> memref<1x2x128xi32, #tpu.memory_space<hbm>>
    %dma_wait3A_46 = tpu.memref_squeeze %dma_wait3A_45 : memref<1x2x128xi32, #tpu.memory_space<hbm>> -> memref<2x128xi32, #tpu.memory_space<hbm>>
    %dma_wait3A_47 = arith.constant 0 : i32
    %dma_wait3A_48 = arith.constant 0 : i32
    %dma_wait3A_49 = tpu.memref_slice %arg2[%mul3A_14, %dma_wait3A_47, %dma_wait3A_48] : memref<10112x2x128xi32, #tpu.memory_space<hbm>> -> memref<1x2x128xi32, #tpu.memory_space<hbm>>
    %dma_wait3A_50 = tpu.memref_squeeze %dma_wait3A_49 : memref<1x2x128xi32, #tpu.memory_space<hbm>> -> memref<2x128xi32, #tpu.memory_space<hbm>>
    tpu.wait_dma2 semaphore(%arg13 : memref<!tpu.dma_semaphore, #tpu.memory_space<semaphore_mem>>) src(%dma_wait3A_50 : memref<2x128xi32, #tpu.memory_space<hbm>>) dst(%arg7 : memref<2x128xi32, #tpu.memory_space<vmem>>)
    %dma_start3A_51 = arith.constant 0 : i32
    %dma_start3A_52 = arith.constant 0 : i32
    %dma_start3A_53 = tpu.memref_slice %arg7[%dma_start3A_51, %dma_start3A_52] : memref<2x128xi32, #tpu.memory_space<vmem>> -> memref<1x128xi32, #tpu.memory_space<vmem>>
    %dma_start3A_54 = tpu.memref_squeeze %dma_start3A_53 : memref<1x128xi32, #tpu.memory_space<vmem>> -> memref<128xi32, #tpu.memory_space<vmem>>
    %dma_start3A_55 = arith.constant 0 : i32
    %dma_start3A_56 = arith.constant 0 : i32
    %dma_start3A_57 = tpu.memref_slice %arg3[%dma_start3A_55, %dma_start3A_56] : memref<20480x128xf32, #tpu.memory_space<hbm>> -> memref<20480x128xf32, #tpu.memory_space<hbm>>
    tpu.enqueue_indirect_dma source(%dma_start3A_57 : memref<20480x128xf32, #tpu.memory_space<hbm>>) target(%arg11 : memref<128x128xf32, #tpu.memory_space<vmem>>) offsets(%dma_start3A_54 : memref<128xi32, #tpu.memory_space<vmem>>) semaphore(%arg17 : memref<!tpu.dma_semaphore, #tpu.memory_space<semaphore_mem>>)
    %scan3A = arith.constant 0 : i32
    %scan3A_58 = arith.constant 0 : i32
    %scan3A_59 = arith.constant 79 : i32
    %scan3A_60 = arith.addi %scan3A_58, %scan3A_59 : i32
    %scan3A_61 = arith.constant 1 : i32
    scf.for %scan3A_99 = %scan3A_58 to %scan3A_60 step %scan3A_61  : i32 {
      %mul3A_100 = arith.constant 4 : i32
      %mul3A_101 = arith.muli %mul3A_100, %scan3A_99 : i32
      %add3A_102 = arith.constant 0 : i32
      %add3A_103 = arith.addi %mul3A_101, %add3A_102 : i32
      %gt3A = arith.constant 0 : i32
      %gt3A_104 = arith.cmpi sgt, %add3A_103, %gt3A : i32
      %convert_element_type3A = arith.extui %gt3A_104 : i1 to i32
      %cond3A = arith.constant 0 : i32
      %cond3A_105 = arith.cmpi ne, %convert_element_type3A, %cond3A : i32
      scf.if %cond3A_105 {
        tpu.wait_dma2 semaphore(%arg20 : memref<!tpu.dma_semaphore, #tpu.memory_space<semaphore_mem>>) src(%arg4 : memref<128x128xf32, #tpu.memory_space<hbm>>) dst(%arg11 : memref<128x128xf32, #tpu.memory_space<vmem>>)
      } else {
      }
      %add3A_106 = arith.constant 1 : i32
      %add3A_107 = arith.addi %add3A_103, %add3A_106 : i32
      %lt3A = arith.constant 316 : i32
      %lt3A_108 = arith.cmpi slt, %add3A_107, %lt3A : i32
      %convert_element_type3A_109 = arith.extui %lt3A_108 : i1 to i32
      %cond3A_110 = arith.constant 0 : i32
      %cond3A_111 = arith.cmpi ne, %convert_element_type3A_109, %cond3A_110 : i32
      scf.if %cond3A_111 {
        %dma_wait3A_216 = arith.constant 0 : i32
        %dma_wait3A_217 = arith.constant 0 : i32
        %dma_wait3A_218 = tpu.memref_slice %arg2[%mul3A_14, %dma_wait3A_216, %dma_wait3A_217] : memref<10112x2x128xi32, #tpu.memory_space<hbm>> -> memref<1x2x128xi32, #tpu.memory_space<hbm>>
        %dma_wait3A_219 = tpu.memref_squeeze %dma_wait3A_218 : memref<1x2x128xi32, #tpu.memory_space<hbm>> -> memref<2x128xi32, #tpu.memory_space<hbm>>
        %dma_wait3A_220 = arith.constant 0 : i32
        %dma_wait3A_221 = arith.constant 0 : i32
        %dma_wait3A_222 = tpu.memref_slice %arg2[%mul3A_14, %dma_wait3A_220, %dma_wait3A_221] : memref<10112x2x128xi32, #tpu.memory_space<hbm>> -> memref<1x2x128xi32, #tpu.memory_space<hbm>>
        %dma_wait3A_223 = tpu.memref_squeeze %dma_wait3A_222 : memref<1x2x128xi32, #tpu.memory_space<hbm>> -> memref<2x128xi32, #tpu.memory_space<hbm>>
        tpu.wait_dma2 semaphore(%arg14 : memref<!tpu.dma_semaphore, #tpu.memory_space<semaphore_mem>>) src(%dma_wait3A_223 : memref<2x128xi32, #tpu.memory_space<hbm>>) dst(%arg7 : memref<2x128xi32, #tpu.memory_space<vmem>>)
        %dma_start3A_224 = arith.constant 0 : i32
        %dma_start3A_225 = arith.constant 0 : i32
        %dma_start3A_226 = tpu.memref_slice %arg8[%dma_start3A_224, %dma_start3A_225] : memref<2x128xi32, #tpu.memory_space<vmem>> -> memref<1x128xi32, #tpu.memory_space<vmem>>
        %dma_start3A_227 = tpu.memref_squeeze %dma_start3A_226 : memref<1x128xi32, #tpu.memory_space<vmem>> -> memref<128xi32, #tpu.memory_space<vmem>>
        %dma_start3A_228 = arith.constant 0 : i32
        %dma_start3A_229 = arith.constant 0 : i32
        %dma_start3A_230 = tpu.memref_slice %arg3[%dma_start3A_228, %dma_start3A_229] : memref<20480x128xf32, #tpu.memory_space<hbm>> -> memref<20480x128xf32, #tpu.memory_space<hbm>>
        tpu.enqueue_indirect_dma source(%dma_start3A_230 : memref<20480x128xf32, #tpu.memory_space<hbm>>) target(%arg12 : memref<128x128xf32, #tpu.memory_space<vmem>>) offsets(%dma_start3A_227 : memref<128xi32, #tpu.memory_space<vmem>>) semaphore(%arg18 : memref<!tpu.dma_semaphore, #tpu.memory_space<semaphore_mem>>)
      } else {
      }
      %add3A_112 = arith.constant 3 : i32
      %add3A_113 = arith.addi %add3A_103, %add3A_112 : i32
      %lt3A_114 = arith.constant 316 : i32
      %lt3A_115 = arith.cmpi slt, %add3A_113, %lt3A_114 : i32
      %convert_element_type3A_116 = arith.extui %lt3A_115 : i1 to i32
      %cond3A_117 = arith.constant 0 : i32
      %cond3A_118 = arith.cmpi ne, %convert_element_type3A_116, %cond3A_117 : i32
      scf.if %cond3A_118 {
        %add3A_216 = arith.addi %mul3A_14, %add3A_103 : i32
        %add3A_217 = arith.constant 3 : i32
        %add3A_218 = arith.addi %add3A_216, %add3A_217 : i32
        %dma_start3A_219 = arith.constant 0 : i32
        %dma_start3A_220 = arith.constant 0 : i32
        %dma_start3A_221 = tpu.memref_slice %arg2[%add3A_218, %dma_start3A_219, %dma_start3A_220] : memref<10112x2x128xi32, #tpu.memory_space<hbm>> -> memref<1x2x128xi32, #tpu.memory_space<hbm>>
        %dma_start3A_222 = tpu.memref_squeeze %dma_start3A_221 : memref<1x2x128xi32, #tpu.memory_space<hbm>> -> memref<2x128xi32, #tpu.memory_space<hbm>>
        %dma_start3A_223 = arith.constant 0 : i32
        %dma_start3A_224 = arith.constant 0 : i32
        %dma_start3A_225 = tpu.memref_slice %arg2[%add3A_218, %dma_start3A_223, %dma_start3A_224] : memref<10112x2x128xi32, #tpu.memory_space<hbm>> -> memref<1x2x128xi32, #tpu.memory_space<hbm>>
        %dma_start3A_226 = tpu.memref_squeeze %dma_start3A_225 : memref<1x2x128xi32, #tpu.memory_space<hbm>> -> memref<2x128xi32, #tpu.memory_space<hbm>>
        tpu.enqueue_dma source(%dma_start3A_226 : memref<2x128xi32, #tpu.memory_space<hbm>>) target(%arg10 : memref<2x128xi32, #tpu.memory_space<vmem>>) target_semaphore(%arg16 : memref<!tpu.dma_semaphore, #tpu.memory_space<semaphore_mem>>)
      } else {
      }
      tpu.wait_dma2 semaphore(%arg17 : memref<!tpu.dma_semaphore, #tpu.memory_space<semaphore_mem>>) src(%arg4 : memref<128x128xf32, #tpu.memory_space<hbm>>) dst(%arg11 : memref<128x128xf32, #tpu.memory_space<vmem>>)
      %dma_start3A_119 = arith.constant 1 : i32
      %dma_start3A_120 = arith.constant 0 : i32
      %dma_start3A_121 = tpu.memref_slice %arg7[%dma_start3A_119, %dma_start3A_120] : memref<2x128xi32, #tpu.memory_space<vmem>> -> memref<1x128xi32, #tpu.memory_space<vmem>>
      %dma_start3A_122 = tpu.memref_squeeze %dma_start3A_121 : memref<1x128xi32, #tpu.memory_space<vmem>> -> memref<128xi32, #tpu.memory_space<vmem>>
      %dma_start3A_123 = arith.constant 0 : i32
      %dma_start3A_124 = arith.constant 0 : i32
      %dma_start3A_125 = tpu.memref_slice %arg6[%dma_start3A_123, %dma_start3A_124] : memref<10240x128xf32, #tpu.memory_space<vmem_shared>> -> memref<10240x128xf32, #tpu.memory_space<vmem_shared>>
      tpu.enqueue_indirect_dma source(%arg11 : memref<128x128xf32, #tpu.memory_space<vmem>>) target(%dma_start3A_125 : memref<10240x128xf32, #tpu.memory_space<vmem_shared>>) offsets(%dma_start3A_122 : memref<128xi32, #tpu.memory_space<vmem>>) semaphore(%arg19 : memref<!tpu.dma_semaphore, #tpu.memory_space<semaphore_mem>>) {add = true}
      %mul3A_126 = arith.constant 4 : i32
      %mul3A_127 = arith.muli %mul3A_126, %scan3A_99 : i32
      %add3A_128 = arith.constant 1 : i32
      %add3A_129 = arith.addi %mul3A_127, %add3A_128 : i32
      %gt3A_130 = arith.constant 0 : i32
      %gt3A_131 = arith.cmpi sgt, %add3A_129, %gt3A_130 : i32
      %convert_element_type3A_132 = arith.extui %gt3A_131 : i1 to i32
      %cond3A_133 = arith.constant 0 : i32
      %cond3A_134 = arith.cmpi ne, %convert_element_type3A_132, %cond3A_133 : i32
      scf.if %cond3A_134 {
        tpu.wait_dma2 semaphore(%arg19 : memref<!tpu.dma_semaphore, #tpu.memory_space<semaphore_mem>>) src(%arg4 : memref<128x128xf32, #tpu.memory_space<hbm>>) dst(%arg11 : memref<128x128xf32, #tpu.memory_space<vmem>>)
      } else {
      }
      %add3A_135 = arith.constant 1 : i32
      %add3A_136 = arith.addi %add3A_129, %add3A_135 : i32
      %lt3A_137 = arith.constant 316 : i32
      %lt3A_138 = arith.cmpi slt, %add3A_136, %lt3A_137 : i32
      %convert_element_type3A_139 = arith.extui %lt3A_138 : i1 to i32
      %cond3A_140 = arith.constant 0 : i32
      %cond3A_141 = arith.cmpi ne, %convert_element_type3A_139, %cond3A_140 : i32
      scf.if %cond3A_141 {
        %dma_wait3A_216 = arith.constant 0 : i32
        %dma_wait3A_217 = arith.constant 0 : i32
        %dma_wait3A_218 = tpu.memref_slice %arg2[%mul3A_14, %dma_wait3A_216, %dma_wait3A_217] : memref<10112x2x128xi32, #tpu.memory_space<hbm>> -> memref<1x2x128xi32, #tpu.memory_space<hbm>>
        %dma_wait3A_219 = tpu.memref_squeeze %dma_wait3A_218 : memref<1x2x128xi32, #tpu.memory_space<hbm>> -> memref<2x128xi32, #tpu.memory_space<hbm>>
        %dma_wait3A_220 = arith.constant 0 : i32
        %dma_wait3A_221 = arith.constant 0 : i32
        %dma_wait3A_222 = tpu.memref_slice %arg2[%mul3A_14, %dma_wait3A_220, %dma_wait3A_221] : memref<10112x2x128xi32, #tpu.memory_space<hbm>> -> memref<1x2x128xi32, #tpu.memory_space<hbm>>
        %dma_wait3A_223 = tpu.memref_squeeze %dma_wait3A_222 : memref<1x2x128xi32, #tpu.memory_space<hbm>> -> memref<2x128xi32, #tpu.memory_space<hbm>>
        tpu.wait_dma2 semaphore(%arg15 : memref<!tpu.dma_semaphore, #tpu.memory_space<semaphore_mem>>) src(%dma_wait3A_223 : memref<2x128xi32, #tpu.memory_space<hbm>>) dst(%arg7 : memref<2x128xi32, #tpu.memory_space<vmem>>)
        %dma_start3A_224 = arith.constant 0 : i32
        %dma_start3A_225 = arith.constant 0 : i32
        %dma_start3A_226 = tpu.memref_slice %arg9[%dma_start3A_224, %dma_start3A_225] : memref<2x128xi32, #tpu.memory_space<vmem>> -> memref<1x128xi32, #tpu.memory_space<vmem>>
        %dma_start3A_227 = tpu.memref_squeeze %dma_start3A_226 : memref<1x128xi32, #tpu.memory_space<vmem>> -> memref<128xi32, #tpu.memory_space<vmem>>
        %dma_start3A_228 = arith.constant 0 : i32
        %dma_start3A_229 = arith.constant 0 : i32
        %dma_start3A_230 = tpu.memref_slice %arg3[%dma_start3A_228, %dma_start3A_229] : memref<20480x128xf32, #tpu.memory_space<hbm>> -> memref<20480x128xf32, #tpu.memory_space<hbm>>
        tpu.enqueue_indirect_dma source(%dma_start3A_230 : memref<20480x128xf32, #tpu.memory_space<hbm>>) target(%arg11 : memref<128x128xf32, #tpu.memory_space<vmem>>) offsets(%dma_start3A_227 : memref<128xi32, #tpu.memory_space<vmem>>) semaphore(%arg17 : memref<!tpu.dma_semaphore, #tpu.memory_space<semaphore_mem>>)
      } else {
      }
      %add3A_142 = arith.constant 3 : i32
      %add3A_143 = arith.addi %add3A_129, %add3A_142 : i32
      %lt3A_144 = arith.constant 316 : i32
      %lt3A_145 = arith.cmpi slt, %add3A_143, %lt3A_144 : i32
      %convert_element_type3A_146 = arith.extui %lt3A_145 : i1 to i32
      %cond3A_147 = arith.constant 0 : i32
      %cond3A_148 = arith.cmpi ne, %convert_element_type3A_146, %cond3A_147 : i32
      scf.if %cond3A_148 {
        %add3A_216 = arith.addi %mul3A_14, %add3A_129 : i32
        %add3A_217 = arith.constant 3 : i32
        %add3A_218 = arith.addi %add3A_216, %add3A_217 : i32
        %dma_start3A_219 = arith.constant 0 : i32
        %dma_start3A_220 = arith.constant 0 : i32
        %dma_start3A_221 = tpu.memref_slice %arg2[%add3A_218, %dma_start3A_219, %dma_start3A_220] : memref<10112x2x128xi32, #tpu.memory_space<hbm>> -> memref<1x2x128xi32, #tpu.memory_space<hbm>>
        %dma_start3A_222 = tpu.memref_squeeze %dma_start3A_221 : memref<1x2x128xi32, #tpu.memory_space<hbm>> -> memref<2x128xi32, #tpu.memory_space<hbm>>
        %dma_start3A_223 = arith.constant 0 : i32
        %dma_start3A_224 = arith.constant 0 : i32
        %dma_start3A_225 = tpu.memref_slice %arg2[%add3A_218, %dma_start3A_223, %dma_start3A_224] : memref<10112x2x128xi32, #tpu.memory_space<hbm>> -> memref<1x2x128xi32, #tpu.memory_space<hbm>>
        %dma_start3A_226 = tpu.memref_squeeze %dma_start3A_225 : memref<1x2x128xi32, #tpu.memory_space<hbm>> -> memref<2x128xi32, #tpu.memory_space<hbm>>
        tpu.enqueue_dma source(%dma_start3A_226 : memref<2x128xi32, #tpu.memory_space<hbm>>) target(%arg7 : memref<2x128xi32, #tpu.memory_space<vmem>>) target_semaphore(%arg13 : memref<!tpu.dma_semaphore, #tpu.memory_space<semaphore_mem>>)
      } else {
      }
      tpu.wait_dma2 semaphore(%arg18 : memref<!tpu.dma_semaphore, #tpu.memory_space<semaphore_mem>>) src(%arg4 : memref<128x128xf32, #tpu.memory_space<hbm>>) dst(%arg11 : memref<128x128xf32, #tpu.memory_space<vmem>>)
      %dma_start3A_149 = arith.constant 1 : i32
      %dma_start3A_150 = arith.constant 0 : i32
      %dma_start3A_151 = tpu.memref_slice %arg8[%dma_start3A_149, %dma_start3A_150] : memref<2x128xi32, #tpu.memory_space<vmem>> -> memref<1x128xi32, #tpu.memory_space<vmem>>
      %dma_start3A_152 = tpu.memref_squeeze %dma_start3A_151 : memref<1x128xi32, #tpu.memory_space<vmem>> -> memref<128xi32, #tpu.memory_space<vmem>>
      %dma_start3A_153 = arith.constant 0 : i32
      %dma_start3A_154 = arith.constant 0 : i32
      %dma_start3A_155 = tpu.memref_slice %arg6[%dma_start3A_153, %dma_start3A_154] : memref<10240x128xf32, #tpu.memory_space<vmem_shared>> -> memref<10240x128xf32, #tpu.memory_space<vmem_shared>>
      tpu.enqueue_indirect_dma source(%arg12 : memref<128x128xf32, #tpu.memory_space<vmem>>) target(%dma_start3A_155 : memref<10240x128xf32, #tpu.memory_space<vmem_shared>>) offsets(%dma_start3A_152 : memref<128xi32, #tpu.memory_space<vmem>>) semaphore(%arg20 : memref<!tpu.dma_semaphore, #tpu.memory_space<semaphore_mem>>) {add = true}
      %mul3A_156 = arith.constant 4 : i32
      %mul3A_157 = arith.muli %mul3A_156, %scan3A_99 : i32
      %add3A_158 = arith.constant 2 : i32
      %add3A_159 = arith.addi %mul3A_157, %add3A_158 : i32
      %gt3A_160 = arith.constant 0 : i32
      %gt3A_161 = arith.cmpi sgt, %add3A_159, %gt3A_160 : i32
      %convert_element_type3A_162 = arith.extui %gt3A_161 : i1 to i32
      %cond3A_163 = arith.constant 0 : i32
      %cond3A_164 = arith.cmpi ne, %convert_element_type3A_162, %cond3A_163 : i32
      scf.if %cond3A_164 {
        tpu.wait_dma2 semaphore(%arg20 : memref<!tpu.dma_semaphore, #tpu.memory_space<semaphore_mem>>) src(%arg4 : memref<128x128xf32, #tpu.memory_space<hbm>>) dst(%arg11 : memref<128x128xf32, #tpu.memory_space<vmem>>)
      } else {
      }
      %add3A_165 = arith.constant 1 : i32
      %add3A_166 = arith.addi %add3A_159, %add3A_165 : i32
      %lt3A_167 = arith.constant 316 : i32
      %lt3A_168 = arith.cmpi slt, %add3A_166, %lt3A_167 : i32
      %convert_element_type3A_169 = arith.extui %lt3A_168 : i1 to i32
      %cond3A_170 = arith.constant 0 : i32
      %cond3A_171 = arith.cmpi ne, %convert_element_type3A_169, %cond3A_170 : i32
      scf.if %cond3A_171 {
        %dma_wait3A_216 = arith.constant 0 : i32
        %dma_wait3A_217 = arith.constant 0 : i32
        %dma_wait3A_218 = tpu.memref_slice %arg2[%mul3A_14, %dma_wait3A_216, %dma_wait3A_217] : memref<10112x2x128xi32, #tpu.memory_space<hbm>> -> memref<1x2x128xi32, #tpu.memory_space<hbm>>
        %dma_wait3A_219 = tpu.memref_squeeze %dma_wait3A_218 : memref<1x2x128xi32, #tpu.memory_space<hbm>> -> memref<2x128xi32, #tpu.memory_space<hbm>>
        %dma_wait3A_220 = arith.constant 0 : i32
        %dma_wait3A_221 = arith.constant 0 : i32
        %dma_wait3A_222 = tpu.memref_slice %arg2[%mul3A_14, %dma_wait3A_220, %dma_wait3A_221] : memref<10112x2x128xi32, #tpu.memory_space<hbm>> -> memref<1x2x128xi32, #tpu.memory_space<hbm>>
        %dma_wait3A_223 = tpu.memref_squeeze %dma_wait3A_222 : memref<1x2x128xi32, #tpu.memory_space<hbm>> -> memref<2x128xi32, #tpu.memory_space<hbm>>
        tpu.wait_dma2 semaphore(%arg16 : memref<!tpu.dma_semaphore, #tpu.memory_space<semaphore_mem>>) src(%dma_wait3A_223 : memref<2x128xi32, #tpu.memory_space<hbm>>) dst(%arg7 : memref<2x128xi32, #tpu.memory_space<vmem>>)
        %dma_start3A_224 = arith.constant 0 : i32
        %dma_start3A_225 = arith.constant 0 : i32
        %dma_start3A_226 = tpu.memref_slice %arg10[%dma_start3A_224, %dma_start3A_225] : memref<2x128xi32, #tpu.memory_space<vmem>> -> memref<1x128xi32, #tpu.memory_space<vmem>>
        %dma_start3A_227 = tpu.memref_squeeze %dma_start3A_226 : memref<1x128xi32, #tpu.memory_space<vmem>> -> memref<128xi32, #tpu.memory_space<vmem>>
        %dma_start3A_228 = arith.constant 0 : i32
        %dma_start3A_229 = arith.constant 0 : i32
        %dma_start3A_230 = tpu.memref_slice %arg3[%dma_start3A_228, %dma_start3A_229] : memref<20480x128xf32, #tpu.memory_space<hbm>> -> memref<20480x128xf32, #tpu.memory_space<hbm>>
        tpu.enqueue_indirect_dma source(%dma_start3A_230 : memref<20480x128xf32, #tpu.memory_space<hbm>>) target(%arg12 : memref<128x128xf32, #tpu.memory_space<vmem>>) offsets(%dma_start3A_227 : memref<128xi32, #tpu.memory_space<vmem>>) semaphore(%arg18 : memref<!tpu.dma_semaphore, #tpu.memory_space<semaphore_mem>>)
      } else {
      }
      %add3A_172 = arith.constant 3 : i32
      %add3A_173 = arith.addi %add3A_159, %add3A_172 : i32
      %lt3A_174 = arith.constant 316 : i32
      %lt3A_175 = arith.cmpi slt, %add3A_173, %lt3A_174 : i32
      %convert_element_type3A_176 = arith.extui %lt3A_175 : i1 to i32
      %cond3A_177 = arith.constant 0 : i32
      %cond3A_178 = arith.cmpi ne, %convert_element_type3A_176, %cond3A_177 : i32
      scf.if %cond3A_178 {
        %add3A_216 = arith.addi %mul3A_14, %add3A_159 : i32
        %add3A_217 = arith.constant 3 : i32
        %add3A_218 = arith.addi %add3A_216, %add3A_217 : i32
        %dma_start3A_219 = arith.constant 0 : i32
        %dma_start3A_220 = arith.constant 0 : i32
        %dma_start3A_221 = tpu.memref_slice %arg2[%add3A_218, %dma_start3A_219, %dma_start3A_220] : memref<10112x2x128xi32, #tpu.memory_space<hbm>> -> memref<1x2x128xi32, #tpu.memory_space<hbm>>
        %dma_start3A_222 = tpu.memref_squeeze %dma_start3A_221 : memref<1x2x128xi32, #tpu.memory_space<hbm>> -> memref<2x128xi32, #tpu.memory_space<hbm>>
        %dma_start3A_223 = arith.constant 0 : i32
        %dma_start3A_224 = arith.constant 0 : i32
        %dma_start3A_225 = tpu.memref_slice %arg2[%add3A_218, %dma_start3A_223, %dma_start3A_224] : memref<10112x2x128xi32, #tpu.memory_space<hbm>> -> memref<1x2x128xi32, #tpu.memory_space<hbm>>
        %dma_start3A_226 = tpu.memref_squeeze %dma_start3A_225 : memref<1x2x128xi32, #tpu.memory_space<hbm>> -> memref<2x128xi32, #tpu.memory_space<hbm>>
        tpu.enqueue_dma source(%dma_start3A_226 : memref<2x128xi32, #tpu.memory_space<hbm>>) target(%arg8 : memref<2x128xi32, #tpu.memory_space<vmem>>) target_semaphore(%arg14 : memref<!tpu.dma_semaphore, #tpu.memory_space<semaphore_mem>>)
      } else {
      }
      tpu.wait_dma2 semaphore(%arg17 : memref<!tpu.dma_semaphore, #tpu.memory_space<semaphore_mem>>) src(%arg4 : memref<128x128xf32, #tpu.memory_space<hbm>>) dst(%arg11 : memref<128x128xf32, #tpu.memory_space<vmem>>)
      %dma_start3A_179 = arith.constant 1 : i32
      %dma_start3A_180 = arith.constant 0 : i32
      %dma_start3A_181 = tpu.memref_slice %arg9[%dma_start3A_179, %dma_start3A_180] : memref<2x128xi32, #tpu.memory_space<vmem>> -> memref<1x128xi32, #tpu.memory_space<vmem>>
      %dma_start3A_182 = tpu.memref_squeeze %dma_start3A_181 : memref<1x128xi32, #tpu.memory_space<vmem>> -> memref<128xi32, #tpu.memory_space<vmem>>
      %dma_start3A_183 = arith.constant 0 : i32
      %dma_start3A_184 = arith.constant 0 : i32
      %dma_start3A_185 = tpu.memref_slice %arg6[%dma_start3A_183, %dma_start3A_184] : memref<10240x128xf32, #tpu.memory_space<vmem_shared>> -> memref<10240x128xf32, #tpu.memory_space<vmem_shared>>
      tpu.enqueue_indirect_dma source(%arg11 : memref<128x128xf32, #tpu.memory_space<vmem>>) target(%dma_start3A_185 : memref<10240x128xf32, #tpu.memory_space<vmem_shared>>) offsets(%dma_start3A_182 : memref<128xi32, #tpu.memory_space<vmem>>) semaphore(%arg19 : memref<!tpu.dma_semaphore, #tpu.memory_space<semaphore_mem>>) {add = true}
      %mul3A_186 = arith.constant 4 : i32
      %mul3A_187 = arith.muli %mul3A_186, %scan3A_99 : i32
      %add3A_188 = arith.constant 3 : i32
      %add3A_189 = arith.addi %mul3A_187, %add3A_188 : i32
      %gt3A_190 = arith.constant 0 : i32
      %gt3A_191 = arith.cmpi sgt, %add3A_189, %gt3A_190 : i32
      %convert_element_type3A_192 = arith.extui %gt3A_191 : i1 to i32
      %cond3A_193 = arith.constant 0 : i32
      %cond3A_194 = arith.cmpi ne, %convert_element_type3A_192, %cond3A_193 : i32
      scf.if %cond3A_194 {
        tpu.wait_dma2 semaphore(%arg19 : memref<!tpu.dma_semaphore, #tpu.memory_space<semaphore_mem>>) src(%arg4 : memref<128x128xf32, #tpu.memory_space<hbm>>) dst(%arg11 : memref<128x128xf32, #tpu.memory_space<vmem>>)
      } else {
      }
      %add3A_195 = arith.constant 1 : i32
      %add3A_196 = arith.addi %add3A_189, %add3A_195 : i32
      %lt3A_197 = arith.constant 316 : i32
      %lt3A_198 = arith.cmpi slt, %add3A_196, %lt3A_197 : i32
      %convert_element_type3A_199 = arith.extui %lt3A_198 : i1 to i32
      %cond3A_200 = arith.constant 0 : i32
      %cond3A_201 = arith.cmpi ne, %convert_element_type3A_199, %cond3A_200 : i32
      scf.if %cond3A_201 {
        %dma_wait3A_216 = arith.constant 0 : i32
        %dma_wait3A_217 = arith.constant 0 : i32
        %dma_wait3A_218 = tpu.memref_slice %arg2[%mul3A_14, %dma_wait3A_216, %dma_wait3A_217] : memref<10112x2x128xi32, #tpu.memory_space<hbm>> -> memref<1x2x128xi32, #tpu.memory_space<hbm>>
        %dma_wait3A_219 = tpu.memref_squeeze %dma_wait3A_218 : memref<1x2x128xi32, #tpu.memory_space<hbm>> -> memref<2x128xi32, #tpu.memory_space<hbm>>
        %dma_wait3A_220 = arith.constant 0 : i32
        %dma_wait3A_221 = arith.constant 0 : i32
        %dma_wait3A_222 = tpu.memref_slice %arg2[%mul3A_14, %dma_wait3A_220, %dma_wait3A_221] : memref<10112x2x128xi32, #tpu.memory_space<hbm>> -> memref<1x2x128xi32, #tpu.memory_space<hbm>>
        %dma_wait3A_223 = tpu.memref_squeeze %dma_wait3A_222 : memref<1x2x128xi32, #tpu.memory_space<hbm>> -> memref<2x128xi32, #tpu.memory_space<hbm>>
        tpu.wait_dma2 semaphore(%arg13 : memref<!tpu.dma_semaphore, #tpu.memory_space<semaphore_mem>>) src(%dma_wait3A_223 : memref<2x128xi32, #tpu.memory_space<hbm>>) dst(%arg7 : memref<2x128xi32, #tpu.memory_space<vmem>>)
        %dma_start3A_224 = arith.constant 0 : i32
        %dma_start3A_225 = arith.constant 0 : i32
        %dma_start3A_226 = tpu.memref_slice %arg7[%dma_start3A_224, %dma_start3A_225] : memref<2x128xi32, #tpu.memory_space<vmem>> -> memref<1x128xi32, #tpu.memory_space<vmem>>
        %dma_start3A_227 = tpu.memref_squeeze %dma_start3A_226 : memref<1x128xi32, #tpu.memory_space<vmem>> -> memref<128xi32, #tpu.memory_space<vmem>>
        %dma_start3A_228 = arith.constant 0 : i32
        %dma_start3A_229 = arith.constant 0 : i32
        %dma_start3A_230 = tpu.memref_slice %arg3[%dma_start3A_228, %dma_start3A_229] : memref<20480x128xf32, #tpu.memory_space<hbm>> -> memref<20480x128xf32, #tpu.memory_space<hbm>>
        tpu.enqueue_indirect_dma source(%dma_start3A_230 : memref<20480x128xf32, #tpu.memory_space<hbm>>) target(%arg11 : memref<128x128xf32, #tpu.memory_space<vmem>>) offsets(%dma_start3A_227 : memref<128xi32, #tpu.memory_space<vmem>>) semaphore(%arg17 : memref<!tpu.dma_semaphore, #tpu.memory_space<semaphore_mem>>)
      } else {
      }
      %add3A_202 = arith.constant 3 : i32
      %add3A_203 = arith.addi %add3A_189, %add3A_202 : i32
      %lt3A_204 = arith.constant 316 : i32
      %lt3A_205 = arith.cmpi slt, %add3A_203, %lt3A_204 : i32
      %convert_element_type3A_206 = arith.extui %lt3A_205 : i1 to i32
      %cond3A_207 = arith.constant 0 : i32
      %cond3A_208 = arith.cmpi ne, %convert_element_type3A_206, %cond3A_207 : i32
      scf.if %cond3A_208 {
        %add3A_216 = arith.addi %mul3A_14, %add3A_189 : i32
        %add3A_217 = arith.constant 3 : i32
        %add3A_218 = arith.addi %add3A_216, %add3A_217 : i32
        %dma_start3A_219 = arith.constant 0 : i32
        %dma_start3A_220 = arith.constant 0 : i32
        %dma_start3A_221 = tpu.memref_slice %arg2[%add3A_218, %dma_start3A_219, %dma_start3A_220] : memref<10112x2x128xi32, #tpu.memory_space<hbm>> -> memref<1x2x128xi32, #tpu.memory_space<hbm>>
        %dma_start3A_222 = tpu.memref_squeeze %dma_start3A_221 : memref<1x2x128xi32, #tpu.memory_space<hbm>> -> memref<2x128xi32, #tpu.memory_space<hbm>>
        %dma_start3A_223 = arith.constant 0 : i32
        %dma_start3A_224 = arith.constant 0 : i32
        %dma_start3A_225 = tpu.memref_slice %arg2[%add3A_218, %dma_start3A_223, %dma_start3A_224] : memref<10112x2x128xi32, #tpu.memory_space<hbm>> -> memref<1x2x128xi32, #tpu.memory_space<hbm>>
        %dma_start3A_226 = tpu.memref_squeeze %dma_start3A_225 : memref<1x2x128xi32, #tpu.memory_space<hbm>> -> memref<2x128xi32, #tpu.memory_space<hbm>>
        tpu.enqueue_dma source(%dma_start3A_226 : memref<2x128xi32, #tpu.memory_space<hbm>>) target(%arg9 : memref<2x128xi32, #tpu.memory_space<vmem>>) target_semaphore(%arg15 : memref<!tpu.dma_semaphore, #tpu.memory_space<semaphore_mem>>)
      } else {
      }
      tpu.wait_dma2 semaphore(%arg18 : memref<!tpu.dma_semaphore, #tpu.memory_space<semaphore_mem>>) src(%arg4 : memref<128x128xf32, #tpu.memory_space<hbm>>) dst(%arg11 : memref<128x128xf32, #tpu.memory_space<vmem>>)
      %dma_start3A_209 = arith.constant 1 : i32
      %dma_start3A_210 = arith.constant 0 : i32
      %dma_start3A_211 = tpu.memref_slice %arg10[%dma_start3A_209, %dma_start3A_210] : memref<2x128xi32, #tpu.memory_space<vmem>> -> memref<1x128xi32, #tpu.memory_space<vmem>>
      %dma_start3A_212 = tpu.memref_squeeze %dma_start3A_211 : memref<1x128xi32, #tpu.memory_space<vmem>> -> memref<128xi32, #tpu.memory_space<vmem>>
      %dma_start3A_213 = arith.constant 0 : i32
      %dma_start3A_214 = arith.constant 0 : i32
      %dma_start3A_215 = tpu.memref_slice %arg6[%dma_start3A_213, %dma_start3A_214] : memref<10240x128xf32, #tpu.memory_space<vmem_shared>> -> memref<10240x128xf32, #tpu.memory_space<vmem_shared>>
      tpu.enqueue_indirect_dma source(%arg12 : memref<128x128xf32, #tpu.memory_space<vmem>>) target(%dma_start3A_215 : memref<10240x128xf32, #tpu.memory_space<vmem_shared>>) offsets(%dma_start3A_212 : memref<128xi32, #tpu.memory_space<vmem>>) semaphore(%arg20 : memref<!tpu.dma_semaphore, #tpu.memory_space<semaphore_mem>>) {add = true}
    }
    %scan3A_62 = arith.constant 79 : i32
    tpu.wait_dma2 semaphore(%arg20 : memref<!tpu.dma_semaphore, #tpu.memory_space<semaphore_mem>>) src(%arg4 : memref<128x128xf32, #tpu.memory_space<hbm>>) dst(%arg11 : memref<128x128xf32, #tpu.memory_space<vmem>>)
    %barrier3A_63 = arith.constant 0 : index
    tpu.barrier barrier_id(%barrier3A_63)
    %add3A_64 = arith.constant 0 : i32
    %add3A_65 = arith.addi %mul3A_0, %add3A_64 : i32
    "tpu.region"() ({
      %run_scoped3A = tpu.sem_alloc : memref<!tpu.dma_semaphore, #tpu.memory_space<semaphore_mem>>
      %dma_start3A_99 = arith.constant 0 : i32
      %dma_start3A_100 = tpu.memref_slice %arg6[%add3A_65, %dma_start3A_99] : memref<10240x128xf32, #tpu.memory_space<vmem_shared>> -> memref<128x128xf32, #tpu.memory_space<vmem_shared>>
      %dma_start3A_101 = arith.constant 0 : i32
      %dma_start3A_102 = tpu.memref_slice %arg6[%add3A_65, %dma_start3A_101] : memref<10240x128xf32, #tpu.memory_space<vmem_shared>> -> memref<128x128xf32, #tpu.memory_space<vmem_shared>>
      tpu.enqueue_dma source(%dma_start3A_102 : memref<128x128xf32, #tpu.memory_space<vmem_shared>>) target(%arg11 : memref<128x128xf32, #tpu.memory_space<vmem>>) target_semaphore(%run_scoped3A : memref<!tpu.dma_semaphore, #tpu.memory_space<semaphore_mem>>)
      %dma_wait3A_103 = arith.constant 0 : i32
      %dma_wait3A_104 = tpu.memref_slice %arg6[%add3A_65, %dma_wait3A_103] : memref<10240x128xf32, #tpu.memory_space<vmem_shared>> -> memref<128x128xf32, #tpu.memory_space<vmem_shared>>
      %dma_wait3A_105 = arith.constant 0 : i32
      %dma_wait3A_106 = tpu.memref_slice %arg6[%add3A_65, %dma_wait3A_105] : memref<10240x128xf32, #tpu.memory_space<vmem_shared>> -> memref<128x128xf32, #tpu.memory_space<vmem_shared>>
      tpu.wait_dma2 semaphore(%run_scoped3A : memref<!tpu.dma_semaphore, #tpu.memory_space<semaphore_mem>>) src(%dma_wait3A_106 : memref<128x128xf32, #tpu.memory_space<vmem_shared>>) dst(%arg11 : memref<128x128xf32, #tpu.memory_space<vmem>>)
      tpu.yield
    }) : () -> ()
    %mul3A_66 = arith.constant 10240 : i32
    %mul3A_67 = arith.muli %arg0, %mul3A_66 : i32
    %add3A_68 = arith.addi %mul3A_67, %mul3A_0 : i32
    %add3A_69 = arith.constant 0 : i32
    %add3A_70 = arith.addi %add3A_68, %add3A_69 : i32
    "tpu.region"() ({
      %run_scoped3A = tpu.sem_alloc : memref<!tpu.dma_semaphore, #tpu.memory_space<semaphore_mem>>
      %dma_start3A_99 = arith.constant 0 : i32
      %dma_start3A_100 = tpu.memref_slice %arg5[%add3A_70, %dma_start3A_99] : memref<20480x128xf32, #tpu.memory_space<hbm>> -> memref<128x128xf32, #tpu.memory_space<hbm>>
      %dma_start3A_101 = arith.constant 0 : i32
      %dma_start3A_102 = tpu.memref_slice %arg5[%add3A_70, %dma_start3A_101] : memref<20480x128xf32, #tpu.memory_space<hbm>> -> memref<128x128xf32, #tpu.memory_space<hbm>>
      tpu.enqueue_dma source(%arg11 : memref<128x128xf32, #tpu.memory_space<vmem>>) target(%dma_start3A_102 : memref<128x128xf32, #tpu.memory_space<hbm>>) target_semaphore(%run_scoped3A : memref<!tpu.dma_semaphore, #tpu.memory_space<semaphore_mem>>)
      %dma_wait3A_103 = arith.constant 0 : i32
      %dma_wait3A_104 = tpu.memref_slice %arg5[%add3A_70, %dma_wait3A_103] : memref<20480x128xf32, #tpu.memory_space<hbm>> -> memref<128x128xf32, #tpu.memory_space<hbm>>
      %dma_wait3A_105 = arith.constant 0 : i32
      %dma_wait3A_106 = tpu.memref_slice %arg5[%add3A_70, %dma_wait3A_105] : memref<20480x128xf32, #tpu.memory_space<hbm>> -> memref<128x128xf32, #tpu.memory_space<hbm>>
      tpu.wait_dma2 semaphore(%run_scoped3A : memref<!tpu.dma_semaphore, #tpu.memory_space<semaphore_mem>>) src(%arg11 : memref<128x128xf32, #tpu.memory_space<vmem>>) dst(%dma_wait3A_106 : memref<128x128xf32, #tpu.memory_space<hbm>>)
      tpu.yield
    }) : () -> ()
    %add3A_71 = arith.constant 128 : i32
    %add3A_72 = arith.addi %mul3A_0, %add3A_71 : i32
    "tpu.region"() ({
      %run_scoped3A = tpu.sem_alloc : memref<!tpu.dma_semaphore, #tpu.memory_space<semaphore_mem>>
      %dma_start3A_99 = arith.constant 0 : i32
      %dma_start3A_100 = tpu.memref_slice %arg6[%add3A_72, %dma_start3A_99] : memref<10240x128xf32, #tpu.memory_space<vmem_shared>> -> memref<128x128xf32, #tpu.memory_space<vmem_shared>>
      %dma_start3A_101 = arith.constant 0 : i32
      %dma_start3A_102 = tpu.memref_slice %arg6[%add3A_72, %dma_start3A_101] : memref<10240x128xf32, #tpu.memory_space<vmem_shared>> -> memref<128x128xf32, #tpu.memory_space<vmem_shared>>
      tpu.enqueue_dma source(%dma_start3A_102 : memref<128x128xf32, #tpu.memory_space<vmem_shared>>) target(%arg11 : memref<128x128xf32, #tpu.memory_space<vmem>>) target_semaphore(%run_scoped3A : memref<!tpu.dma_semaphore, #tpu.memory_space<semaphore_mem>>)
      %dma_wait3A_103 = arith.constant 0 : i32
      %dma_wait3A_104 = tpu.memref_slice %arg6[%add3A_72, %dma_wait3A_103] : memref<10240x128xf32, #tpu.memory_space<vmem_shared>> -> memref<128x128xf32, #tpu.memory_space<vmem_shared>>
      %dma_wait3A_105 = arith.constant 0 : i32
      %dma_wait3A_106 = tpu.memref_slice %arg6[%add3A_72, %dma_wait3A_105] : memref<10240x128xf32, #tpu.memory_space<vmem_shared>> -> memref<128x128xf32, #tpu.memory_space<vmem_shared>>
      tpu.wait_dma2 semaphore(%run_scoped3A : memref<!tpu.dma_semaphore, #tpu.memory_space<semaphore_mem>>) src(%dma_wait3A_106 : memref<128x128xf32, #tpu.memory_space<vmem_shared>>) dst(%arg11 : memref<128x128xf32, #tpu.memory_space<vmem>>)
      tpu.yield
    }) : () -> ()
    %mul3A_73 = arith.constant 10240 : i32
    %mul3A_74 = arith.muli %arg0, %mul3A_73 : i32
    %add3A_75 = arith.addi %mul3A_74, %mul3A_0 : i32
    %add3A_76 = arith.constant 128 : i32
    %add3A_77 = arith.addi %add3A_75, %add3A_76 : i32
    "tpu.region"() ({
      %run_scoped3A = tpu.sem_alloc : memref<!tpu.dma_semaphore, #tpu.memory_space<semaphore_mem>>
      %dma_start3A_99 = arith.constant 0 : i32
      %dma_start3A_100 = tpu.memref_slice %arg5[%add3A_77, %dma_start3A_99] : memref<20480x128xf32, #tpu.memory_space<hbm>> -> memref<128x128xf32, #tpu.memory_space<hbm>>
      %dma_start3A_101 = arith.constant 0 : i32
      %dma_start3A_102 = tpu.memref_slice %arg5[%add3A_77, %dma_start3A_101] : memref<20480x128xf32, #tpu.memory_space<hbm>> -> memref<128x128xf32, #tpu.memory_space<hbm>>
      tpu.enqueue_dma source(%arg11 : memref<128x128xf32, #tpu.memory_space<vmem>>) target(%dma_start3A_102 : memref<128x128xf32, #tpu.memory_space<hbm>>) target_semaphore(%run_scoped3A : memref<!tpu.dma_semaphore, #tpu.memory_space<semaphore_mem>>)
      %dma_wait3A_103 = arith.constant 0 : i32
      %dma_wait3A_104 = tpu.memref_slice %arg5[%add3A_77, %dma_wait3A_103] : memref<20480x128xf32, #tpu.memory_space<hbm>> -> memref<128x128xf32, #tpu.memory_space<hbm>>
      %dma_wait3A_105 = arith.constant 0 : i32
      %dma_wait3A_106 = tpu.memref_slice %arg5[%add3A_77, %dma_wait3A_105] : memref<20480x128xf32, #tpu.memory_space<hbm>> -> memref<128x128xf32, #tpu.memory_space<hbm>>
      tpu.wait_dma2 semaphore(%run_scoped3A : memref<!tpu.dma_semaphore, #tpu.memory_space<semaphore_mem>>) src(%arg11 : memref<128x128xf32, #tpu.memory_space<vmem>>) dst(%dma_wait3A_106 : memref<128x128xf32, #tpu.memory_space<hbm>>)
      tpu.yield
    }) : () -> ()
    %add3A_78 = arith.constant 256 : i32
    %add3A_79 = arith.addi %mul3A_0, %add3A_78 : i32
    "tpu.region"() ({
      %run_scoped3A = tpu.sem_alloc : memref<!tpu.dma_semaphore, #tpu.memory_space<semaphore_mem>>
      %dma_start3A_99 = arith.constant 0 : i32
      %dma_start3A_100 = tpu.memref_slice %arg6[%add3A_79, %dma_start3A_99] : memref<10240x128xf32, #tpu.memory_space<vmem_shared>> -> memref<128x128xf32, #tpu.memory_space<vmem_shared>>
      %dma_start3A_101 = arith.constant 0 : i32
      %dma_start3A_102 = tpu.memref_slice %arg6[%add3A_79, %dma_start3A_101] : memref<10240x128xf32, #tpu.memory_space<vmem_shared>> -> memref<128x128xf32, #tpu.memory_space<vmem_shared>>
      tpu.enqueue_dma source(%dma_start3A_102 : memref<128x128xf32, #tpu.memory_space<vmem_shared>>) target(%arg11 : memref<128x128xf32, #tpu.memory_space<vmem>>) target_semaphore(%run_scoped3A : memref<!tpu.dma_semaphore, #tpu.memory_space<semaphore_mem>>)
      %dma_wait3A_103 = arith.constant 0 : i32
      %dma_wait3A_104 = tpu.memref_slice %arg6[%add3A_79, %dma_wait3A_103] : memref<10240x128xf32, #tpu.memory_space<vmem_shared>> -> memref<128x128xf32, #tpu.memory_space<vmem_shared>>
      %dma_wait3A_105 = arith.constant 0 : i32
      %dma_wait3A_106 = tpu.memref_slice %arg6[%add3A_79, %dma_wait3A_105] : memref<10240x128xf32, #tpu.memory_space<vmem_shared>> -> memref<128x128xf32, #tpu.memory_space<vmem_shared>>
      tpu.wait_dma2 semaphore(%run_scoped3A : memref<!tpu.dma_semaphore, #tpu.memory_space<semaphore_mem>>) src(%dma_wait3A_106 : memref<128x128xf32, #tpu.memory_space<vmem_shared>>) dst(%arg11 : memref<128x128xf32, #tpu.memory_space<vmem>>)
      tpu.yield
    }) : () -> ()
    %mul3A_80 = arith.constant 10240 : i32
    %mul3A_81 = arith.muli %arg0, %mul3A_80 : i32
    %add3A_82 = arith.addi %mul3A_81, %mul3A_0 : i32
    %add3A_83 = arith.constant 256 : i32
    %add3A_84 = arith.addi %add3A_82, %add3A_83 : i32
    "tpu.region"() ({
      %run_scoped3A = tpu.sem_alloc : memref<!tpu.dma_semaphore, #tpu.memory_space<semaphore_mem>>
      %dma_start3A_99 = arith.constant 0 : i32
      %dma_start3A_100 = tpu.memref_slice %arg5[%add3A_84, %dma_start3A_99] : memref<20480x128xf32, #tpu.memory_space<hbm>> -> memref<128x128xf32, #tpu.memory_space<hbm>>
      %dma_start3A_101 = arith.constant 0 : i32
      %dma_start3A_102 = tpu.memref_slice %arg5[%add3A_84, %dma_start3A_101] : memref<20480x128xf32, #tpu.memory_space<hbm>> -> memref<128x128xf32, #tpu.memory_space<hbm>>
      tpu.enqueue_dma source(%arg11 : memref<128x128xf32, #tpu.memory_space<vmem>>) target(%dma_start3A_102 : memref<128x128xf32, #tpu.memory_space<hbm>>) target_semaphore(%run_scoped3A : memref<!tpu.dma_semaphore, #tpu.memory_space<semaphore_mem>>)
      %dma_wait3A_103 = arith.constant 0 : i32
      %dma_wait3A_104 = tpu.memref_slice %arg5[%add3A_84, %dma_wait3A_103] : memref<20480x128xf32, #tpu.memory_space<hbm>> -> memref<128x128xf32, #tpu.memory_space<hbm>>
      %dma_wait3A_105 = arith.constant 0 : i32
      %dma_wait3A_106 = tpu.memref_slice %arg5[%add3A_84, %dma_wait3A_105] : memref<20480x128xf32, #tpu.memory_space<hbm>> -> memref<128x128xf32, #tpu.memory_space<hbm>>
      tpu.wait_dma2 semaphore(%run_scoped3A : memref<!tpu.dma_semaphore, #tpu.memory_space<semaphore_mem>>) src(%arg11 : memref<128x128xf32, #tpu.memory_space<vmem>>) dst(%dma_wait3A_106 : memref<128x128xf32, #tpu.memory_space<hbm>>)
      tpu.yield
    }) : () -> ()
    %add3A_85 = arith.constant 384 : i32
    %add3A_86 = arith.addi %mul3A_0, %add3A_85 : i32
    "tpu.region"() ({
      %run_scoped3A = tpu.sem_alloc : memref<!tpu.dma_semaphore, #tpu.memory_space<semaphore_mem>>
      %dma_start3A_99 = arith.constant 0 : i32
      %dma_start3A_100 = tpu.memref_slice %arg6[%add3A_86, %dma_start3A_99] : memref<10240x128xf32, #tpu.memory_space<vmem_shared>> -> memref<128x128xf32, #tpu.memory_space<vmem_shared>>
      %dma_start3A_101 = arith.constant 0 : i32
      %dma_start3A_102 = tpu.memref_slice %arg6[%add3A_86, %dma_start3A_101] : memref<10240x128xf32, #tpu.memory_space<vmem_shared>> -> memref<128x128xf32, #tpu.memory_space<vmem_shared>>
      tpu.enqueue_dma source(%dma_start3A_102 : memref<128x128xf32, #tpu.memory_space<vmem_shared>>) target(%arg11 : memref<128x128xf32, #tpu.memory_space<vmem>>) target_semaphore(%run_scoped3A : memref<!tpu.dma_semaphore, #tpu.memory_space<semaphore_mem>>)
      %dma_wait3A_103 = arith.constant 0 : i32
      %dma_wait3A_104 = tpu.memref_slice %arg6[%add3A_86, %dma_wait3A_103] : memref<10240x128xf32, #tpu.memory_space<vmem_shared>> -> memref<128x128xf32, #tpu.memory_space<vmem_shared>>
      %dma_wait3A_105 = arith.constant 0 : i32
      %dma_wait3A_106 = tpu.memref_slice %arg6[%add3A_86, %dma_wait3A_105] : memref<10240x128xf32, #tpu.memory_space<vmem_shared>> -> memref<128x128xf32, #tpu.memory_space<vmem_shared>>
      tpu.wait_dma2 semaphore(%run_scoped3A : memref<!tpu.dma_semaphore, #tpu.memory_space<semaphore_mem>>) src(%dma_wait3A_106 : memref<128x128xf32, #tpu.memory_space<vmem_shared>>) dst(%arg11 : memref<128x128xf32, #tpu.memory_space<vmem>>)
      tpu.yield
    }) : () -> ()
    %mul3A_87 = arith.constant 10240 : i32
    %mul3A_88 = arith.muli %arg0, %mul3A_87 : i32
    %add3A_89 = arith.addi %mul3A_88, %mul3A_0 : i32
    %add3A_90 = arith.constant 384 : i32
    %add3A_91 = arith.addi %add3A_89, %add3A_90 : i32
    "tpu.region"() ({
      %run_scoped3A = tpu.sem_alloc : memref<!tpu.dma_semaphore, #tpu.memory_space<semaphore_mem>>
      %dma_start3A_99 = arith.constant 0 : i32
      %dma_start3A_100 = tpu.memref_slice %arg5[%add3A_91, %dma_start3A_99] : memref<20480x128xf32, #tpu.memory_space<hbm>> -> memref<128x128xf32, #tpu.memory_space<hbm>>
      %dma_start3A_101 = arith.constant 0 : i32
      %dma_start3A_102 = tpu.memref_slice %arg5[%add3A_91, %dma_start3A_101] : memref<20480x128xf32, #tpu.memory_space<hbm>> -> memref<128x128xf32, #tpu.memory_space<hbm>>
      tpu.enqueue_dma source(%arg11 : memref<128x128xf32, #tpu.memory_space<vmem>>) target(%dma_start3A_102 : memref<128x128xf32, #tpu.memory_space<hbm>>) target_semaphore(%run_scoped3A : memref<!tpu.dma_semaphore, #tpu.memory_space<semaphore_mem>>)
      %dma_wait3A_103 = arith.constant 0 : i32
      %dma_wait3A_104 = tpu.memref_slice %arg5[%add3A_91, %dma_wait3A_103] : memref<20480x128xf32, #tpu.memory_space<hbm>> -> memref<128x128xf32, #tpu.memory_space<hbm>>
      %dma_wait3A_105 = arith.constant 0 : i32
      %dma_wait3A_106 = tpu.memref_slice %arg5[%add3A_91, %dma_wait3A_105] : memref<20480x128xf32, #tpu.memory_space<hbm>> -> memref<128x128xf32, #tpu.memory_space<hbm>>
      tpu.wait_dma2 semaphore(%run_scoped3A : memref<!tpu.dma_semaphore, #tpu.memory_space<semaphore_mem>>) src(%arg11 : memref<128x128xf32, #tpu.memory_space<vmem>>) dst(%dma_wait3A_106 : memref<128x128xf32, #tpu.memory_space<hbm>>)
      tpu.yield
    }) : () -> ()
    %add3A_92 = arith.constant 512 : i32
    %add3A_93 = arith.addi %mul3A_0, %add3A_92 : i32
    "tpu.region"() ({
      %run_scoped3A = tpu.sem_alloc : memref<!tpu.dma_semaphore, #tpu.memory_space<semaphore_mem>>
      %dma_start3A_99 = arith.constant 0 : i32
      %dma_start3A_100 = tpu.memref_slice %arg6[%add3A_93, %dma_start3A_99] : memref<10240x128xf32, #tpu.memory_space<vmem_shared>> -> memref<128x128xf32, #tpu.memory_space<vmem_shared>>
      %dma_start3A_101 = arith.constant 0 : i32
      %dma_start3A_102 = tpu.memref_slice %arg6[%add3A_93, %dma_start3A_101] : memref<10240x128xf32, #tpu.memory_space<vmem_shared>> -> memref<128x128xf32, #tpu.memory_space<vmem_shared>>
      tpu.enqueue_dma source(%dma_start3A_102 : memref<128x128xf32, #tpu.memory_space<vmem_shared>>) target(%arg11 : memref<128x128xf32, #tpu.memory_space<vmem>>) target_semaphore(%run_scoped3A : memref<!tpu.dma_semaphore, #tpu.memory_space<semaphore_mem>>)
      %dma_wait3A_103 = arith.constant 0 : i32
      %dma_wait3A_104 = tpu.memref_slice %arg6[%add3A_93, %dma_wait3A_103] : memref<10240x128xf32, #tpu.memory_space<vmem_shared>> -> memref<128x128xf32, #tpu.memory_space<vmem_shared>>
      %dma_wait3A_105 = arith.constant 0 : i32
      %dma_wait3A_106 = tpu.memref_slice %arg6[%add3A_93, %dma_wait3A_105] : memref<10240x128xf32, #tpu.memory_space<vmem_shared>> -> memref<128x128xf32, #tpu.memory_space<vmem_shared>>
      tpu.wait_dma2 semaphore(%run_scoped3A : memref<!tpu.dma_semaphore, #tpu.memory_space<semaphore_mem>>) src(%dma_wait3A_106 : memref<128x128xf32, #tpu.memory_space<vmem_shared>>) dst(%arg11 : memref<128x128xf32, #tpu.memory_space<vmem>>)
      tpu.yield
    }) : () -> ()
    %mul3A_94 = arith.constant 10240 : i32
    %mul3A_95 = arith.muli %arg0, %mul3A_94 : i32
    %add3A_96 = arith.addi %mul3A_95, %mul3A_0 : i32
    %add3A_97 = arith.constant 512 : i32
    %add3A_98 = arith.addi %add3A_96, %add3A_97 : i32
    "tpu.region"() ({
      %run_scoped3A = tpu.sem_alloc : memref<!tpu.dma_semaphore, #tpu.memory_space<semaphore_mem>>
      %dma_start3A_99 = arith.constant 0 : i32
      %dma_start3A_100 = tpu.memref_slice %arg5[%add3A_98, %dma_start3A_99] : memref<20480x128xf32, #tpu.memory_space<hbm>> -> memref<128x128xf32, #tpu.memory_space<hbm>>
      %dma_start3A_101 = arith.constant 0 : i32
      %dma_start3A_102 = tpu.memref_slice %arg5[%add3A_98, %dma_start3A_101] : memref<20480x128xf32, #tpu.memory_space<hbm>> -> memref<128x128xf32, #tpu.memory_space<hbm>>
      tpu.enqueue_dma source(%arg11 : memref<128x128xf32, #tpu.memory_space<vmem>>) target(%dma_start3A_102 : memref<128x128xf32, #tpu.memory_space<hbm>>) target_semaphore(%run_scoped3A : memref<!tpu.dma_semaphore, #tpu.memory_space<semaphore_mem>>)
      %dma_wait3A_103 = arith.constant 0 : i32
      %dma_wait3A_104 = tpu.memref_slice %arg5[%add3A_98, %dma_wait3A_103] : memref<20480x128xf32, #tpu.memory_space<hbm>> -> memref<128x128xf32, #tpu.memory_space<hbm>>
      %dma_wait3A_105 = arith.constant 0 : i32
      %dma_wait3A_106 = tpu.memref_slice %arg5[%add3A_98, %dma_wait3A_105] : memref<20480x128xf32, #tpu.memory_space<hbm>> -> memref<128x128xf32, #tpu.memory_space<hbm>>
      tpu.wait_dma2 semaphore(%run_scoped3A : memref<!tpu.dma_semaphore, #tpu.memory_space<semaphore_mem>>) src(%arg11 : memref<128x128xf32, #tpu.memory_space<vmem>>) dst(%dma_wait3A_106 : memref<128x128xf32, #tpu.memory_space<hbm>>)
      tpu.yield
    }) : () -> ()
    return
  }
}

#map = affine_map<(d0, d1) -> (0, 0, 0)>
#map1 = affine_map<(d0, d1) -> (0, 0)>
module attributes {stable_mosaic.version = 14 : i64} {
  func.func @_mp_call(%arg0: i32, %arg1: i32, %arg2: memref<10112x2x128xi32, #tpu.memory_space<hbm>>, %arg3: memref<20480x128xf32, #tpu.memory_space<hbm>>, %arg4: memref<128x128xf32, #tpu.memory_space<hbm>>, %arg5: memref<20480x128xf32, #tpu.memory_space<hbm>>, %arg6: memref<10240x128xf32, #tpu.memory_space<vmem_shared>>, %arg7: memref<2x128xi32, #tpu.memory_space<vmem>>, %arg8: memref<2x128xi32, #tpu.memory_space<vmem>>, %arg9: memref<2x128xi32, #tpu.memory_space<vmem>>, %arg10: memref<2x128xi32, #tpu.memory_space<vmem>>, %arg11: memref<128x128xf32, #tpu.memory_space<vmem>>, %arg12: memref<128x128xf32, #tpu.memory_space<vmem>>, %arg13: memref<!tpu.dma_semaphore, #tpu.memory_space<semaphore_mem>>, %arg14: memref<!tpu.dma_semaphore, #tpu.memory_space<semaphore_mem>>, %arg15: memref<!tpu.dma_semaphore, #tpu.memory_space<semaphore_mem>>, %arg16: memref<!tpu.dma_semaphore, #tpu.memory_space<semaphore_mem>>, %arg17: memref<!tpu.dma_semaphore, #tpu.memory_space<semaphore_mem>>, %arg18: memref<!tpu.dma_semaphore, #tpu.memory_space<semaphore_mem>>, %arg19: memref<!tpu.dma_semaphore, #tpu.memory_space<semaphore_mem>>, %arg20: memref<!tpu.dma_semaphore, #tpu.memory_space<semaphore_mem>>) attributes {dimension_semantics = [#tpu.dimension_semantics<core_parallel>, #tpu.dimension_semantics<subcore_parallel>], iteration_bounds = array<i64: 2, 16>, scalar_prefetch = 0 : i64, scratch_operands = 15 : i64, tpu.core_type = #tpu.core_type<sc_vector_subcore>, window_params = [{transform_indices = #map}, {transform_indices = #map1}, {transform_indices = #map1}, {transform_indices = #map1}]} {
    %mul3A = arith.constant 640 : i32
    %mul3A_0 = arith.muli %arg1, %mul3A : i32
    "tpu.region"() ({
      %run_scoped3A = tpu.sem_alloc : memref<!tpu.dma_semaphore, #tpu.memory_space<semaphore_mem>>
      tpu.enqueue_dma source(%arg4 : memref<128x128xf32, #tpu.memory_space<hbm>>) target(%arg11 : memref<128x128xf32, #tpu.memory_space<vmem>>) target_semaphore(%run_scoped3A : memref<!tpu.dma_semaphore, #tpu.memory_space<semaphore_mem>>)
      tpu.wait_dma2 semaphore(%run_scoped3A : memref<!tpu.dma_semaphore, #tpu.memory_space<semaphore_mem>>) src(%arg4 : memref<128x128xf32, #tpu.memory_space<hbm>>) dst(%arg11 : memref<128x128xf32, #tpu.memory_space<vmem>>)
      tpu.yield
    }) : () -> ()
    %add3A = arith.constant 0 : i32
    %add3A_1 = arith.addi %mul3A_0, %add3A : i32
    "tpu.region"() ({
      %run_scoped3A = tpu.sem_alloc : memref<!tpu.dma_semaphore, #tpu.memory_space<semaphore_mem>>
      %dma_start3A_99 = arith.constant 0 : i32
      %dma_start3A_100 = tpu.memref_slice %arg6[%add3A_1, %dma_start3A_99] : memref<10240x128xf32, #tpu.memory_space<vmem_shared>> -> memref<128x128xf32, #tpu.memory_space<vmem_shared>>
      %dma_start3A_101 = arith.constant 0 : i32
      %dma_start3A_102 = tpu.memref_slice %arg6[%add3A_1, %dma_start3A_101] : memref<10240x128xf32, #tpu.memory_space<vmem_shared>> -> memref<128x128xf32, #tpu.memory_space<vmem_shared>>
      tpu.enqueue_dma source(%arg11 : memref<128x128xf32, #tpu.memory_space<vmem>>) target(%dma_start3A_102 : memref<128x128xf32, #tpu.memory_space<vmem_shared>>) target_semaphore(%run_scoped3A : memref<!tpu.dma_semaphore, #tpu.memory_space<semaphore_mem>>)
      %dma_wait3A_103 = arith.constant 0 : i32
      %dma_wait3A_104 = tpu.memref_slice %arg6[%add3A_1, %dma_wait3A_103] : memref<10240x128xf32, #tpu.memory_space<vmem_shared>> -> memref<128x128xf32, #tpu.memory_space<vmem_shared>>
      %dma_wait3A_105 = arith.constant 0 : i32
      %dma_wait3A_106 = tpu.memref_slice %arg6[%add3A_1, %dma_wait3A_105] : memref<10240x128xf32, #tpu.memory_space<vmem_shared>> -> memref<128x128xf32, #tpu.memory_space<vmem_shared>>
      tpu.wait_dma2 semaphore(%run_scoped3A : memref<!tpu.dma_semaphore, #tpu.memory_space<semaphore_mem>>) src(%arg11 : memref<128x128xf32, #tpu.memory_space<vmem>>) dst(%dma_wait3A_106 : memref<128x128xf32, #tpu.memory_space<vmem_shared>>)
      tpu.yield
    }) : () -> ()
    %add3A_2 = arith.constant 128 : i32
    %add3A_3 = arith.addi %mul3A_0, %add3A_2 : i32
    "tpu.region"() ({
      %run_scoped3A = tpu.sem_alloc : memref<!tpu.dma_semaphore, #tpu.memory_space<semaphore_mem>>
      %dma_start3A_99 = arith.constant 0 : i32
      %dma_start3A_100 = tpu.memref_slice %arg6[%add3A_3, %dma_start3A_99] : memref<10240x128xf32, #tpu.memory_space<vmem_shared>> -> memref<128x128xf32, #tpu.memory_space<vmem_shared>>
      %dma_start3A_101 = arith.constant 0 : i32
      %dma_start3A_102 = tpu.memref_slice %arg6[%add3A_3, %dma_start3A_101] : memref<10240x128xf32, #tpu.memory_space<vmem_shared>> -> memref<128x128xf32, #tpu.memory_space<vmem_shared>>
      tpu.enqueue_dma source(%arg11 : memref<128x128xf32, #tpu.memory_space<vmem>>) target(%dma_start3A_102 : memref<128x128xf32, #tpu.memory_space<vmem_shared>>) target_semaphore(%run_scoped3A : memref<!tpu.dma_semaphore, #tpu.memory_space<semaphore_mem>>)
      %dma_wait3A_103 = arith.constant 0 : i32
      %dma_wait3A_104 = tpu.memref_slice %arg6[%add3A_3, %dma_wait3A_103] : memref<10240x128xf32, #tpu.memory_space<vmem_shared>> -> memref<128x128xf32, #tpu.memory_space<vmem_shared>>
      %dma_wait3A_105 = arith.constant 0 : i32
      %dma_wait3A_106 = tpu.memref_slice %arg6[%add3A_3, %dma_wait3A_105] : memref<10240x128xf32, #tpu.memory_space<vmem_shared>> -> memref<128x128xf32, #tpu.memory_space<vmem_shared>>
      tpu.wait_dma2 semaphore(%run_scoped3A : memref<!tpu.dma_semaphore, #tpu.memory_space<semaphore_mem>>) src(%arg11 : memref<128x128xf32, #tpu.memory_space<vmem>>) dst(%dma_wait3A_106 : memref<128x128xf32, #tpu.memory_space<vmem_shared>>)
      tpu.yield
    }) : () -> ()
    %add3A_4 = arith.constant 256 : i32
    %add3A_5 = arith.addi %mul3A_0, %add3A_4 : i32
    "tpu.region"() ({
      %run_scoped3A = tpu.sem_alloc : memref<!tpu.dma_semaphore, #tpu.memory_space<semaphore_mem>>
      %dma_start3A_99 = arith.constant 0 : i32
      %dma_start3A_100 = tpu.memref_slice %arg6[%add3A_5, %dma_start3A_99] : memref<10240x128xf32, #tpu.memory_space<vmem_shared>> -> memref<128x128xf32, #tpu.memory_space<vmem_shared>>
      %dma_start3A_101 = arith.constant 0 : i32
      %dma_start3A_102 = tpu.memref_slice %arg6[%add3A_5, %dma_start3A_101] : memref<10240x128xf32, #tpu.memory_space<vmem_shared>> -> memref<128x128xf32, #tpu.memory_space<vmem_shared>>
      tpu.enqueue_dma source(%arg11 : memref<128x128xf32, #tpu.memory_space<vmem>>) target(%dma_start3A_102 : memref<128x128xf32, #tpu.memory_space<vmem_shared>>) target_semaphore(%run_scoped3A : memref<!tpu.dma_semaphore, #tpu.memory_space<semaphore_mem>>)
      %dma_wait3A_103 = arith.constant 0 : i32
      %dma_wait3A_104 = tpu.memref_slice %arg6[%add3A_5, %dma_wait3A_103] : memref<10240x128xf32, #tpu.memory_space<vmem_shared>> -> memref<128x128xf32, #tpu.memory_space<vmem_shared>>
      %dma_wait3A_105 = arith.constant 0 : i32
      %dma_wait3A_106 = tpu.memref_slice %arg6[%add3A_5, %dma_wait3A_105] : memref<10240x128xf32, #tpu.memory_space<vmem_shared>> -> memref<128x128xf32, #tpu.memory_space<vmem_shared>>
      tpu.wait_dma2 semaphore(%run_scoped3A : memref<!tpu.dma_semaphore, #tpu.memory_space<semaphore_mem>>) src(%arg11 : memref<128x128xf32, #tpu.memory_space<vmem>>) dst(%dma_wait3A_106 : memref<128x128xf32, #tpu.memory_space<vmem_shared>>)
      tpu.yield
    }) : () -> ()
    %add3A_6 = arith.constant 384 : i32
    %add3A_7 = arith.addi %mul3A_0, %add3A_6 : i32
    "tpu.region"() ({
      %run_scoped3A = tpu.sem_alloc : memref<!tpu.dma_semaphore, #tpu.memory_space<semaphore_mem>>
      %dma_start3A_99 = arith.constant 0 : i32
      %dma_start3A_100 = tpu.memref_slice %arg6[%add3A_7, %dma_start3A_99] : memref<10240x128xf32, #tpu.memory_space<vmem_shared>> -> memref<128x128xf32, #tpu.memory_space<vmem_shared>>
      %dma_start3A_101 = arith.constant 0 : i32
      %dma_start3A_102 = tpu.memref_slice %arg6[%add3A_7, %dma_start3A_101] : memref<10240x128xf32, #tpu.memory_space<vmem_shared>> -> memref<128x128xf32, #tpu.memory_space<vmem_shared>>
      tpu.enqueue_dma source(%arg11 : memref<128x128xf32, #tpu.memory_space<vmem>>) target(%dma_start3A_102 : memref<128x128xf32, #tpu.memory_space<vmem_shared>>) target_semaphore(%run_scoped3A : memref<!tpu.dma_semaphore, #tpu.memory_space<semaphore_mem>>)
      %dma_wait3A_103 = arith.constant 0 : i32
      %dma_wait3A_104 = tpu.memref_slice %arg6[%add3A_7, %dma_wait3A_103] : memref<10240x128xf32, #tpu.memory_space<vmem_shared>> -> memref<128x128xf32, #tpu.memory_space<vmem_shared>>
      %dma_wait3A_105 = arith.constant 0 : i32
      %dma_wait3A_106 = tpu.memref_slice %arg6[%add3A_7, %dma_wait3A_105] : memref<10240x128xf32, #tpu.memory_space<vmem_shared>> -> memref<128x128xf32, #tpu.memory_space<vmem_shared>>
      tpu.wait_dma2 semaphore(%run_scoped3A : memref<!tpu.dma_semaphore, #tpu.memory_space<semaphore_mem>>) src(%arg11 : memref<128x128xf32, #tpu.memory_space<vmem>>) dst(%dma_wait3A_106 : memref<128x128xf32, #tpu.memory_space<vmem_shared>>)
      tpu.yield
    }) : () -> ()
    %add3A_8 = arith.constant 512 : i32
    %add3A_9 = arith.addi %mul3A_0, %add3A_8 : i32
    "tpu.region"() ({
      %run_scoped3A = tpu.sem_alloc : memref<!tpu.dma_semaphore, #tpu.memory_space<semaphore_mem>>
      %dma_start3A_99 = arith.constant 0 : i32
      %dma_start3A_100 = tpu.memref_slice %arg6[%add3A_9, %dma_start3A_99] : memref<10240x128xf32, #tpu.memory_space<vmem_shared>> -> memref<128x128xf32, #tpu.memory_space<vmem_shared>>
      %dma_start3A_101 = arith.constant 0 : i32
      %dma_start3A_102 = tpu.memref_slice %arg6[%add3A_9, %dma_start3A_101] : memref<10240x128xf32, #tpu.memory_space<vmem_shared>> -> memref<128x128xf32, #tpu.memory_space<vmem_shared>>
      tpu.enqueue_dma source(%arg11 : memref<128x128xf32, #tpu.memory_space<vmem>>) target(%dma_start3A_102 : memref<128x128xf32, #tpu.memory_space<vmem_shared>>) target_semaphore(%run_scoped3A : memref<!tpu.dma_semaphore, #tpu.memory_space<semaphore_mem>>)
      %dma_wait3A_103 = arith.constant 0 : i32
      %dma_wait3A_104 = tpu.memref_slice %arg6[%add3A_9, %dma_wait3A_103] : memref<10240x128xf32, #tpu.memory_space<vmem_shared>> -> memref<128x128xf32, #tpu.memory_space<vmem_shared>>
      %dma_wait3A_105 = arith.constant 0 : i32
      %dma_wait3A_106 = tpu.memref_slice %arg6[%add3A_9, %dma_wait3A_105] : memref<10240x128xf32, #tpu.memory_space<vmem_shared>> -> memref<128x128xf32, #tpu.memory_space<vmem_shared>>
      tpu.wait_dma2 semaphore(%run_scoped3A : memref<!tpu.dma_semaphore, #tpu.memory_space<semaphore_mem>>) src(%arg11 : memref<128x128xf32, #tpu.memory_space<vmem>>) dst(%dma_wait3A_106 : memref<128x128xf32, #tpu.memory_space<vmem_shared>>)
      tpu.yield
    }) : () -> ()
    %barrier3A = arith.constant 0 : index
    tpu.barrier barrier_id(%barrier3A)
    %mul3A_10 = arith.constant 16 : i32
    %mul3A_11 = arith.muli %arg0, %mul3A_10 : i32
    %add3A_12 = arith.addi %mul3A_11, %arg1 : i32
    %mul3A_13 = arith.constant 316 : i32
    %mul3A_14 = arith.muli %add3A_12, %mul3A_13 : i32
    %add3A_15 = arith.constant 0 : i32
    %add3A_16 = arith.addi %mul3A_14, %add3A_15 : i32
    %dma_start3A = arith.constant 0 : i32
    %dma_start3A_17 = arith.constant 0 : i32
    %dma_start3A_18 = tpu.memref_slice %arg2[%add3A_16, %dma_start3A, %dma_start3A_17] : memref<10112x2x128xi32, #tpu.memory_space<hbm>> -> memref<1x2x128xi32, #tpu.memory_space<hbm>>
    %dma_start3A_19 = tpu.memref_squeeze %dma_start3A_18 : memref<1x2x128xi32, #tpu.memory_space<hbm>> -> memref<2x128xi32, #tpu.memory_space<hbm>>
    %dma_start3A_20 = arith.constant 0 : i32
    %dma_start3A_21 = arith.constant 0 : i32
    %dma_start3A_22 = tpu.memref_slice %arg2[%add3A_16, %dma_start3A_20, %dma_start3A_21] : memref<10112x2x128xi32, #tpu.memory_space<hbm>> -> memref<1x2x128xi32, #tpu.memory_space<hbm>>
    %dma_start3A_23 = tpu.memref_squeeze %dma_start3A_22 : memref<1x2x128xi32, #tpu.memory_space<hbm>> -> memref<2x128xi32, #tpu.memory_space<hbm>>
    tpu.enqueue_dma source(%dma_start3A_23 : memref<2x128xi32, #tpu.memory_space<hbm>>) target(%arg7 : memref<2x128xi32, #tpu.memory_space<vmem>>) target_semaphore(%arg13 : memref<!tpu.dma_semaphore, #tpu.memory_space<semaphore_mem>>)
    %add3A_24 = arith.constant 1 : i32
    %add3A_25 = arith.addi %mul3A_14, %add3A_24 : i32
    %dma_start3A_26 = arith.constant 0 : i32
    %dma_start3A_27 = arith.constant 0 : i32
    %dma_start3A_28 = tpu.memref_slice %arg2[%add3A_25, %dma_start3A_26, %dma_start3A_27] : memref<10112x2x128xi32, #tpu.memory_space<hbm>> -> memref<1x2x128xi32, #tpu.memory_space<hbm>>
    %dma_start3A_29 = tpu.memref_squeeze %dma_start3A_28 : memref<1x2x128xi32, #tpu.memory_space<hbm>> -> memref<2x128xi32, #tpu.memory_space<hbm>>
    %dma_start3A_30 = arith.constant 0 : i32
    %dma_start3A_31 = arith.constant 0 : i32
    %dma_start3A_32 = tpu.memref_slice %arg2[%add3A_25, %dma_start3A_30, %dma_start3A_31] : memref<10112x2x128xi32, #tpu.memory_space<hbm>> -> memref<1x2x128xi32, #tpu.memory_space<hbm>>
    %dma_start3A_33 = tpu.memref_squeeze %dma_start3A_32 : memref<1x2x128xi32, #tpu.memory_space<hbm>> -> memref<2x128xi32, #tpu.memory_space<hbm>>
    tpu.enqueue_dma source(%dma_start3A_33 : memref<2x128xi32, #tpu.memory_space<hbm>>) target(%arg8 : memref<2x128xi32, #tpu.memory_space<vmem>>) target_semaphore(%arg14 : memref<!tpu.dma_semaphore, #tpu.memory_space<semaphore_mem>>)
    %add3A_34 = arith.constant 2 : i32
    %add3A_35 = arith.addi %mul3A_14, %add3A_34 : i32
    %dma_start3A_36 = arith.constant 0 : i32
    %dma_start3A_37 = arith.constant 0 : i32
    %dma_start3A_38 = tpu.memref_slice %arg2[%add3A_35, %dma_start3A_36, %dma_start3A_37] : memref<10112x2x128xi32, #tpu.memory_space<hbm>> -> memref<1x2x128xi32, #tpu.memory_space<hbm>>
    %dma_start3A_39 = tpu.memref_squeeze %dma_start3A_38 : memref<1x2x128xi32, #tpu.memory_space<hbm>> -> memref<2x128xi32, #tpu.memory_space<hbm>>
    %dma_start3A_40 = arith.constant 0 : i32
    %dma_start3A_41 = arith.constant 0 : i32
    %dma_start3A_42 = tpu.memref_slice %arg2[%add3A_35, %dma_start3A_40, %dma_start3A_41] : memref<10112x2x128xi32, #tpu.memory_space<hbm>> -> memref<1x2x128xi32, #tpu.memory_space<hbm>>
    %dma_start3A_43 = tpu.memref_squeeze %dma_start3A_42 : memref<1x2x128xi32, #tpu.memory_space<hbm>> -> memref<2x128xi32, #tpu.memory_space<hbm>>
    tpu.enqueue_dma source(%dma_start3A_43 : memref<2x128xi32, #tpu.memory_space<hbm>>) target(%arg9 : memref<2x128xi32, #tpu.memory_space<vmem>>) target_semaphore(%arg15 : memref<!tpu.dma_semaphore, #tpu.memory_space<semaphore_mem>>)
    %dma_wait3A = arith.constant 0 : i32
    %dma_wait3A_44 = arith.constant 0 : i32
    %dma_wait3A_45 = tpu.memref_slice %arg2[%mul3A_14, %dma_wait3A, %dma_wait3A_44] : memref<10112x2x128xi32, #tpu.memory_space<hbm>> -> memref<1x2x128xi32, #tpu.memory_space<hbm>>
    %dma_wait3A_46 = tpu.memref_squeeze %dma_wait3A_45 : memref<1x2x128xi32, #tpu.memory_space<hbm>> -> memref<2x128xi32, #tpu.memory_space<hbm>>
    %dma_wait3A_47 = arith.constant 0 : i32
    %dma_wait3A_48 = arith.constant 0 : i32
    %dma_wait3A_49 = tpu.memref_slice %arg2[%mul3A_14, %dma_wait3A_47, %dma_wait3A_48] : memref<10112x2x128xi32, #tpu.memory_space<hbm>> -> memref<1x2x128xi32, #tpu.memory_space<hbm>>
    %dma_wait3A_50 = tpu.memref_squeeze %dma_wait3A_49 : memref<1x2x128xi32, #tpu.memory_space<hbm>> -> memref<2x128xi32, #tpu.memory_space<hbm>>
    tpu.wait_dma2 semaphore(%arg13 : memref<!tpu.dma_semaphore, #tpu.memory_space<semaphore_mem>>) src(%dma_wait3A_50 : memref<2x128xi32, #tpu.memory_space<hbm>>) dst(%arg7 : memref<2x128xi32, #tpu.memory_space<vmem>>)
    %dma_start3A_51 = arith.constant 0 : i32
    %dma_start3A_52 = arith.constant 0 : i32
    %dma_start3A_53 = tpu.memref_slice %arg7[%dma_start3A_51, %dma_start3A_52] : memref<2x128xi32, #tpu.memory_space<vmem>> -> memref<1x128xi32, #tpu.memory_space<vmem>>
    %dma_start3A_54 = tpu.memref_squeeze %dma_start3A_53 : memref<1x128xi32, #tpu.memory_space<vmem>> -> memref<128xi32, #tpu.memory_space<vmem>>
    %dma_start3A_55 = arith.constant 0 : i32
    %dma_start3A_56 = arith.constant 0 : i32
    %dma_start3A_57 = tpu.memref_slice %arg3[%dma_start3A_55, %dma_start3A_56] : memref<20480x128xf32, #tpu.memory_space<hbm>> -> memref<20480x128xf32, #tpu.memory_space<hbm>>
    tpu.enqueue_indirect_dma source(%dma_start3A_57 : memref<20480x128xf32, #tpu.memory_space<hbm>>) target(%arg11 : memref<128x128xf32, #tpu.memory_space<vmem>>) offsets(%dma_start3A_54 : memref<128xi32, #tpu.memory_space<vmem>>) semaphore(%arg17 : memref<!tpu.dma_semaphore, #tpu.memory_space<semaphore_mem>>)
    %scan3A = arith.constant 0 : i32
    %scan3A_58 = arith.constant 0 : i32
    %scan3A_59 = arith.constant 79 : i32
    %scan3A_60 = arith.addi %scan3A_58, %scan3A_59 : i32
    %scan3A_61 = arith.constant 1 : i32
    scf.for %scan3A_99 = %scan3A_58 to %scan3A_60 step %scan3A_61  : i32 {
      %mul3A_100 = arith.constant 4 : i32
      %mul3A_101 = arith.muli %mul3A_100, %scan3A_99 : i32
      %add3A_102 = arith.constant 0 : i32
      %add3A_103 = arith.addi %mul3A_101, %add3A_102 : i32
      %gt3A = arith.constant 0 : i32
      %gt3A_104 = arith.cmpi sgt, %add3A_103, %gt3A : i32
      %convert_element_type3A = arith.extui %gt3A_104 : i1 to i32
      %cond3A = arith.constant 0 : i32
      %cond3A_105 = arith.cmpi ne, %convert_element_type3A, %cond3A : i32
      scf.if %cond3A_105 {
        tpu.wait_dma2 semaphore(%arg20 : memref<!tpu.dma_semaphore, #tpu.memory_space<semaphore_mem>>) src(%arg4 : memref<128x128xf32, #tpu.memory_space<hbm>>) dst(%arg11 : memref<128x128xf32, #tpu.memory_space<vmem>>)
      } else {
      }
      %add3A_106 = arith.constant 1 : i32
      %add3A_107 = arith.addi %add3A_103, %add3A_106 : i32
      %lt3A = arith.constant 316 : i32
      %lt3A_108 = arith.cmpi slt, %add3A_107, %lt3A : i32
      %convert_element_type3A_109 = arith.extui %lt3A_108 : i1 to i32
      %cond3A_110 = arith.constant 0 : i32
      %cond3A_111 = arith.cmpi ne, %convert_element_type3A_109, %cond3A_110 : i32
      scf.if %cond3A_111 {
        %dma_wait3A_216 = arith.constant 0 : i32
        %dma_wait3A_217 = arith.constant 0 : i32
        %dma_wait3A_218 = tpu.memref_slice %arg2[%mul3A_14, %dma_wait3A_216, %dma_wait3A_217] : memref<10112x2x128xi32, #tpu.memory_space<hbm>> -> memref<1x2x128xi32, #tpu.memory_space<hbm>>
        %dma_wait3A_219 = tpu.memref_squeeze %dma_wait3A_218 : memref<1x2x128xi32, #tpu.memory_space<hbm>> -> memref<2x128xi32, #tpu.memory_space<hbm>>
        %dma_wait3A_220 = arith.constant 0 : i32
        %dma_wait3A_221 = arith.constant 0 : i32
        %dma_wait3A_222 = tpu.memref_slice %arg2[%mul3A_14, %dma_wait3A_220, %dma_wait3A_221] : memref<10112x2x128xi32, #tpu.memory_space<hbm>> -> memref<1x2x128xi32, #tpu.memory_space<hbm>>
        %dma_wait3A_223 = tpu.memref_squeeze %dma_wait3A_222 : memref<1x2x128xi32, #tpu.memory_space<hbm>> -> memref<2x128xi32, #tpu.memory_space<hbm>>
        tpu.wait_dma2 semaphore(%arg14 : memref<!tpu.dma_semaphore, #tpu.memory_space<semaphore_mem>>) src(%dma_wait3A_223 : memref<2x128xi32, #tpu.memory_space<hbm>>) dst(%arg7 : memref<2x128xi32, #tpu.memory_space<vmem>>)
        %dma_start3A_224 = arith.constant 0 : i32
        %dma_start3A_225 = arith.constant 0 : i32
        %dma_start3A_226 = tpu.memref_slice %arg8[%dma_start3A_224, %dma_start3A_225] : memref<2x128xi32, #tpu.memory_space<vmem>> -> memref<1x128xi32, #tpu.memory_space<vmem>>
        %dma_start3A_227 = tpu.memref_squeeze %dma_start3A_226 : memref<1x128xi32, #tpu.memory_space<vmem>> -> memref<128xi32, #tpu.memory_space<vmem>>
        %dma_start3A_228 = arith.constant 0 : i32
        %dma_start3A_229 = arith.constant 0 : i32
        %dma_start3A_230 = tpu.memref_slice %arg3[%dma_start3A_228, %dma_start3A_229] : memref<20480x128xf32, #tpu.memory_space<hbm>> -> memref<20480x128xf32, #tpu.memory_space<hbm>>
        tpu.enqueue_indirect_dma source(%dma_start3A_230 : memref<20480x128xf32, #tpu.memory_space<hbm>>) target(%arg12 : memref<128x128xf32, #tpu.memory_space<vmem>>) offsets(%dma_start3A_227 : memref<128xi32, #tpu.memory_space<vmem>>) semaphore(%arg18 : memref<!tpu.dma_semaphore, #tpu.memory_space<semaphore_mem>>)
      } else {
      }
      %add3A_112 = arith.constant 3 : i32
      %add3A_113 = arith.addi %add3A_103, %add3A_112 : i32
      %lt3A_114 = arith.constant 316 : i32
      %lt3A_115 = arith.cmpi slt, %add3A_113, %lt3A_114 : i32
      %convert_element_type3A_116 = arith.extui %lt3A_115 : i1 to i32
      %cond3A_117 = arith.constant 0 : i32
      %cond3A_118 = arith.cmpi ne, %convert_element_type3A_116, %cond3A_117 : i32
      scf.if %cond3A_118 {
        %add3A_216 = arith.addi %mul3A_14, %add3A_103 : i32
        %add3A_217 = arith.constant 3 : i32
        %add3A_218 = arith.addi %add3A_216, %add3A_217 : i32
        %dma_start3A_219 = arith.constant 0 : i32
        %dma_start3A_220 = arith.constant 0 : i32
        %dma_start3A_221 = tpu.memref_slice %arg2[%add3A_218, %dma_start3A_219, %dma_start3A_220] : memref<10112x2x128xi32, #tpu.memory_space<hbm>> -> memref<1x2x128xi32, #tpu.memory_space<hbm>>
        %dma_start3A_222 = tpu.memref_squeeze %dma_start3A_221 : memref<1x2x128xi32, #tpu.memory_space<hbm>> -> memref<2x128xi32, #tpu.memory_space<hbm>>
        %dma_start3A_223 = arith.constant 0 : i32
        %dma_start3A_224 = arith.constant 0 : i32
        %dma_start3A_225 = tpu.memref_slice %arg2[%add3A_218, %dma_start3A_223, %dma_start3A_224] : memref<10112x2x128xi32, #tpu.memory_space<hbm>> -> memref<1x2x128xi32, #tpu.memory_space<hbm>>
        %dma_start3A_226 = tpu.memref_squeeze %dma_start3A_225 : memref<1x2x128xi32, #tpu.memory_space<hbm>> -> memref<2x128xi32, #tpu.memory_space<hbm>>
        tpu.enqueue_dma source(%dma_start3A_226 : memref<2x128xi32, #tpu.memory_space<hbm>>) target(%arg10 : memref<2x128xi32, #tpu.memory_space<vmem>>) target_semaphore(%arg16 : memref<!tpu.dma_semaphore, #tpu.memory_space<semaphore_mem>>)
      } else {
      }
      tpu.wait_dma2 semaphore(%arg17 : memref<!tpu.dma_semaphore, #tpu.memory_space<semaphore_mem>>) src(%arg4 : memref<128x128xf32, #tpu.memory_space<hbm>>) dst(%arg11 : memref<128x128xf32, #tpu.memory_space<vmem>>)
      %dma_start3A_119 = arith.constant 1 : i32
      %dma_start3A_120 = arith.constant 0 : i32
      %dma_start3A_121 = tpu.memref_slice %arg7[%dma_start3A_119, %dma_start3A_120] : memref<2x128xi32, #tpu.memory_space<vmem>> -> memref<1x128xi32, #tpu.memory_space<vmem>>
      %dma_start3A_122 = tpu.memref_squeeze %dma_start3A_121 : memref<1x128xi32, #tpu.memory_space<vmem>> -> memref<128xi32, #tpu.memory_space<vmem>>
      %dma_start3A_123 = arith.constant 0 : i32
      %dma_start3A_124 = arith.constant 0 : i32
      %dma_start3A_125 = tpu.memref_slice %arg6[%dma_start3A_123, %dma_start3A_124] : memref<10240x128xf32, #tpu.memory_space<vmem_shared>> -> memref<10240x128xf32, #tpu.memory_space<vmem_shared>>
      tpu.enqueue_indirect_dma source(%arg11 : memref<128x128xf32, #tpu.memory_space<vmem>>) target(%dma_start3A_125 : memref<10240x128xf32, #tpu.memory_space<vmem_shared>>) offsets(%dma_start3A_122 : memref<128xi32, #tpu.memory_space<vmem>>) semaphore(%arg19 : memref<!tpu.dma_semaphore, #tpu.memory_space<semaphore_mem>>) {add = true}
      %mul3A_126 = arith.constant 4 : i32
      %mul3A_127 = arith.muli %mul3A_126, %scan3A_99 : i32
      %add3A_128 = arith.constant 1 : i32
      %add3A_129 = arith.addi %mul3A_127, %add3A_128 : i32
      %gt3A_130 = arith.constant 0 : i32
      %gt3A_131 = arith.cmpi sgt, %add3A_129, %gt3A_130 : i32
      %convert_element_type3A_132 = arith.extui %gt3A_131 : i1 to i32
      %cond3A_133 = arith.constant 0 : i32
      %cond3A_134 = arith.cmpi ne, %convert_element_type3A_132, %cond3A_133 : i32
      scf.if %cond3A_134 {
        tpu.wait_dma2 semaphore(%arg19 : memref<!tpu.dma_semaphore, #tpu.memory_space<semaphore_mem>>) src(%arg4 : memref<128x128xf32, #tpu.memory_space<hbm>>) dst(%arg11 : memref<128x128xf32, #tpu.memory_space<vmem>>)
      } else {
      }
      %add3A_135 = arith.constant 1 : i32
      %add3A_136 = arith.addi %add3A_129, %add3A_135 : i32
      %lt3A_137 = arith.constant 316 : i32
      %lt3A_138 = arith.cmpi slt, %add3A_136, %lt3A_137 : i32
      %convert_element_type3A_139 = arith.extui %lt3A_138 : i1 to i32
      %cond3A_140 = arith.constant 0 : i32
      %cond3A_141 = arith.cmpi ne, %convert_element_type3A_139, %cond3A_140 : i32
      scf.if %cond3A_141 {
        %dma_wait3A_216 = arith.constant 0 : i32
        %dma_wait3A_217 = arith.constant 0 : i32
        %dma_wait3A_218 = tpu.memref_slice %arg2[%mul3A_14, %dma_wait3A_216, %dma_wait3A_217] : memref<10112x2x128xi32, #tpu.memory_space<hbm>> -> memref<1x2x128xi32, #tpu.memory_space<hbm>>
        %dma_wait3A_219 = tpu.memref_squeeze %dma_wait3A_218 : memref<1x2x128xi32, #tpu.memory_space<hbm>> -> memref<2x128xi32, #tpu.memory_space<hbm>>
        %dma_wait3A_220 = arith.constant 0 : i32
        %dma_wait3A_221 = arith.constant 0 : i32
        %dma_wait3A_222 = tpu.memref_slice %arg2[%mul3A_14, %dma_wait3A_220, %dma_wait3A_221] : memref<10112x2x128xi32, #tpu.memory_space<hbm>> -> memref<1x2x128xi32, #tpu.memory_space<hbm>>
        %dma_wait3A_223 = tpu.memref_squeeze %dma_wait3A_222 : memref<1x2x128xi32, #tpu.memory_space<hbm>> -> memref<2x128xi32, #tpu.memory_space<hbm>>
        tpu.wait_dma2 semaphore(%arg15 : memref<!tpu.dma_semaphore, #tpu.memory_space<semaphore_mem>>) src(%dma_wait3A_223 : memref<2x128xi32, #tpu.memory_space<hbm>>) dst(%arg7 : memref<2x128xi32, #tpu.memory_space<vmem>>)
        %dma_start3A_224 = arith.constant 0 : i32
        %dma_start3A_225 = arith.constant 0 : i32
        %dma_start3A_226 = tpu.memref_slice %arg9[%dma_start3A_224, %dma_start3A_225] : memref<2x128xi32, #tpu.memory_space<vmem>> -> memref<1x128xi32, #tpu.memory_space<vmem>>
        %dma_start3A_227 = tpu.memref_squeeze %dma_start3A_226 : memref<1x128xi32, #tpu.memory_space<vmem>> -> memref<128xi32, #tpu.memory_space<vmem>>
        %dma_start3A_228 = arith.constant 0 : i32
        %dma_start3A_229 = arith.constant 0 : i32
        %dma_start3A_230 = tpu.memref_slice %arg3[%dma_start3A_228, %dma_start3A_229] : memref<20480x128xf32, #tpu.memory_space<hbm>> -> memref<20480x128xf32, #tpu.memory_space<hbm>>
        tpu.enqueue_indirect_dma source(%dma_start3A_230 : memref<20480x128xf32, #tpu.memory_space<hbm>>) target(%arg11 : memref<128x128xf32, #tpu.memory_space<vmem>>) offsets(%dma_start3A_227 : memref<128xi32, #tpu.memory_space<vmem>>) semaphore(%arg17 : memref<!tpu.dma_semaphore, #tpu.memory_space<semaphore_mem>>)
      } else {
      }
      %add3A_142 = arith.constant 3 : i32
      %add3A_143 = arith.addi %add3A_129, %add3A_142 : i32
      %lt3A_144 = arith.constant 316 : i32
      %lt3A_145 = arith.cmpi slt, %add3A_143, %lt3A_144 : i32
      %convert_element_type3A_146 = arith.extui %lt3A_145 : i1 to i32
      %cond3A_147 = arith.constant 0 : i32
      %cond3A_148 = arith.cmpi ne, %convert_element_type3A_146, %cond3A_147 : i32
      scf.if %cond3A_148 {
        %add3A_216 = arith.addi %mul3A_14, %add3A_129 : i32
        %add3A_217 = arith.constant 3 : i32
        %add3A_218 = arith.addi %add3A_216, %add3A_217 : i32
        %dma_start3A_219 = arith.constant 0 : i32
        %dma_start3A_220 = arith.constant 0 : i32
        %dma_start3A_221 = tpu.memref_slice %arg2[%add3A_218, %dma_start3A_219, %dma_start3A_220] : memref<10112x2x128xi32, #tpu.memory_space<hbm>> -> memref<1x2x128xi32, #tpu.memory_space<hbm>>
        %dma_start3A_222 = tpu.memref_squeeze %dma_start3A_221 : memref<1x2x128xi32, #tpu.memory_space<hbm>> -> memref<2x128xi32, #tpu.memory_space<hbm>>
        %dma_start3A_223 = arith.constant 0 : i32
        %dma_start3A_224 = arith.constant 0 : i32
        %dma_start3A_225 = tpu.memref_slice %arg2[%add3A_218, %dma_start3A_223, %dma_start3A_224] : memref<10112x2x128xi32, #tpu.memory_space<hbm>> -> memref<1x2x128xi32, #tpu.memory_space<hbm>>
        %dma_start3A_226 = tpu.memref_squeeze %dma_start3A_225 : memref<1x2x128xi32, #tpu.memory_space<hbm>> -> memref<2x128xi32, #tpu.memory_space<hbm>>
        tpu.enqueue_dma source(%dma_start3A_226 : memref<2x128xi32, #tpu.memory_space<hbm>>) target(%arg7 : memref<2x128xi32, #tpu.memory_space<vmem>>) target_semaphore(%arg13 : memref<!tpu.dma_semaphore, #tpu.memory_space<semaphore_mem>>)
      } else {
      }
      tpu.wait_dma2 semaphore(%arg18 : memref<!tpu.dma_semaphore, #tpu.memory_space<semaphore_mem>>) src(%arg4 : memref<128x128xf32, #tpu.memory_space<hbm>>) dst(%arg11 : memref<128x128xf32, #tpu.memory_space<vmem>>)
      %dma_start3A_149 = arith.constant 1 : i32
      %dma_start3A_150 = arith.constant 0 : i32
      %dma_start3A_151 = tpu.memref_slice %arg8[%dma_start3A_149, %dma_start3A_150] : memref<2x128xi32, #tpu.memory_space<vmem>> -> memref<1x128xi32, #tpu.memory_space<vmem>>
      %dma_start3A_152 = tpu.memref_squeeze %dma_start3A_151 : memref<1x128xi32, #tpu.memory_space<vmem>> -> memref<128xi32, #tpu.memory_space<vmem>>
      %dma_start3A_153 = arith.constant 0 : i32
      %dma_start3A_154 = arith.constant 0 : i32
      %dma_start3A_155 = tpu.memref_slice %arg6[%dma_start3A_153, %dma_start3A_154] : memref<10240x128xf32, #tpu.memory_space<vmem_shared>> -> memref<10240x128xf32, #tpu.memory_space<vmem_shared>>
      tpu.enqueue_indirect_dma source(%arg12 : memref<128x128xf32, #tpu.memory_space<vmem>>) target(%dma_start3A_155 : memref<10240x128xf32, #tpu.memory_space<vmem_shared>>) offsets(%dma_start3A_152 : memref<128xi32, #tpu.memory_space<vmem>>) semaphore(%arg20 : memref<!tpu.dma_semaphore, #tpu.memory_space<semaphore_mem>>) {add = true}
      %mul3A_156 = arith.constant 4 : i32
      %mul3A_157 = arith.muli %mul3A_156, %scan3A_99 : i32
      %add3A_158 = arith.constant 2 : i32
      %add3A_159 = arith.addi %mul3A_157, %add3A_158 : i32
      %gt3A_160 = arith.constant 0 : i32
      %gt3A_161 = arith.cmpi sgt, %add3A_159, %gt3A_160 : i32
      %convert_element_type3A_162 = arith.extui %gt3A_161 : i1 to i32
      %cond3A_163 = arith.constant 0 : i32
      %cond3A_164 = arith.cmpi ne, %convert_element_type3A_162, %cond3A_163 : i32
      scf.if %cond3A_164 {
        tpu.wait_dma2 semaphore(%arg20 : memref<!tpu.dma_semaphore, #tpu.memory_space<semaphore_mem>>) src(%arg4 : memref<128x128xf32, #tpu.memory_space<hbm>>) dst(%arg11 : memref<128x128xf32, #tpu.memory_space<vmem>>)
      } else {
      }
      %add3A_165 = arith.constant 1 : i32
      %add3A_166 = arith.addi %add3A_159, %add3A_165 : i32
      %lt3A_167 = arith.constant 316 : i32
      %lt3A_168 = arith.cmpi slt, %add3A_166, %lt3A_167 : i32
      %convert_element_type3A_169 = arith.extui %lt3A_168 : i1 to i32
      %cond3A_170 = arith.constant 0 : i32
      %cond3A_171 = arith.cmpi ne, %convert_element_type3A_169, %cond3A_170 : i32
      scf.if %cond3A_171 {
        %dma_wait3A_216 = arith.constant 0 : i32
        %dma_wait3A_217 = arith.constant 0 : i32
        %dma_wait3A_218 = tpu.memref_slice %arg2[%mul3A_14, %dma_wait3A_216, %dma_wait3A_217] : memref<10112x2x128xi32, #tpu.memory_space<hbm>> -> memref<1x2x128xi32, #tpu.memory_space<hbm>>
        %dma_wait3A_219 = tpu.memref_squeeze %dma_wait3A_218 : memref<1x2x128xi32, #tpu.memory_space<hbm>> -> memref<2x128xi32, #tpu.memory_space<hbm>>
        %dma_wait3A_220 = arith.constant 0 : i32
        %dma_wait3A_221 = arith.constant 0 : i32
        %dma_wait3A_222 = tpu.memref_slice %arg2[%mul3A_14, %dma_wait3A_220, %dma_wait3A_221] : memref<10112x2x128xi32, #tpu.memory_space<hbm>> -> memref<1x2x128xi32, #tpu.memory_space<hbm>>
        %dma_wait3A_223 = tpu.memref_squeeze %dma_wait3A_222 : memref<1x2x128xi32, #tpu.memory_space<hbm>> -> memref<2x128xi32, #tpu.memory_space<hbm>>
        tpu.wait_dma2 semaphore(%arg16 : memref<!tpu.dma_semaphore, #tpu.memory_space<semaphore_mem>>) src(%dma_wait3A_223 : memref<2x128xi32, #tpu.memory_space<hbm>>) dst(%arg7 : memref<2x128xi32, #tpu.memory_space<vmem>>)
        %dma_start3A_224 = arith.constant 0 : i32
        %dma_start3A_225 = arith.constant 0 : i32
        %dma_start3A_226 = tpu.memref_slice %arg10[%dma_start3A_224, %dma_start3A_225] : memref<2x128xi32, #tpu.memory_space<vmem>> -> memref<1x128xi32, #tpu.memory_space<vmem>>
        %dma_start3A_227 = tpu.memref_squeeze %dma_start3A_226 : memref<1x128xi32, #tpu.memory_space<vmem>> -> memref<128xi32, #tpu.memory_space<vmem>>
        %dma_start3A_228 = arith.constant 0 : i32
        %dma_start3A_229 = arith.constant 0 : i32
        %dma_start3A_230 = tpu.memref_slice %arg3[%dma_start3A_228, %dma_start3A_229] : memref<20480x128xf32, #tpu.memory_space<hbm>> -> memref<20480x128xf32, #tpu.memory_space<hbm>>
        tpu.enqueue_indirect_dma source(%dma_start3A_230 : memref<20480x128xf32, #tpu.memory_space<hbm>>) target(%arg12 : memref<128x128xf32, #tpu.memory_space<vmem>>) offsets(%dma_start3A_227 : memref<128xi32, #tpu.memory_space<vmem>>) semaphore(%arg18 : memref<!tpu.dma_semaphore, #tpu.memory_space<semaphore_mem>>)
      } else {
      }
      %add3A_172 = arith.constant 3 : i32
      %add3A_173 = arith.addi %add3A_159, %add3A_172 : i32
      %lt3A_174 = arith.constant 316 : i32
      %lt3A_175 = arith.cmpi slt, %add3A_173, %lt3A_174 : i32
      %convert_element_type3A_176 = arith.extui %lt3A_175 : i1 to i32
      %cond3A_177 = arith.constant 0 : i32
      %cond3A_178 = arith.cmpi ne, %convert_element_type3A_176, %cond3A_177 : i32
      scf.if %cond3A_178 {
        %add3A_216 = arith.addi %mul3A_14, %add3A_159 : i32
        %add3A_217 = arith.constant 3 : i32
        %add3A_218 = arith.addi %add3A_216, %add3A_217 : i32
        %dma_start3A_219 = arith.constant 0 : i32
        %dma_start3A_220 = arith.constant 0 : i32
        %dma_start3A_221 = tpu.memref_slice %arg2[%add3A_218, %dma_start3A_219, %dma_start3A_220] : memref<10112x2x128xi32, #tpu.memory_space<hbm>> -> memref<1x2x128xi32, #tpu.memory_space<hbm>>
        %dma_start3A_222 = tpu.memref_squeeze %dma_start3A_221 : memref<1x2x128xi32, #tpu.memory_space<hbm>> -> memref<2x128xi32, #tpu.memory_space<hbm>>
        %dma_start3A_223 = arith.constant 0 : i32
        %dma_start3A_224 = arith.constant 0 : i32
        %dma_start3A_225 = tpu.memref_slice %arg2[%add3A_218, %dma_start3A_223, %dma_start3A_224] : memref<10112x2x128xi32, #tpu.memory_space<hbm>> -> memref<1x2x128xi32, #tpu.memory_space<hbm>>
        %dma_start3A_226 = tpu.memref_squeeze %dma_start3A_225 : memref<1x2x128xi32, #tpu.memory_space<hbm>> -> memref<2x128xi32, #tpu.memory_space<hbm>>
        tpu.enqueue_dma source(%dma_start3A_226 : memref<2x128xi32, #tpu.memory_space<hbm>>) target(%arg8 : memref<2x128xi32, #tpu.memory_space<vmem>>) target_semaphore(%arg14 : memref<!tpu.dma_semaphore, #tpu.memory_space<semaphore_mem>>)
      } else {
      }
      tpu.wait_dma2 semaphore(%arg17 : memref<!tpu.dma_semaphore, #tpu.memory_space<semaphore_mem>>) src(%arg4 : memref<128x128xf32, #tpu.memory_space<hbm>>) dst(%arg11 : memref<128x128xf32, #tpu.memory_space<vmem>>)
      %dma_start3A_179 = arith.constant 1 : i32
      %dma_start3A_180 = arith.constant 0 : i32
      %dma_start3A_181 = tpu.memref_slice %arg9[%dma_start3A_179, %dma_start3A_180] : memref<2x128xi32, #tpu.memory_space<vmem>> -> memref<1x128xi32, #tpu.memory_space<vmem>>
      %dma_start3A_182 = tpu.memref_squeeze %dma_start3A_181 : memref<1x128xi32, #tpu.memory_space<vmem>> -> memref<128xi32, #tpu.memory_space<vmem>>
      %dma_start3A_183 = arith.constant 0 : i32
      %dma_start3A_184 = arith.constant 0 : i32
      %dma_start3A_185 = tpu.memref_slice %arg6[%dma_start3A_183, %dma_start3A_184] : memref<10240x128xf32, #tpu.memory_space<vmem_shared>> -> memref<10240x128xf32, #tpu.memory_space<vmem_shared>>
      tpu.enqueue_indirect_dma source(%arg11 : memref<128x128xf32, #tpu.memory_space<vmem>>) target(%dma_start3A_185 : memref<10240x128xf32, #tpu.memory_space<vmem_shared>>) offsets(%dma_start3A_182 : memref<128xi32, #tpu.memory_space<vmem>>) semaphore(%arg19 : memref<!tpu.dma_semaphore, #tpu.memory_space<semaphore_mem>>) {add = true}
      %mul3A_186 = arith.constant 4 : i32
      %mul3A_187 = arith.muli %mul3A_186, %scan3A_99 : i32
      %add3A_188 = arith.constant 3 : i32
      %add3A_189 = arith.addi %mul3A_187, %add3A_188 : i32
      %gt3A_190 = arith.constant 0 : i32
      %gt3A_191 = arith.cmpi sgt, %add3A_189, %gt3A_190 : i32
      %convert_element_type3A_192 = arith.extui %gt3A_191 : i1 to i32
      %cond3A_193 = arith.constant 0 : i32
      %cond3A_194 = arith.cmpi ne, %convert_element_type3A_192, %cond3A_193 : i32
      scf.if %cond3A_194 {
        tpu.wait_dma2 semaphore(%arg19 : memref<!tpu.dma_semaphore, #tpu.memory_space<semaphore_mem>>) src(%arg4 : memref<128x128xf32, #tpu.memory_space<hbm>>) dst(%arg11 : memref<128x128xf32, #tpu.memory_space<vmem>>)
      } else {
      }
      %add3A_195 = arith.constant 1 : i32
      %add3A_196 = arith.addi %add3A_189, %add3A_195 : i32
      %lt3A_197 = arith.constant 316 : i32
      %lt3A_198 = arith.cmpi slt, %add3A_196, %lt3A_197 : i32
      %convert_element_type3A_199 = arith.extui %lt3A_198 : i1 to i32
      %cond3A_200 = arith.constant 0 : i32
      %cond3A_201 = arith.cmpi ne, %convert_element_type3A_199, %cond3A_200 : i32
      scf.if %cond3A_201 {
        %dma_wait3A_216 = arith.constant 0 : i32
        %dma_wait3A_217 = arith.constant 0 : i32
        %dma_wait3A_218 = tpu.memref_slice %arg2[%mul3A_14, %dma_wait3A_216, %dma_wait3A_217] : memref<10112x2x128xi32, #tpu.memory_space<hbm>> -> memref<1x2x128xi32, #tpu.memory_space<hbm>>
        %dma_wait3A_219 = tpu.memref_squeeze %dma_wait3A_218 : memref<1x2x128xi32, #tpu.memory_space<hbm>> -> memref<2x128xi32, #tpu.memory_space<hbm>>
        %dma_wait3A_220 = arith.constant 0 : i32
        %dma_wait3A_221 = arith.constant 0 : i32
        %dma_wait3A_222 = tpu.memref_slice %arg2[%mul3A_14, %dma_wait3A_220, %dma_wait3A_221] : memref<10112x2x128xi32, #tpu.memory_space<hbm>> -> memref<1x2x128xi32, #tpu.memory_space<hbm>>
        %dma_wait3A_223 = tpu.memref_squeeze %dma_wait3A_222 : memref<1x2x128xi32, #tpu.memory_space<hbm>> -> memref<2x128xi32, #tpu.memory_space<hbm>>
        tpu.wait_dma2 semaphore(%arg13 : memref<!tpu.dma_semaphore, #tpu.memory_space<semaphore_mem>>) src(%dma_wait3A_223 : memref<2x128xi32, #tpu.memory_space<hbm>>) dst(%arg7 : memref<2x128xi32, #tpu.memory_space<vmem>>)
        %dma_start3A_224 = arith.constant 0 : i32
        %dma_start3A_225 = arith.constant 0 : i32
        %dma_start3A_226 = tpu.memref_slice %arg7[%dma_start3A_224, %dma_start3A_225] : memref<2x128xi32, #tpu.memory_space<vmem>> -> memref<1x128xi32, #tpu.memory_space<vmem>>
        %dma_start3A_227 = tpu.memref_squeeze %dma_start3A_226 : memref<1x128xi32, #tpu.memory_space<vmem>> -> memref<128xi32, #tpu.memory_space<vmem>>
        %dma_start3A_228 = arith.constant 0 : i32
        %dma_start3A_229 = arith.constant 0 : i32
        %dma_start3A_230 = tpu.memref_slice %arg3[%dma_start3A_228, %dma_start3A_229] : memref<20480x128xf32, #tpu.memory_space<hbm>> -> memref<20480x128xf32, #tpu.memory_space<hbm>>
        tpu.enqueue_indirect_dma source(%dma_start3A_230 : memref<20480x128xf32, #tpu.memory_space<hbm>>) target(%arg11 : memref<128x128xf32, #tpu.memory_space<vmem>>) offsets(%dma_start3A_227 : memref<128xi32, #tpu.memory_space<vmem>>) semaphore(%arg17 : memref<!tpu.dma_semaphore, #tpu.memory_space<semaphore_mem>>)
      } else {
      }
      %add3A_202 = arith.constant 3 : i32
      %add3A_203 = arith.addi %add3A_189, %add3A_202 : i32
      %lt3A_204 = arith.constant 316 : i32
      %lt3A_205 = arith.cmpi slt, %add3A_203, %lt3A_204 : i32
      %convert_element_type3A_206 = arith.extui %lt3A_205 : i1 to i32
      %cond3A_207 = arith.constant 0 : i32
      %cond3A_208 = arith.cmpi ne, %convert_element_type3A_206, %cond3A_207 : i32
      scf.if %cond3A_208 {
        %add3A_216 = arith.addi %mul3A_14, %add3A_189 : i32
        %add3A_217 = arith.constant 3 : i32
        %add3A_218 = arith.addi %add3A_216, %add3A_217 : i32
        %dma_start3A_219 = arith.constant 0 : i32
        %dma_start3A_220 = arith.constant 0 : i32
        %dma_start3A_221 = tpu.memref_slice %arg2[%add3A_218, %dma_start3A_219, %dma_start3A_220] : memref<10112x2x128xi32, #tpu.memory_space<hbm>> -> memref<1x2x128xi32, #tpu.memory_space<hbm>>
        %dma_start3A_222 = tpu.memref_squeeze %dma_start3A_221 : memref<1x2x128xi32, #tpu.memory_space<hbm>> -> memref<2x128xi32, #tpu.memory_space<hbm>>
        %dma_start3A_223 = arith.constant 0 : i32
        %dma_start3A_224 = arith.constant 0 : i32
        %dma_start3A_225 = tpu.memref_slice %arg2[%add3A_218, %dma_start3A_223, %dma_start3A_224] : memref<10112x2x128xi32, #tpu.memory_space<hbm>> -> memref<1x2x128xi32, #tpu.memory_space<hbm>>
        %dma_start3A_226 = tpu.memref_squeeze %dma_start3A_225 : memref<1x2x128xi32, #tpu.memory_space<hbm>> -> memref<2x128xi32, #tpu.memory_space<hbm>>
        tpu.enqueue_dma source(%dma_start3A_226 : memref<2x128xi32, #tpu.memory_space<hbm>>) target(%arg9 : memref<2x128xi32, #tpu.memory_space<vmem>>) target_semaphore(%arg15 : memref<!tpu.dma_semaphore, #tpu.memory_space<semaphore_mem>>)
      } else {
      }
      tpu.wait_dma2 semaphore(%arg18 : memref<!tpu.dma_semaphore, #tpu.memory_space<semaphore_mem>>) src(%arg4 : memref<128x128xf32, #tpu.memory_space<hbm>>) dst(%arg11 : memref<128x128xf32, #tpu.memory_space<vmem>>)
      %dma_start3A_209 = arith.constant 1 : i32
      %dma_start3A_210 = arith.constant 0 : i32
      %dma_start3A_211 = tpu.memref_slice %arg10[%dma_start3A_209, %dma_start3A_210] : memref<2x128xi32, #tpu.memory_space<vmem>> -> memref<1x128xi32, #tpu.memory_space<vmem>>
      %dma_start3A_212 = tpu.memref_squeeze %dma_start3A_211 : memref<1x128xi32, #tpu.memory_space<vmem>> -> memref<128xi32, #tpu.memory_space<vmem>>
      %dma_start3A_213 = arith.constant 0 : i32
      %dma_start3A_214 = arith.constant 0 : i32
      %dma_start3A_215 = tpu.memref_slice %arg6[%dma_start3A_213, %dma_start3A_214] : memref<10240x128xf32, #tpu.memory_space<vmem_shared>> -> memref<10240x128xf32, #tpu.memory_space<vmem_shared>>
      tpu.enqueue_indirect_dma source(%arg12 : memref<128x128xf32, #tpu.memory_space<vmem>>) target(%dma_start3A_215 : memref<10240x128xf32, #tpu.memory_space<vmem_shared>>) offsets(%dma_start3A_212 : memref<128xi32, #tpu.memory_space<vmem>>) semaphore(%arg20 : memref<!tpu.dma_semaphore, #tpu.memory_space<semaphore_mem>>) {add = true}
    }
    %scan3A_62 = arith.constant 79 : i32
    tpu.wait_dma2 semaphore(%arg20 : memref<!tpu.dma_semaphore, #tpu.memory_space<semaphore_mem>>) src(%arg4 : memref<128x128xf32, #tpu.memory_space<hbm>>) dst(%arg11 : memref<128x128xf32, #tpu.memory_space<vmem>>)
    %barrier3A_63 = arith.constant 0 : index
    tpu.barrier barrier_id(%barrier3A_63)
    %add3A_64 = arith.constant 0 : i32
    %add3A_65 = arith.addi %mul3A_0, %add3A_64 : i32
    "tpu.region"() ({
      %run_scoped3A = tpu.sem_alloc : memref<!tpu.dma_semaphore, #tpu.memory_space<semaphore_mem>>
      %dma_start3A_99 = arith.constant 0 : i32
      %dma_start3A_100 = tpu.memref_slice %arg6[%add3A_65, %dma_start3A_99] : memref<10240x128xf32, #tpu.memory_space<vmem_shared>> -> memref<128x128xf32, #tpu.memory_space<vmem_shared>>
      %dma_start3A_101 = arith.constant 0 : i32
      %dma_start3A_102 = tpu.memref_slice %arg6[%add3A_65, %dma_start3A_101] : memref<10240x128xf32, #tpu.memory_space<vmem_shared>> -> memref<128x128xf32, #tpu.memory_space<vmem_shared>>
      tpu.enqueue_dma source(%dma_start3A_102 : memref<128x128xf32, #tpu.memory_space<vmem_shared>>) target(%arg11 : memref<128x128xf32, #tpu.memory_space<vmem>>) target_semaphore(%run_scoped3A : memref<!tpu.dma_semaphore, #tpu.memory_space<semaphore_mem>>)
      %dma_wait3A_103 = arith.constant 0 : i32
      %dma_wait3A_104 = tpu.memref_slice %arg6[%add3A_65, %dma_wait3A_103] : memref<10240x128xf32, #tpu.memory_space<vmem_shared>> -> memref<128x128xf32, #tpu.memory_space<vmem_shared>>
      %dma_wait3A_105 = arith.constant 0 : i32
      %dma_wait3A_106 = tpu.memref_slice %arg6[%add3A_65, %dma_wait3A_105] : memref<10240x128xf32, #tpu.memory_space<vmem_shared>> -> memref<128x128xf32, #tpu.memory_space<vmem_shared>>
      tpu.wait_dma2 semaphore(%run_scoped3A : memref<!tpu.dma_semaphore, #tpu.memory_space<semaphore_mem>>) src(%dma_wait3A_106 : memref<128x128xf32, #tpu.memory_space<vmem_shared>>) dst(%arg11 : memref<128x128xf32, #tpu.memory_space<vmem>>)
      tpu.yield
    }) : () -> ()
    %mul3A_66 = arith.constant 10240 : i32
    %mul3A_67 = arith.muli %arg0, %mul3A_66 : i32
    %add3A_68 = arith.addi %mul3A_67, %mul3A_0 : i32
    %add3A_69 = arith.constant 0 : i32
    %add3A_70 = arith.addi %add3A_68, %add3A_69 : i32
    "tpu.region"() ({
      %run_scoped3A = tpu.sem_alloc : memref<!tpu.dma_semaphore, #tpu.memory_space<semaphore_mem>>
      %dma_start3A_99 = arith.constant 0 : i32
      %dma_start3A_100 = tpu.memref_slice %arg5[%add3A_70, %dma_start3A_99] : memref<20480x128xf32, #tpu.memory_space<hbm>> -> memref<128x128xf32, #tpu.memory_space<hbm>>
      %dma_start3A_101 = arith.constant 0 : i32
      %dma_start3A_102 = tpu.memref_slice %arg5[%add3A_70, %dma_start3A_101] : memref<20480x128xf32, #tpu.memory_space<hbm>> -> memref<128x128xf32, #tpu.memory_space<hbm>>
      tpu.enqueue_dma source(%arg11 : memref<128x128xf32, #tpu.memory_space<vmem>>) target(%dma_start3A_102 : memref<128x128xf32, #tpu.memory_space<hbm>>) target_semaphore(%run_scoped3A : memref<!tpu.dma_semaphore, #tpu.memory_space<semaphore_mem>>)
      %dma_wait3A_103 = arith.constant 0 : i32
      %dma_wait3A_104 = tpu.memref_slice %arg5[%add3A_70, %dma_wait3A_103] : memref<20480x128xf32, #tpu.memory_space<hbm>> -> memref<128x128xf32, #tpu.memory_space<hbm>>
      %dma_wait3A_105 = arith.constant 0 : i32
      %dma_wait3A_106 = tpu.memref_slice %arg5[%add3A_70, %dma_wait3A_105] : memref<20480x128xf32, #tpu.memory_space<hbm>> -> memref<128x128xf32, #tpu.memory_space<hbm>>
      tpu.wait_dma2 semaphore(%run_scoped3A : memref<!tpu.dma_semaphore, #tpu.memory_space<semaphore_mem>>) src(%arg11 : memref<128x128xf32, #tpu.memory_space<vmem>>) dst(%dma_wait3A_106 : memref<128x128xf32, #tpu.memory_space<hbm>>)
      tpu.yield
    }) : () -> ()
    %add3A_71 = arith.constant 128 : i32
    %add3A_72 = arith.addi %mul3A_0, %add3A_71 : i32
    "tpu.region"() ({
      %run_scoped3A = tpu.sem_alloc : memref<!tpu.dma_semaphore, #tpu.memory_space<semaphore_mem>>
      %dma_start3A_99 = arith.constant 0 : i32
      %dma_start3A_100 = tpu.memref_slice %arg6[%add3A_72, %dma_start3A_99] : memref<10240x128xf32, #tpu.memory_space<vmem_shared>> -> memref<128x128xf32, #tpu.memory_space<vmem_shared>>
      %dma_start3A_101 = arith.constant 0 : i32
      %dma_start3A_102 = tpu.memref_slice %arg6[%add3A_72, %dma_start3A_101] : memref<10240x128xf32, #tpu.memory_space<vmem_shared>> -> memref<128x128xf32, #tpu.memory_space<vmem_shared>>
      tpu.enqueue_dma source(%dma_start3A_102 : memref<128x128xf32, #tpu.memory_space<vmem_shared>>) target(%arg11 : memref<128x128xf32, #tpu.memory_space<vmem>>) target_semaphore(%run_scoped3A : memref<!tpu.dma_semaphore, #tpu.memory_space<semaphore_mem>>)
      %dma_wait3A_103 = arith.constant 0 : i32
      %dma_wait3A_104 = tpu.memref_slice %arg6[%add3A_72, %dma_wait3A_103] : memref<10240x128xf32, #tpu.memory_space<vmem_shared>> -> memref<128x128xf32, #tpu.memory_space<vmem_shared>>
      %dma_wait3A_105 = arith.constant 0 : i32
      %dma_wait3A_106 = tpu.memref_slice %arg6[%add3A_72, %dma_wait3A_105] : memref<10240x128xf32, #tpu.memory_space<vmem_shared>> -> memref<128x128xf32, #tpu.memory_space<vmem_shared>>
      tpu.wait_dma2 semaphore(%run_scoped3A : memref<!tpu.dma_semaphore, #tpu.memory_space<semaphore_mem>>) src(%dma_wait3A_106 : memref<128x128xf32, #tpu.memory_space<vmem_shared>>) dst(%arg11 : memref<128x128xf32, #tpu.memory_space<vmem>>)
      tpu.yield
    }) : () -> ()
    %mul3A_73 = arith.constant 10240 : i32
    %mul3A_74 = arith.muli %arg0, %mul3A_73 : i32
    %add3A_75 = arith.addi %mul3A_74, %mul3A_0 : i32
    %add3A_76 = arith.constant 128 : i32
    %add3A_77 = arith.addi %add3A_75, %add3A_76 : i32
    "tpu.region"() ({
      %run_scoped3A = tpu.sem_alloc : memref<!tpu.dma_semaphore, #tpu.memory_space<semaphore_mem>>
      %dma_start3A_99 = arith.constant 0 : i32
      %dma_start3A_100 = tpu.memref_slice %arg5[%add3A_77, %dma_start3A_99] : memref<20480x128xf32, #tpu.memory_space<hbm>> -> memref<128x128xf32, #tpu.memory_space<hbm>>
      %dma_start3A_101 = arith.constant 0 : i32
      %dma_start3A_102 = tpu.memref_slice %arg5[%add3A_77, %dma_start3A_101] : memref<20480x128xf32, #tpu.memory_space<hbm>> -> memref<128x128xf32, #tpu.memory_space<hbm>>
      tpu.enqueue_dma source(%arg11 : memref<128x128xf32, #tpu.memory_space<vmem>>) target(%dma_start3A_102 : memref<128x128xf32, #tpu.memory_space<hbm>>) target_semaphore(%run_scoped3A : memref<!tpu.dma_semaphore, #tpu.memory_space<semaphore_mem>>)
      %dma_wait3A_103 = arith.constant 0 : i32
      %dma_wait3A_104 = tpu.memref_slice %arg5[%add3A_77, %dma_wait3A_103] : memref<20480x128xf32, #tpu.memory_space<hbm>> -> memref<128x128xf32, #tpu.memory_space<hbm>>
      %dma_wait3A_105 = arith.constant 0 : i32
      %dma_wait3A_106 = tpu.memref_slice %arg5[%add3A_77, %dma_wait3A_105] : memref<20480x128xf32, #tpu.memory_space<hbm>> -> memref<128x128xf32, #tpu.memory_space<hbm>>
      tpu.wait_dma2 semaphore(%run_scoped3A : memref<!tpu.dma_semaphore, #tpu.memory_space<semaphore_mem>>) src(%arg11 : memref<128x128xf32, #tpu.memory_space<vmem>>) dst(%dma_wait3A_106 : memref<128x128xf32, #tpu.memory_space<hbm>>)
      tpu.yield
    }) : () -> ()
    %add3A_78 = arith.constant 256 : i32
    %add3A_79 = arith.addi %mul3A_0, %add3A_78 : i32
    "tpu.region"() ({
      %run_scoped3A = tpu.sem_alloc : memref<!tpu.dma_semaphore, #tpu.memory_space<semaphore_mem>>
      %dma_start3A_99 = arith.constant 0 : i32
      %dma_start3A_100 = tpu.memref_slice %arg6[%add3A_79, %dma_start3A_99] : memref<10240x128xf32, #tpu.memory_space<vmem_shared>> -> memref<128x128xf32, #tpu.memory_space<vmem_shared>>
      %dma_start3A_101 = arith.constant 0 : i32
      %dma_start3A_102 = tpu.memref_slice %arg6[%add3A_79, %dma_start3A_101] : memref<10240x128xf32, #tpu.memory_space<vmem_shared>> -> memref<128x128xf32, #tpu.memory_space<vmem_shared>>
      tpu.enqueue_dma source(%dma_start3A_102 : memref<128x128xf32, #tpu.memory_space<vmem_shared>>) target(%arg11 : memref<128x128xf32, #tpu.memory_space<vmem>>) target_semaphore(%run_scoped3A : memref<!tpu.dma_semaphore, #tpu.memory_space<semaphore_mem>>)
      %dma_wait3A_103 = arith.constant 0 : i32
      %dma_wait3A_104 = tpu.memref_slice %arg6[%add3A_79, %dma_wait3A_103] : memref<10240x128xf32, #tpu.memory_space<vmem_shared>> -> memref<128x128xf32, #tpu.memory_space<vmem_shared>>
      %dma_wait3A_105 = arith.constant 0 : i32
      %dma_wait3A_106 = tpu.memref_slice %arg6[%add3A_79, %dma_wait3A_105] : memref<10240x128xf32, #tpu.memory_space<vmem_shared>> -> memref<128x128xf32, #tpu.memory_space<vmem_shared>>
      tpu.wait_dma2 semaphore(%run_scoped3A : memref<!tpu.dma_semaphore, #tpu.memory_space<semaphore_mem>>) src(%dma_wait3A_106 : memref<128x128xf32, #tpu.memory_space<vmem_shared>>) dst(%arg11 : memref<128x128xf32, #tpu.memory_space<vmem>>)
      tpu.yield
    }) : () -> ()
    %mul3A_80 = arith.constant 10240 : i32
    %mul3A_81 = arith.muli %arg0, %mul3A_80 : i32
    %add3A_82 = arith.addi %mul3A_81, %mul3A_0 : i32
    %add3A_83 = arith.constant 256 : i32
    %add3A_84 = arith.addi %add3A_82, %add3A_83 : i32
    "tpu.region"() ({
      %run_scoped3A = tpu.sem_alloc : memref<!tpu.dma_semaphore, #tpu.memory_space<semaphore_mem>>
      %dma_start3A_99 = arith.constant 0 : i32
      %dma_start3A_100 = tpu.memref_slice %arg5[%add3A_84, %dma_start3A_99] : memref<20480x128xf32, #tpu.memory_space<hbm>> -> memref<128x128xf32, #tpu.memory_space<hbm>>
      %dma_start3A_101 = arith.constant 0 : i32
      %dma_start3A_102 = tpu.memref_slice %arg5[%add3A_84, %dma_start3A_101] : memref<20480x128xf32, #tpu.memory_space<hbm>> -> memref<128x128xf32, #tpu.memory_space<hbm>>
      tpu.enqueue_dma source(%arg11 : memref<128x128xf32, #tpu.memory_space<vmem>>) target(%dma_start3A_102 : memref<128x128xf32, #tpu.memory_space<hbm>>) target_semaphore(%run_scoped3A : memref<!tpu.dma_semaphore, #tpu.memory_space<semaphore_mem>>)
      %dma_wait3A_103 = arith.constant 0 : i32
      %dma_wait3A_104 = tpu.memref_slice %arg5[%add3A_84, %dma_wait3A_103] : memref<20480x128xf32, #tpu.memory_space<hbm>> -> memref<128x128xf32, #tpu.memory_space<hbm>>
      %dma_wait3A_105 = arith.constant 0 : i32
      %dma_wait3A_106 = tpu.memref_slice %arg5[%add3A_84, %dma_wait3A_105] : memref<20480x128xf32, #tpu.memory_space<hbm>> -> memref<128x128xf32, #tpu.memory_space<hbm>>
      tpu.wait_dma2 semaphore(%run_scoped3A : memref<!tpu.dma_semaphore, #tpu.memory_space<semaphore_mem>>) src(%arg11 : memref<128x128xf32, #tpu.memory_space<vmem>>) dst(%dma_wait3A_106 : memref<128x128xf32, #tpu.memory_space<hbm>>)
      tpu.yield
    }) : () -> ()
    %add3A_85 = arith.constant 384 : i32
    %add3A_86 = arith.addi %mul3A_0, %add3A_85 : i32
    "tpu.region"() ({
      %run_scoped3A = tpu.sem_alloc : memref<!tpu.dma_semaphore, #tpu.memory_space<semaphore_mem>>
      %dma_start3A_99 = arith.constant 0 : i32
      %dma_start3A_100 = tpu.memref_slice %arg6[%add3A_86, %dma_start3A_99] : memref<10240x128xf32, #tpu.memory_space<vmem_shared>> -> memref<128x128xf32, #tpu.memory_space<vmem_shared>>
      %dma_start3A_101 = arith.constant 0 : i32
      %dma_start3A_102 = tpu.memref_slice %arg6[%add3A_86, %dma_start3A_101] : memref<10240x128xf32, #tpu.memory_space<vmem_shared>> -> memref<128x128xf32, #tpu.memory_space<vmem_shared>>
      tpu.enqueue_dma source(%dma_start3A_102 : memref<128x128xf32, #tpu.memory_space<vmem_shared>>) target(%arg11 : memref<128x128xf32, #tpu.memory_space<vmem>>) target_semaphore(%run_scoped3A : memref<!tpu.dma_semaphore, #tpu.memory_space<semaphore_mem>>)
      %dma_wait3A_103 = arith.constant 0 : i32
      %dma_wait3A_104 = tpu.memref_slice %arg6[%add3A_86, %dma_wait3A_103] : memref<10240x128xf32, #tpu.memory_space<vmem_shared>> -> memref<128x128xf32, #tpu.memory_space<vmem_shared>>
      %dma_wait3A_105 = arith.constant 0 : i32
      %dma_wait3A_106 = tpu.memref_slice %arg6[%add3A_86, %dma_wait3A_105] : memref<10240x128xf32, #tpu.memory_space<vmem_shared>> -> memref<128x128xf32, #tpu.memory_space<vmem_shared>>
      tpu.wait_dma2 semaphore(%run_scoped3A : memref<!tpu.dma_semaphore, #tpu.memory_space<semaphore_mem>>) src(%dma_wait3A_106 : memref<128x128xf32, #tpu.memory_space<vmem_shared>>) dst(%arg11 : memref<128x128xf32, #tpu.memory_space<vmem>>)
      tpu.yield
    }) : () -> ()
    %mul3A_87 = arith.constant 10240 : i32
    %mul3A_88 = arith.muli %arg0, %mul3A_87 : i32
    %add3A_89 = arith.addi %mul3A_88, %mul3A_0 : i32
    %add3A_90 = arith.constant 384 : i32
    %add3A_91 = arith.addi %add3A_89, %add3A_90 : i32
    "tpu.region"() ({
      %run_scoped3A = tpu.sem_alloc : memref<!tpu.dma_semaphore, #tpu.memory_space<semaphore_mem>>
      %dma_start3A_99 = arith.constant 0 : i32
      %dma_start3A_100 = tpu.memref_slice %arg5[%add3A_91, %dma_start3A_99] : memref<20480x128xf32, #tpu.memory_space<hbm>> -> memref<128x128xf32, #tpu.memory_space<hbm>>
      %dma_start3A_101 = arith.constant 0 : i32
      %dma_start3A_102 = tpu.memref_slice %arg5[%add3A_91, %dma_start3A_101] : memref<20480x128xf32, #tpu.memory_space<hbm>> -> memref<128x128xf32, #tpu.memory_space<hbm>>
      tpu.enqueue_dma source(%arg11 : memref<128x128xf32, #tpu.memory_space<vmem>>) target(%dma_start3A_102 : memref<128x128xf32, #tpu.memory_space<hbm>>) target_semaphore(%run_scoped3A : memref<!tpu.dma_semaphore, #tpu.memory_space<semaphore_mem>>)
      %dma_wait3A_103 = arith.constant 0 : i32
      %dma_wait3A_104 = tpu.memref_slice %arg5[%add3A_91, %dma_wait3A_103] : memref<20480x128xf32, #tpu.memory_space<hbm>> -> memref<128x128xf32, #tpu.memory_space<hbm>>
      %dma_wait3A_105 = arith.constant 0 : i32
      %dma_wait3A_106 = tpu.memref_slice %arg5[%add3A_91, %dma_wait3A_105] : memref<20480x128xf32, #tpu.memory_space<hbm>> -> memref<128x128xf32, #tpu.memory_space<hbm>>
      tpu.wait_dma2 semaphore(%run_scoped3A : memref<!tpu.dma_semaphore, #tpu.memory_space<semaphore_mem>>) src(%arg11 : memref<128x128xf32, #tpu.memory_space<vmem>>) dst(%dma_wait3A_106 : memref<128x128xf32, #tpu.memory_space<hbm>>)
      tpu.yield
    }) : () -> ()
    %add3A_92 = arith.constant 512 : i32
    %add3A_93 = arith.addi %mul3A_0, %add3A_92 : i32
    "tpu.region"() ({
      %run_scoped3A = tpu.sem_alloc : memref<!tpu.dma_semaphore, #tpu.memory_space<semaphore_mem>>
      %dma_start3A_99 = arith.constant 0 : i32
      %dma_start3A_100 = tpu.memref_slice %arg6[%add3A_93, %dma_start3A_99] : memref<10240x128xf32, #tpu.memory_space<vmem_shared>> -> memref<128x128xf32, #tpu.memory_space<vmem_shared>>
      %dma_start3A_101 = arith.constant 0 : i32
      %dma_start3A_102 = tpu.memref_slice %arg6[%add3A_93, %dma_start3A_101] : memref<10240x128xf32, #tpu.memory_space<vmem_shared>> -> memref<128x128xf32, #tpu.memory_space<vmem_shared>>
      tpu.enqueue_dma source(%dma_start3A_102 : memref<128x128xf32, #tpu.memory_space<vmem_shared>>) target(%arg11 : memref<128x128xf32, #tpu.memory_space<vmem>>) target_semaphore(%run_scoped3A : memref<!tpu.dma_semaphore, #tpu.memory_space<semaphore_mem>>)
      %dma_wait3A_103 = arith.constant 0 : i32
      %dma_wait3A_104 = tpu.memref_slice %arg6[%add3A_93, %dma_wait3A_103] : memref<10240x128xf32, #tpu.memory_space<vmem_shared>> -> memref<128x128xf32, #tpu.memory_space<vmem_shared>>
      %dma_wait3A_105 = arith.constant 0 : i32
      %dma_wait3A_106 = tpu.memref_slice %arg6[%add3A_93, %dma_wait3A_105] : memref<10240x128xf32, #tpu.memory_space<vmem_shared>> -> memref<128x128xf32, #tpu.memory_space<vmem_shared>>
      tpu.wait_dma2 semaphore(%run_scoped3A : memref<!tpu.dma_semaphore, #tpu.memory_space<semaphore_mem>>) src(%dma_wait3A_106 : memref<128x128xf32, #tpu.memory_space<vmem_shared>>) dst(%arg11 : memref<128x128xf32, #tpu.memory_space<vmem>>)
      tpu.yield
    }) : () -> ()
    %mul3A_94 = arith.constant 10240 : i32
    %mul3A_95 = arith.muli %arg0, %mul3A_94 : i32
    %add3A_96 = arith.addi %mul3A_95, %mul3A_0 : i32
    %add3A_97 = arith.constant 512 : i32
    %add3A_98 = arith.addi %add3A_96, %add3A_97 : i32
    "tpu.region"() ({
      %run_scoped3A = tpu.sem_alloc : memref<!tpu.dma_semaphore, #tpu.memory_space<semaphore_mem>>
      %dma_start3A_99 = arith.constant 0 : i32
      %dma_start3A_100 = tpu.memref_slice %arg5[%add3A_98, %dma_start3A_99] : memref<20480x128xf32, #tpu.memory_space<hbm>> -> memref<128x128xf32, #tpu.memory_space<hbm>>
      %dma_start3A_101 = arith.constant 0 : i32
      %dma_start3A_102 = tpu.memref_slice %arg5[%add3A_98, %dma_start3A_101] : memref<20480x128xf32, #tpu.memory_space<hbm>> -> memref<128x128xf32, #tpu.memory_space<hbm>>
      tpu.enqueue_dma source(%arg11 : memref<128x128xf32, #tpu.memory_space<vmem>>) target(%dma_start3A_102 : memref<128x128xf32, #tpu.memory_space<hbm>>) target_semaphore(%run_scoped3A : memref<!tpu.dma_semaphore, #tpu.memory_space<semaphore_mem>>)
      %dma_wait3A_103 = arith.constant 0 : i32
      %dma_wait3A_104 = tpu.memref_slice %arg5[%add3A_98, %dma_wait3A_103] : memref<20480x128xf32, #tpu.memory_space<hbm>> -> memref<128x128xf32, #tpu.memory_space<hbm>>
      %dma_wait3A_105 = arith.constant 0 : i32
      %dma_wait3A_106 = tpu.memref_slice %arg5[%add3A_98, %dma_wait3A_105] : memref<20480x128xf32, #tpu.memory_space<hbm>> -> memref<128x128xf32, #tpu.memory_space<hbm>>
      tpu.wait_dma2 semaphore(%run_scoped3A : memref<!tpu.dma_semaphore, #tpu.memory_space<semaphore_mem>>) src(%arg11 : memref<128x128xf32, #tpu.memory_space<vmem>>) dst(%dma_wait3A_106 : memref<128x128xf32, #tpu.memory_space<hbm>>)
      tpu.yield
    }) : () -> ()
    return
  }
}

#map = affine_map<(d0, d1) -> (0)>
#map1 = affine_map<(d0, d1) -> (0, 0)>
module attributes {stable_mosaic.version = 14 : i64} {
  func.func @_seed_call(%arg0: i32, %arg1: i32, %arg2: memref<6144xi32, #tpu.memory_space<hbm>>, %arg3: memref<20480x128xf32, #tpu.memory_space<hbm>>, %arg4: memref<6144x128xf32, #tpu.memory_space<hbm>>, %arg5: memref<96xi32, #tpu.memory_space<vmem>>, %arg6: memref<96x128xf32, #tpu.memory_space<vmem>>, %arg7: memref<!tpu.dma_semaphore, #tpu.memory_space<semaphore_mem>>) attributes {dimension_semantics = [#tpu.dimension_semantics<core_parallel>, #tpu.dimension_semantics<subcore_parallel>], iteration_bounds = array<i64: 2, 16>, scalar_prefetch = 0 : i64, scratch_operands = 3 : i64, tpu.core_type = #tpu.core_type<sc_vector_subcore>, window_params = [{transform_indices = #map}, {transform_indices = #map1}, {transform_indices = #map1}]} {
    %mul3A = arith.constant 2 : i32
    %mul3A_0 = arith.muli %arg1, %mul3A : i32
    %add3A = arith.addi %mul3A_0, %arg0 : i32
    %mul3A_1 = arith.constant 2 : i32
    %mul3A_2 = arith.muli %add3A, %mul3A_1 : i32
    %mul3A_3 = arith.constant 96 : i32
    %mul3A_4 = arith.muli %mul3A_2, %mul3A_3 : i32
    %add3A_5 = arith.constant 0 : i32
    %add3A_6 = arith.addi %mul3A_4, %add3A_5 : i32
    "tpu.region"() ({
      %run_scoped3A = tpu.sem_alloc : memref<!tpu.dma_semaphore, #tpu.memory_space<semaphore_mem>>
      %dma_start3A_23 = tpu.memref_slice %arg2[%add3A_6] : memref<6144xi32, #tpu.memory_space<hbm>> -> memref<96xi32, #tpu.memory_space<hbm>>
      %dma_start3A_24 = tpu.memref_slice %arg2[%add3A_6] : memref<6144xi32, #tpu.memory_space<hbm>> -> memref<96xi32, #tpu.memory_space<hbm>>
      tpu.enqueue_dma source(%dma_start3A_24 : memref<96xi32, #tpu.memory_space<hbm>>) target(%arg5 : memref<96xi32, #tpu.memory_space<vmem>>) target_semaphore(%run_scoped3A : memref<!tpu.dma_semaphore, #tpu.memory_space<semaphore_mem>>)
      %dma_wait3A_25 = tpu.memref_slice %arg2[%add3A_6] : memref<6144xi32, #tpu.memory_space<hbm>> -> memref<96xi32, #tpu.memory_space<hbm>>
      %dma_wait3A_26 = tpu.memref_slice %arg2[%add3A_6] : memref<6144xi32, #tpu.memory_space<hbm>> -> memref<96xi32, #tpu.memory_space<hbm>>
      tpu.wait_dma2 semaphore(%run_scoped3A : memref<!tpu.dma_semaphore, #tpu.memory_space<semaphore_mem>>) src(%dma_wait3A_26 : memref<96xi32, #tpu.memory_space<hbm>>) dst(%arg5 : memref<96xi32, #tpu.memory_space<vmem>>)
      tpu.yield
    }) : () -> ()
    %dma_start3A = arith.constant 0 : i32
    %dma_start3A_7 = arith.constant 0 : i32
    %dma_start3A_8 = tpu.memref_slice %arg3[%dma_start3A, %dma_start3A_7] : memref<20480x128xf32, #tpu.memory_space<hbm>> -> memref<20480x128xf32, #tpu.memory_space<hbm>>
    tpu.enqueue_indirect_dma source(%dma_start3A_8 : memref<20480x128xf32, #tpu.memory_space<hbm>>) target(%arg6 : memref<96x128xf32, #tpu.memory_space<vmem>>) offsets(%arg5 : memref<96xi32, #tpu.memory_space<vmem>>) semaphore(%arg7 : memref<!tpu.dma_semaphore, #tpu.memory_space<semaphore_mem>>)
    %dma_wait3A = arith.constant 0 : i32
    %dma_wait3A_9 = arith.constant 0 : i32
    %dma_wait3A_10 = tpu.memref_slice %arg3[%dma_wait3A, %dma_wait3A_9] : memref<20480x128xf32, #tpu.memory_space<hbm>> -> memref<20480x128xf32, #tpu.memory_space<hbm>>
    tpu.wait_indirect_dma semaphore(%arg7 : memref<!tpu.dma_semaphore, #tpu.memory_space<semaphore_mem>>) src(%dma_wait3A_10 : memref<20480x128xf32, #tpu.memory_space<hbm>>) dst(%arg6 : memref<96x128xf32, #tpu.memory_space<vmem>>)
    %add3A_11 = arith.constant 0 : i32
    %add3A_12 = arith.addi %mul3A_4, %add3A_11 : i32
    "tpu.region"() ({
      %run_scoped3A = tpu.sem_alloc : memref<!tpu.dma_semaphore, #tpu.memory_space<semaphore_mem>>
      %dma_start3A_23 = arith.constant 0 : i32
      %dma_start3A_24 = tpu.memref_slice %arg4[%add3A_12, %dma_start3A_23] : memref<6144x128xf32, #tpu.memory_space<hbm>> -> memref<96x128xf32, #tpu.memory_space<hbm>>
      %dma_start3A_25 = arith.constant 0 : i32
      %dma_start3A_26 = tpu.memref_slice %arg4[%add3A_12, %dma_start3A_25] : memref<6144x128xf32, #tpu.memory_space<hbm>> -> memref<96x128xf32, #tpu.memory_space<hbm>>
      tpu.enqueue_dma source(%arg6 : memref<96x128xf32, #tpu.memory_space<vmem>>) target(%dma_start3A_26 : memref<96x128xf32, #tpu.memory_space<hbm>>) target_semaphore(%run_scoped3A : memref<!tpu.dma_semaphore, #tpu.memory_space<semaphore_mem>>)
      %dma_wait3A_27 = arith.constant 0 : i32
      %dma_wait3A_28 = tpu.memref_slice %arg4[%add3A_12, %dma_wait3A_27] : memref<6144x128xf32, #tpu.memory_space<hbm>> -> memref<96x128xf32, #tpu.memory_space<hbm>>
      %dma_wait3A_29 = arith.constant 0 : i32
      %dma_wait3A_30 = tpu.memref_slice %arg4[%add3A_12, %dma_wait3A_29] : memref<6144x128xf32, #tpu.memory_space<hbm>> -> memref<96x128xf32, #tpu.memory_space<hbm>>
      tpu.wait_dma2 semaphore(%run_scoped3A : memref<!tpu.dma_semaphore, #tpu.memory_space<semaphore_mem>>) src(%arg6 : memref<96x128xf32, #tpu.memory_space<vmem>>) dst(%dma_wait3A_30 : memref<96x128xf32, #tpu.memory_space<hbm>>)
      tpu.yield
    }) : () -> ()
    %add3A_13 = arith.constant 96 : i32
    %add3A_14 = arith.addi %mul3A_4, %add3A_13 : i32
    "tpu.region"() ({
      %run_scoped3A = tpu.sem_alloc : memref<!tpu.dma_semaphore, #tpu.memory_space<semaphore_mem>>
      %dma_start3A_23 = tpu.memref_slice %arg2[%add3A_14] : memref<6144xi32, #tpu.memory_space<hbm>> -> memref<96xi32, #tpu.memory_space<hbm>>
      %dma_start3A_24 = tpu.memref_slice %arg2[%add3A_14] : memref<6144xi32, #tpu.memory_space<hbm>> -> memref<96xi32, #tpu.memory_space<hbm>>
      tpu.enqueue_dma source(%dma_start3A_24 : memref<96xi32, #tpu.memory_space<hbm>>) target(%arg5 : memref<96xi32, #tpu.memory_space<vmem>>) target_semaphore(%run_scoped3A : memref<!tpu.dma_semaphore, #tpu.memory_space<semaphore_mem>>)
      %dma_wait3A_25 = tpu.memref_slice %arg2[%add3A_14] : memref<6144xi32, #tpu.memory_space<hbm>> -> memref<96xi32, #tpu.memory_space<hbm>>
      %dma_wait3A_26 = tpu.memref_slice %arg2[%add3A_14] : memref<6144xi32, #tpu.memory_space<hbm>> -> memref<96xi32, #tpu.memory_space<hbm>>
      tpu.wait_dma2 semaphore(%run_scoped3A : memref<!tpu.dma_semaphore, #tpu.memory_space<semaphore_mem>>) src(%dma_wait3A_26 : memref<96xi32, #tpu.memory_space<hbm>>) dst(%arg5 : memref<96xi32, #tpu.memory_space<vmem>>)
      tpu.yield
    }) : () -> ()
    %dma_start3A_15 = arith.constant 0 : i32
    %dma_start3A_16 = arith.constant 0 : i32
    %dma_start3A_17 = tpu.memref_slice %arg3[%dma_start3A_15, %dma_start3A_16] : memref<20480x128xf32, #tpu.memory_space<hbm>> -> memref<20480x128xf32, #tpu.memory_space<hbm>>
    tpu.enqueue_indirect_dma source(%dma_start3A_17 : memref<20480x128xf32, #tpu.memory_space<hbm>>) target(%arg6 : memref<96x128xf32, #tpu.memory_space<vmem>>) offsets(%arg5 : memref<96xi32, #tpu.memory_space<vmem>>) semaphore(%arg7 : memref<!tpu.dma_semaphore, #tpu.memory_space<semaphore_mem>>)
    %dma_wait3A_18 = arith.constant 0 : i32
    %dma_wait3A_19 = arith.constant 0 : i32
    %dma_wait3A_20 = tpu.memref_slice %arg3[%dma_wait3A_18, %dma_wait3A_19] : memref<20480x128xf32, #tpu.memory_space<hbm>> -> memref<20480x128xf32, #tpu.memory_space<hbm>>
    tpu.wait_indirect_dma semaphore(%arg7 : memref<!tpu.dma_semaphore, #tpu.memory_space<semaphore_mem>>) src(%dma_wait3A_20 : memref<20480x128xf32, #tpu.memory_space<hbm>>) dst(%arg6 : memref<96x128xf32, #tpu.memory_space<vmem>>)
    %add3A_21 = arith.constant 96 : i32
    %add3A_22 = arith.addi %mul3A_4, %add3A_21 : i32
    "tpu.region"() ({
      %run_scoped3A = tpu.sem_alloc : memref<!tpu.dma_semaphore, #tpu.memory_space<semaphore_mem>>
      %dma_start3A_23 = arith.constant 0 : i32
      %dma_start3A_24 = tpu.memref_slice %arg4[%add3A_22, %dma_start3A_23] : memref<6144x128xf32, #tpu.memory_space<hbm>> -> memref<96x128xf32, #tpu.memory_space<hbm>>
      %dma_start3A_25 = arith.constant 0 : i32
      %dma_start3A_26 = tpu.memref_slice %arg4[%add3A_22, %dma_start3A_25] : memref<6144x128xf32, #tpu.memory_space<hbm>> -> memref<96x128xf32, #tpu.memory_space<hbm>>
      tpu.enqueue_dma source(%arg6 : memref<96x128xf32, #tpu.memory_space<vmem>>) target(%dma_start3A_26 : memref<96x128xf32, #tpu.memory_space<hbm>>) target_semaphore(%run_scoped3A : memref<!tpu.dma_semaphore, #tpu.memory_space<semaphore_mem>>)
      %dma_wait3A_27 = arith.constant 0 : i32
      %dma_wait3A_28 = tpu.memref_slice %arg4[%add3A_22, %dma_wait3A_27] : memref<6144x128xf32, #tpu.memory_space<hbm>> -> memref<96x128xf32, #tpu.memory_space<hbm>>
      %dma_wait3A_29 = arith.constant 0 : i32
      %dma_wait3A_30 = tpu.memref_slice %arg4[%add3A_22, %dma_wait3A_29] : memref<6144x128xf32, #tpu.memory_space<hbm>> -> memref<96x128xf32, #tpu.memory_space<hbm>>
      tpu.wait_dma2 semaphore(%run_scoped3A : memref<!tpu.dma_semaphore, #tpu.memory_space<semaphore_mem>>) src(%arg6 : memref<96x128xf32, #tpu.memory_space<vmem>>) dst(%dma_wait3A_30 : memref<96x128xf32, #tpu.memory_space<hbm>>)
      tpu.yield
    }) : () -> ()
    return
  }
}

module attributes {stable_mosaic.version = 14 : i64} {
  func.func @_mm1_body(%arg0: i32, %arg1: memref<256x128xf32, #tpu.memory_space<vmem>>, %arg2: memref<128x128xf32, #tpu.memory_space<vmem>>, %arg3: memref<1x16x256xf32, #tpu.memory_space<vmem>>, %arg4: memref<256x128xf32, #tpu.memory_space<vmem>>) attributes {dimension_semantics = [#tpu.dimension_semantics<arbitrary>], iteration_bounds = array<i64: 80>, scalar_prefetch = 0 : i64, scratch_operands = 0 : i64, tpu.core_type = #tpu.core_type<tc>, window_params = [{transform_indices = @transform_0, window_bounds = array<i64: 256, 128>}, {pipeline_mode = #tpu.pipeline_mode<synchronous>, transform_indices = @transform_1, window_bounds = array<i64: 128, 128>}, {transform_indices = @transform_2, window_bounds = array<i64: 1, 16, 256>}, {transform_indices = @transform_3, window_bounds = array<i64: 256, 128>}]} {
    %get3A = arith.constant 0 : index
    %get3A_0 = arith.constant 0 : index
    %get3A_1 = arith.constant 0 : index
    %get3A_2 = vector.load %arg3[%get3A, %get3A_0, %get3A_1] : memref<1x16x256xf32, #tpu.memory_space<vmem>>, vector<1x16x256xf32>
    %get3A_3 = vector.shape_cast %get3A_2 : vector<1x16x256xf32> to vector<16x256xf32>
    %reduce_sum3A = arith.constant dense<0.000000e+00> : vector<256xf32>
    %reduce_sum3A_4 = vector.multi_reduction <add>, %get3A_3, %reduce_sum3A [0] : vector<16x256xf32> to vector<256xf32>
    %add3A = arith.constant 1.000000e+00 : f32
    %add3A_5 = vector.broadcast %add3A : f32 to vector<256xf32>
    %add3A_6 = arith.addf %reduce_sum3A_4, %add3A_5 : vector<256xf32>
    %rsqrt3A = math.rsqrt %add3A_6 : vector<256xf32>
    %get3A_7 = arith.constant 0 : index
    %get3A_8 = arith.constant 0 : index
    %get3A_9 = vector.load %arg1[%get3A_7, %get3A_8] : memref<256x128xf32, #tpu.memory_space<vmem>>, vector<256x128xf32>
    %get3A_10 = arith.constant 0 : index
    %get3A_11 = arith.constant 0 : index
    %get3A_12 = vector.load %arg2[%get3A_10, %get3A_11] : memref<128x128xf32, #tpu.memory_space<vmem>>, vector<128x128xf32>
    %dot_general3A = arith.constant dense<0.000000e+00> : vector<256x128xf32>
    %dot_general3A_13 = tpu.matmul %get3A_9, %get3A_12, %dot_general3A {dimension_numbers = #tpu.dot_dimension_numbers<[1], [0], [0], [1], [0, 0, 1, 1], [], []>, precision = #tpu.contract_precision<fp32>, transpose_lhs_hint = false} : vector<256x128xf32>, vector<128x128xf32>, vector<256x128xf32> -> vector<256x128xf32>
    %broadcast_in_dim3A = vector.shape_cast %rsqrt3A : vector<256xf32> to vector<256x1xf32>
    %mul3A = vector.broadcast %broadcast_in_dim3A : vector<256x1xf32> to vector<256x128xf32>
    %mul3A_14 = arith.mulf %dot_general3A_13, %mul3A : vector<256x128xf32>
    %swap3A = arith.constant 0 : index
    %swap3A_15 = arith.constant 0 : index
    %swap3A_16 = vector.load %arg4[%swap3A, %swap3A_15] : memref<256x128xf32, #tpu.memory_space<vmem>>, vector<256x128xf32>
    tpu.vector_store %arg4[%swap3A, %swap3A_15], %mul3A_14 {strides = array<i32>} : memref<256x128xf32, #tpu.memory_space<vmem>>, vector<256x128xf32>,
    return
  }
  func.func @transform_0(%arg0: i32) -> (i32, i32) {
    %c0_i32 = arith.constant 0 : i32
    %c0_i32_0 = arith.constant 0 : i32
    return %arg0, %c0_i32 : i32, i32
  }
  func.func @transform_1(%arg0: i32) -> (i32, i32) {
    %c0_i32 = arith.constant 0 : i32
    %c0_i32_0 = arith.constant 0 : i32
    %c0_i32_1 = arith.constant 0 : i32
    return %c0_i32, %c0_i32_0 : i32, i32
  }
  func.func @transform_2(%arg0: i32) -> (i32, i32, i32) {
    %jit3A = arith.constant 40 : i32
    %div3A = arith.divsi %arg0, %jit3A : i32
    %sign3A = arith.constant 0 : i32
    %sign3A_0 = arith.cmpi sgt, %arg0, %sign3A : i32
    %sign3A_1 = arith.extui %sign3A_0 : i1 to i32
    %sign3A_2 = arith.constant 0 : i32
    %sign3A_3 = arith.cmpi slt, %arg0, %sign3A_2 : i32
    %sign3A_4 = arith.extui %sign3A_3 : i1 to i32
    %sign3A_5 = arith.subi %sign3A_1, %sign3A_4 : i32
    %sign3A_6 = arith.constant 0 : i32
    %sign3A_7 = arith.cmpi sgt, %jit3A, %sign3A_6 : i32
    %sign3A_8 = arith.extui %sign3A_7 : i1 to i32
    %sign3A_9 = arith.constant 0 : i32
    %sign3A_10 = arith.cmpi slt, %jit3A, %sign3A_9 : i32
    %sign3A_11 = arith.extui %sign3A_10 : i1 to i32
    %sign3A_12 = arith.subi %sign3A_8, %sign3A_11 : i32
    %ne3A = arith.cmpi ne, %sign3A_5, %sign3A_12 : i32
    %rem3A = arith.remsi %arg0, %jit3A : i32
    %ne3A_13 = arith.constant 0 : i32
    %ne3A_14 = arith.cmpi ne, %rem3A, %ne3A_13 : i32
    %and3A = arith.andi %ne3A, %ne3A_14 : i1
    %sub3A = arith.constant 1 : i32
    %sub3A_15 = arith.subi %div3A, %sub3A : i32
    %select_n3A = arith.select %and3A, %sub3A_15, %div3A : i32
    %jit3A_16 = arith.constant 40 : i32
    %eq3A = arith.constant 0 : i32
    %eq3A_17 = arith.cmpi eq, %jit3A_16, %eq3A : i32
    %jit3A_18 = arith.constant 1 : i32
    %select_n3A_19 = arith.select %eq3A_17, %jit3A_18, %jit3A_16 : i32
    %rem3A_20 = arith.remsi %arg0, %select_n3A_19 : i32
    %ne3A_21 = arith.constant 0 : i32
    %ne3A_22 = arith.cmpi ne, %rem3A_20, %ne3A_21 : i32
    %lt3A = arith.constant 0 : i32
    %lt3A_23 = arith.cmpi slt, %rem3A_20, %lt3A : i32
    %lt3A_24 = arith.constant 0 : i32
    %lt3A_25 = arith.cmpi slt, %select_n3A_19, %lt3A_24 : i32
    %ne3A_26 = arith.xori %lt3A_23, %lt3A_25 : i1
    %and3A_27 = arith.andi %ne3A_26, %ne3A_22 : i1
    %add3A = arith.addi %rem3A_20, %select_n3A_19 : i32
    %select_n3A_28 = arith.select %and3A_27, %add3A, %rem3A_20 : i32
    %c0_i32 = arith.constant 0 : i32
    %c0_i32_29 = arith.constant 0 : i32
    return %select_n3A, %c0_i32, %select_n3A_28 : i32, i32, i32
  }
  func.func @transform_3(%arg0: i32) -> (i32, i32) {
    %c0_i32 = arith.constant 0 : i32
    %c0_i32_0 = arith.constant 0 : i32
    return %arg0, %c0_i32 : i32, i32
  }
}

module attributes {stable_mosaic.version = 14 : i64} {
  func.func @_fin1_body(%arg0: i32, %arg1: memref<256x128xf32, #tpu.memory_space<vmem>>, %arg2: memref<256x128xf32, #tpu.memory_space<vmem>>, %arg3: memref<256x128xf32, #tpu.memory_space<vmem>>, %arg4: memref<1x16x256xf32, #tpu.memory_space<vmem>>, %arg5: memref<128x128xf32, #tpu.memory_space<vmem>>, %arg6: memref<256x128xf32, #tpu.memory_space<vmem>>, %arg7: memref<256x128xf32, #tpu.memory_space<vmem>>) attributes {dimension_semantics = [#tpu.dimension_semantics<arbitrary>], iteration_bounds = array<i64: 80>, scalar_prefetch = 0 : i64, scratch_operands = 0 : i64, tpu.core_type = #tpu.core_type<tc>, window_params = [{transform_indices = @transform_0, window_bounds = array<i64: 256, 128>}, {transform_indices = @transform_1, window_bounds = array<i64: 256, 128>}, {transform_indices = @transform_2, window_bounds = array<i64: 256, 128>}, {transform_indices = @transform_3, window_bounds = array<i64: 1, 16, 256>}, {pipeline_mode = #tpu.pipeline_mode<synchronous>, transform_indices = @transform_4, window_bounds = array<i64: 128, 128>}, {transform_indices = @transform_5, window_bounds = array<i64: 256, 128>}, {transform_indices = @transform_6, window_bounds = array<i64: 256, 128>}]} {
    %get3A = arith.constant 0 : index
    %get3A_0 = arith.constant 0 : index
    %get3A_1 = arith.constant 0 : index
    %get3A_2 = vector.load %arg4[%get3A, %get3A_0, %get3A_1] : memref<1x16x256xf32, #tpu.memory_space<vmem>>, vector<1x16x256xf32>
    %get3A_3 = vector.shape_cast %get3A_2 : vector<1x16x256xf32> to vector<16x256xf32>
    %reduce_sum3A = arith.constant dense<0.000000e+00> : vector<256xf32>
    %reduce_sum3A_4 = vector.multi_reduction <add>, %get3A_3, %reduce_sum3A [0] : vector<16x256xf32> to vector<256xf32>
    %add3A = arith.constant 1.000000e+00 : f32
    %add3A_5 = vector.broadcast %add3A : f32 to vector<256xf32>
    %add3A_6 = arith.addf %reduce_sum3A_4, %add3A_5 : vector<256xf32>
    %rsqrt3A = math.rsqrt %add3A_6 : vector<256xf32>
    %get3A_7 = arith.constant 0 : index
    %get3A_8 = arith.constant 0 : index
    %get3A_9 = vector.load %arg1[%get3A_7, %get3A_8] : memref<256x128xf32, #tpu.memory_space<vmem>>, vector<256x128xf32>
    %get3A_10 = arith.constant 0 : index
    %get3A_11 = arith.constant 0 : index
    %get3A_12 = vector.load %arg2[%get3A_10, %get3A_11] : memref<256x128xf32, #tpu.memory_space<vmem>>, vector<256x128xf32>
    %add3A_13 = arith.addf %get3A_9, %get3A_12 : vector<256x128xf32>
    %broadcast_in_dim3A = vector.shape_cast %rsqrt3A : vector<256xf32> to vector<256x1xf32>
    %mul3A = vector.broadcast %broadcast_in_dim3A : vector<256x1xf32> to vector<256x128xf32>
    %mul3A_14 = arith.mulf %add3A_13, %mul3A : vector<256x128xf32>
    %max3A = arith.constant 0.000000e+00 : f32
    %max3A_15 = vector.broadcast %max3A : f32 to vector<256x128xf32>
    %max3A_16 = arith.maximumf %mul3A_14, %max3A_15 : vector<256x128xf32>
    %get3A_17 = arith.constant 0 : index
    %get3A_18 = arith.constant 0 : index
    %get3A_19 = vector.load %arg3[%get3A_17, %get3A_18] : memref<256x128xf32, #tpu.memory_space<vmem>>, vector<256x128xf32>
    %add3A_20 = arith.addf %max3A_16, %get3A_19 : vector<256x128xf32>
    %swap3A = arith.constant 0 : index
    %swap3A_21 = arith.constant 0 : index
    %swap3A_22 = vector.load %arg6[%swap3A, %swap3A_21] : memref<256x128xf32, #tpu.memory_space<vmem>>, vector<256x128xf32>
    tpu.vector_store %arg6[%swap3A, %swap3A_21], %add3A_20 {strides = array<i32>} : memref<256x128xf32, #tpu.memory_space<vmem>>, vector<256x128xf32>,
    %get3A_23 = arith.constant 0 : index
    %get3A_24 = arith.constant 0 : index
    %get3A_25 = vector.load %arg5[%get3A_23, %get3A_24] : memref<128x128xf32, #tpu.memory_space<vmem>>, vector<128x128xf32>
    %dot_general3A = arith.constant dense<0.000000e+00> : vector<256x128xf32>
    %dot_general3A_26 = tpu.matmul %add3A_20, %get3A_25, %dot_general3A {dimension_numbers = #tpu.dot_dimension_numbers<[1], [0], [0], [1], [0, 0, 1, 1], [], []>, precision = #tpu.contract_precision<fp32>, transpose_lhs_hint = false} : vector<256x128xf32>, vector<128x128xf32>, vector<256x128xf32> -> vector<256x128xf32>
    %broadcast_in_dim3A_27 = vector.shape_cast %rsqrt3A : vector<256xf32> to vector<256x1xf32>
    %mul3A_28 = vector.broadcast %broadcast_in_dim3A_27 : vector<256x1xf32> to vector<256x128xf32>
    %mul3A_29 = arith.mulf %dot_general3A_26, %mul3A_28 : vector<256x128xf32>
    %swap3A_30 = arith.constant 0 : index
    %swap3A_31 = arith.constant 0 : index
    %swap3A_32 = vector.load %arg7[%swap3A_30, %swap3A_31] : memref<256x128xf32, #tpu.memory_space<vmem>>, vector<256x128xf32>
    tpu.vector_store %arg7[%swap3A_30, %swap3A_31], %mul3A_29 {strides = array<i32>} : memref<256x128xf32, #tpu.memory_space<vmem>>, vector<256x128xf32>,
    return
  }
  func.func @transform_0(%arg0: i32) -> (i32, i32) {
    %c0_i32 = arith.constant 0 : i32
    %c0_i32_0 = arith.constant 0 : i32
    return %arg0, %c0_i32 : i32, i32
  }
  func.func @transform_1(%arg0: i32) -> (i32, i32) {
    %c0_i32 = arith.constant 0 : i32
    %c0_i32_0 = arith.constant 0 : i32
    return %arg0, %c0_i32 : i32, i32
  }
  func.func @transform_2(%arg0: i32) -> (i32, i32) {
    %c0_i32 = arith.constant 0 : i32
    %c0_i32_0 = arith.constant 0 : i32
    return %arg0, %c0_i32 : i32, i32
  }
  func.func @transform_3(%arg0: i32) -> (i32, i32, i32) {
    %jit3A = arith.constant 40 : i32
    %div3A = arith.divsi %arg0, %jit3A : i32
    %sign3A = arith.constant 0 : i32
    %sign3A_0 = arith.cmpi sgt, %arg0, %sign3A : i32
    %sign3A_1 = arith.extui %sign3A_0 : i1 to i32
    %sign3A_2 = arith.constant 0 : i32
    %sign3A_3 = arith.cmpi slt, %arg0, %sign3A_2 : i32
    %sign3A_4 = arith.extui %sign3A_3 : i1 to i32
    %sign3A_5 = arith.subi %sign3A_1, %sign3A_4 : i32
    %sign3A_6 = arith.constant 0 : i32
    %sign3A_7 = arith.cmpi sgt, %jit3A, %sign3A_6 : i32
    %sign3A_8 = arith.extui %sign3A_7 : i1 to i32
    %sign3A_9 = arith.constant 0 : i32
    %sign3A_10 = arith.cmpi slt, %jit3A, %sign3A_9 : i32
    %sign3A_11 = arith.extui %sign3A_10 : i1 to i32
    %sign3A_12 = arith.subi %sign3A_8, %sign3A_11 : i32
    %ne3A = arith.cmpi ne, %sign3A_5, %sign3A_12 : i32
    %rem3A = arith.remsi %arg0, %jit3A : i32
    %ne3A_13 = arith.constant 0 : i32
    %ne3A_14 = arith.cmpi ne, %rem3A, %ne3A_13 : i32
    %and3A = arith.andi %ne3A, %ne3A_14 : i1
    %sub3A = arith.constant 1 : i32
    %sub3A_15 = arith.subi %div3A, %sub3A : i32
    %select_n3A = arith.select %and3A, %sub3A_15, %div3A : i32
    %jit3A_16 = arith.constant 40 : i32
    %eq3A = arith.constant 0 : i32
    %eq3A_17 = arith.cmpi eq, %jit3A_16, %eq3A : i32
    %jit3A_18 = arith.constant 1 : i32
    %select_n3A_19 = arith.select %eq3A_17, %jit3A_18, %jit3A_16 : i32
    %rem3A_20 = arith.remsi %arg0, %select_n3A_19 : i32
    %ne3A_21 = arith.constant 0 : i32
    %ne3A_22 = arith.cmpi ne, %rem3A_20, %ne3A_21 : i32
    %lt3A = arith.constant 0 : i32
    %lt3A_23 = arith.cmpi slt, %rem3A_20, %lt3A : i32
    %lt3A_24 = arith.constant 0 : i32
    %lt3A_25 = arith.cmpi slt, %select_n3A_19, %lt3A_24 : i32
    %ne3A_26 = arith.xori %lt3A_23, %lt3A_25 : i1
    %and3A_27 = arith.andi %ne3A_26, %ne3A_22 : i1
    %add3A = arith.addi %rem3A_20, %select_n3A_19 : i32
    %select_n3A_28 = arith.select %and3A_27, %add3A, %rem3A_20 : i32
    %c0_i32 = arith.constant 0 : i32
    %c0_i32_29 = arith.constant 0 : i32
    return %select_n3A, %c0_i32, %select_n3A_28 : i32, i32, i32
  }
  func.func @transform_4(%arg0: i32) -> (i32, i32) {
    %c0_i32 = arith.constant 0 : i32
    %c0_i32_0 = arith.constant 0 : i32
    %c0_i32_1 = arith.constant 0 : i32
    return %c0_i32, %c0_i32_0 : i32, i32
  }
  func.func @transform_5(%arg0: i32) -> (i32, i32) {
    %c0_i32 = arith.constant 0 : i32
    %c0_i32_0 = arith.constant 0 : i32
    return %arg0, %c0_i32 : i32, i32
  }
  func.func @transform_6(%arg0: i32) -> (i32, i32) {
    %c0_i32 = arith.constant 0 : i32
    %c0_i32_0 = arith.constant 0 : i32
    return %arg0, %c0_i32 : i32, i32
  }
}

module attributes {stable_mosaic.version = 14 : i64} {
  func.func @_fin2_body(%arg0: i32, %arg1: memref<256x128xf32, #tpu.memory_space<vmem>>, %arg2: memref<256x128xf32, #tpu.memory_space<vmem>>, %arg3: memref<256x128xf32, #tpu.memory_space<vmem>>, %arg4: memref<1x16x256xf32, #tpu.memory_space<vmem>>, %arg5: memref<256x128xf32, #tpu.memory_space<vmem>>) attributes {dimension_semantics = [#tpu.dimension_semantics<arbitrary>], iteration_bounds = array<i64: 80>, scalar_prefetch = 0 : i64, scratch_operands = 0 : i64, tpu.core_type = #tpu.core_type<tc>, window_params = [{transform_indices = @transform_0, window_bounds = array<i64: 256, 128>}, {transform_indices = @transform_1, window_bounds = array<i64: 256, 128>}, {transform_indices = @transform_2, window_bounds = array<i64: 256, 128>}, {transform_indices = @transform_3, window_bounds = array<i64: 1, 16, 256>}, {transform_indices = @transform_4, window_bounds = array<i64: 256, 128>}]} {
    %get3A = arith.constant 0 : index
    %get3A_0 = arith.constant 0 : index
    %get3A_1 = arith.constant 0 : index
    %get3A_2 = vector.load %arg4[%get3A, %get3A_0, %get3A_1] : memref<1x16x256xf32, #tpu.memory_space<vmem>>, vector<1x16x256xf32>
    %get3A_3 = vector.shape_cast %get3A_2 : vector<1x16x256xf32> to vector<16x256xf32>
    %reduce_sum3A = arith.constant dense<0.000000e+00> : vector<256xf32>
    %reduce_sum3A_4 = vector.multi_reduction <add>, %get3A_3, %reduce_sum3A [0] : vector<16x256xf32> to vector<256xf32>
    %add3A = arith.constant 1.000000e+00 : f32
    %add3A_5 = vector.broadcast %add3A : f32 to vector<256xf32>
    %add3A_6 = arith.addf %reduce_sum3A_4, %add3A_5 : vector<256xf32>
    %rsqrt3A = math.rsqrt %add3A_6 : vector<256xf32>
    %get3A_7 = arith.constant 0 : index
    %get3A_8 = arith.constant 0 : index
    %get3A_9 = vector.load %arg1[%get3A_7, %get3A_8] : memref<256x128xf32, #tpu.memory_space<vmem>>, vector<256x128xf32>
    %get3A_10 = arith.constant 0 : index
    %get3A_11 = arith.constant 0 : index
    %get3A_12 = vector.load %arg2[%get3A_10, %get3A_11] : memref<256x128xf32, #tpu.memory_space<vmem>>, vector<256x128xf32>
    %add3A_13 = arith.addf %get3A_9, %get3A_12 : vector<256x128xf32>
    %broadcast_in_dim3A = vector.shape_cast %rsqrt3A : vector<256xf32> to vector<256x1xf32>
    %mul3A = vector.broadcast %broadcast_in_dim3A : vector<256x1xf32> to vector<256x128xf32>
    %mul3A_14 = arith.mulf %add3A_13, %mul3A : vector<256x128xf32>
    %max3A = arith.constant 0.000000e+00 : f32
    %max3A_15 = vector.broadcast %max3A : f32 to vector<256x128xf32>
    %max3A_16 = arith.maximumf %mul3A_14, %max3A_15 : vector<256x128xf32>
    %get3A_17 = arith.constant 0 : index
    %get3A_18 = arith.constant 0 : index
    %get3A_19 = vector.load %arg3[%get3A_17, %get3A_18] : memref<256x128xf32, #tpu.memory_space<vmem>>, vector<256x128xf32>
    %add3A_20 = arith.addf %max3A_16, %get3A_19 : vector<256x128xf32>
    %swap3A = arith.constant 0 : index
    %swap3A_21 = arith.constant 0 : index
    %swap3A_22 = vector.load %arg5[%swap3A, %swap3A_21] : memref<256x128xf32, #tpu.memory_space<vmem>>, vector<256x128xf32>
    tpu.vector_store %arg5[%swap3A, %swap3A_21], %add3A_20 {strides = array<i32>} : memref<256x128xf32, #tpu.memory_space<vmem>>, vector<256x128xf32>,
    return
  }
  func.func @transform_0(%arg0: i32) -> (i32, i32) {
    %c0_i32 = arith.constant 0 : i32
    %c0_i32_0 = arith.constant 0 : i32
    return %arg0, %c0_i32 : i32, i32
  }
  func.func @transform_1(%arg0: i32) -> (i32, i32) {
    %c0_i32 = arith.constant 0 : i32
    %c0_i32_0 = arith.constant 0 : i32
    return %arg0, %c0_i32 : i32, i32
  }
  func.func @transform_2(%arg0: i32) -> (i32, i32) {
    %c0_i32 = arith.constant 0 : i32
    %c0_i32_0 = arith.constant 0 : i32
    return %arg0, %c0_i32 : i32, i32
  }
  func.func @transform_3(%arg0: i32) -> (i32, i32, i32) {
    %jit3A = arith.constant 40 : i32
    %div3A = arith.divsi %arg0, %jit3A : i32
    %sign3A = arith.constant 0 : i32
    %sign3A_0 = arith.cmpi sgt, %arg0, %sign3A : i32
    %sign3A_1 = arith.extui %sign3A_0 : i1 to i32
    %sign3A_2 = arith.constant 0 : i32
    %sign3A_3 = arith.cmpi slt, %arg0, %sign3A_2 : i32
    %sign3A_4 = arith.extui %sign3A_3 : i1 to i32
    %sign3A_5 = arith.subi %sign3A_1, %sign3A_4 : i32
    %sign3A_6 = arith.constant 0 : i32
    %sign3A_7 = arith.cmpi sgt, %jit3A, %sign3A_6 : i32
    %sign3A_8 = arith.extui %sign3A_7 : i1 to i32
    %sign3A_9 = arith.constant 0 : i32
    %sign3A_10 = arith.cmpi slt, %jit3A, %sign3A_9 : i32
    %sign3A_11 = arith.extui %sign3A_10 : i1 to i32
    %sign3A_12 = arith.subi %sign3A_8, %sign3A_11 : i32
    %ne3A = arith.cmpi ne, %sign3A_5, %sign3A_12 : i32
    %rem3A = arith.remsi %arg0, %jit3A : i32
    %ne3A_13 = arith.constant 0 : i32
    %ne3A_14 = arith.cmpi ne, %rem3A, %ne3A_13 : i32
    %and3A = arith.andi %ne3A, %ne3A_14 : i1
    %sub3A = arith.constant 1 : i32
    %sub3A_15 = arith.subi %div3A, %sub3A : i32
    %select_n3A = arith.select %and3A, %sub3A_15, %div3A : i32
    %jit3A_16 = arith.constant 40 : i32
    %eq3A = arith.constant 0 : i32
    %eq3A_17 = arith.cmpi eq, %jit3A_16, %eq3A : i32
    %jit3A_18 = arith.constant 1 : i32
    %select_n3A_19 = arith.select %eq3A_17, %jit3A_18, %jit3A_16 : i32
    %rem3A_20 = arith.remsi %arg0, %select_n3A_19 : i32
    %ne3A_21 = arith.constant 0 : i32
    %ne3A_22 = arith.cmpi ne, %rem3A_20, %ne3A_21 : i32
    %lt3A = arith.constant 0 : i32
    %lt3A_23 = arith.cmpi slt, %rem3A_20, %lt3A : i32
    %lt3A_24 = arith.constant 0 : i32
    %lt3A_25 = arith.cmpi slt, %select_n3A_19, %lt3A_24 : i32
    %ne3A_26 = arith.xori %lt3A_23, %lt3A_25 : i1
    %and3A_27 = arith.andi %ne3A_26, %ne3A_22 : i1
    %add3A = arith.addi %rem3A_20, %select_n3A_19 : i32
    %select_n3A_28 = arith.select %and3A_27, %add3A, %rem3A_20 : i32
    %c0_i32 = arith.constant 0 : i32
    %c0_i32_29 = arith.constant 0 : i32
    return %select_n3A, %c0_i32, %select_n3A_28 : i32, i32, i32
  }
  func.func @transform_4(%arg0: i32) -> (i32, i32) {
    %c0_i32 = arith.constant 0 : i32
    %c0_i32_0 = arith.constant 0 : i32
    return %arg0, %c0_i32 : i32, i32
  }
}

</mosaic_0001>

<sc_bundles>
// kernel: kernel.12.cloned.1.call-start
scs
__scs_entry_jumppad:
0x0: {  	(pc) =	sbr.rel $0x88, $3  }
0x1: {  	(tag) =	ssettag $0x0;
	lr =	simm.s32 $0x1  }
0x2: {  	[smem:$0x3F99] =	sst lr;
	_ =	strace $0xD0000000  }
0x3: {  	_ = 	snop  }
0x4: {  	_ = 	snop  }
0x5: {  	_ = 	snop  }
0x6: {  	_ = 	snop  }
0x7: {  	_ = 	snop  }
__scs_overlays_trampoline_lowered:
0x8: {  	[smem:$0x3FA8] =	sst s0  }
0x9: {  	[smem:$0x3FA9] =	sst s1  }
0xa: {  	[smem:$0x3FAA] =	sst s2  }
0xb: {  	[smem:$0x3FAB] =	sst s3  }
0xc: {  	[smem:$0x3FAC] =	sst s4  }
0xd: {  	[smem:$0x3FAD] =	sst s5  }
0xe: {  	[smem:$0x3FAE] =	sst s6  }
0xf: {  	[smem:$0x3FAF] =	sst s7  }
0x10: {  	[smem:$0x3FB0] =	sst s8  }
0x11: {  	[smem:$0x3FB1] =	sst s9;
	s0 =	simm.s32 @!p0 $0x0  }
0x12: {  	s1 =	sld [smem:$0x3F97];
	s0 =	simm.s32 @p0 $0x1  }
0x13: {  	[smem:$0x3FB2] =	sst s0;
	s0 =	simm.s32 @!p1 $0x0  }
0x14: {  	s2 =	sld [smem:$0x3F96];
	s0 =	simm.s32 @p1 $0x1  }
0x15: {  	[smem:$0x3FB3] =	sst s0;
	s0 =	simm.s32 @!p2 $0x0  }
0x16: {  	s3 =	sld [smem:$0x3FDB];
	s0 =	simm.s32 @p2 $0x1  }
0x17: {  	s4 =	simm.s32 $0x1BF5;
	[smem:$0x3FB5] =	sst s0  }
0x18: {  	s0 =	sld [smem:$0x3F98];
	_ =	swait.ge [sflag:s4], $0x0  }
0x19: {  	s7 =	sld [smem:$0x3F99]  }
0x1a: {  	s8 =	sadd.s32 $0xFFFFE003, lr  }
0x1b: {  	s9 =	sadd.s32 $0xFFFFFEF7, lr;
	s5 =	simm.s32 $0xFFFFFFFF;
	p2 =	slt.u32 s8, $0xFFFFF086  }
0x1c: {  	p1 =	slt.u32 s9, $0xF7A;
	s5 =	simm.s32 @!p2 $0x0  }
0x1d: {  	s5 =	simm.s32 @p1 $0x1;
	p0 =	seq.s32 s7, s2  }
0x1e: {  	s7 =	smul.u32 @!p0 $0xF7A, s2;
	p2 =	seq.s32 @!p0 s5, $0x0  }
0x1f: {  	s9 =	smul.u32 $0xF7A, s1;
	s8 =	simm.s32 @!p0 $0x1BF5;
	p2 =	por !p2, p0  }
0x20: {  	[sflag:s8] =	ssyncset.s32 @!p0 $0xFFFFF086;
	s6 =	sadd.s32 @!p0 s3, s7;
	s7 =	simm.s32 @!p0 $0x108  }
0x21: {  	s3 =	sadd.s32 s3, s9;
	s6 =	sadd.s32 @!p0 $0x88, s6;
	s7 =	simm.s32 @p2 $0x1082  }
0x22: {  	[simem:s7], [sflag:s8] =	dma.local @!p0 [hbm:s6], $0xF7A  }
0x23: {  	s9 =	sor.u32 $0xD0000000, s2;
	s6 =	simm.s32 $0x108;
	_ =	swait.ge @!p0 [sflag:s8], $0x0  }
0x24: {  	s3 =	sadd.s32 $0x88, s3;
	s6 =	simm.s32 @!p1 $0x1082;
	[sflag:s4] =	ssyncset.s32 $0xFFFFF086  }
0x25: {  	[simem:s6], [sflag:s4] =	dma.local [hbm:s3], $0xF7A  }
0x26: {  	[smem:$0x3F99] =	sst s1;
	(tag) =	ssettag s2;
	_ =	strace s9  }
0x27: {  	s1 =	sld [smem:$0x3FA9]  }
0x28: {  	s2 =	sld [smem:$0x3FAA]  }
0x29: {  	s4 =	sld [smem:$0x3FAC]  }
0x2a: {  	p0 =	seq.s32 s5, $0x0;
	s5 =	sld [smem:$0x3FAD]  }
0x2b: {  	s6 =	sld [smem:$0x3FAE]  }
0x2c: {  	s7 =	sld [smem:$0x3FAF]  }
0x2d: {  	s3 =	simm.s32 $0x108;
	s8 =	sld [smem:$0x3FB0]  }
0x2e: {  	s3 =	simm.s32 @!p0 $0x1082;
	s9 =	sld [smem:$0x3FB1]  }
0x2f: {  	lr =	sadd.s32 s0, s3;
	s0 =	sld [smem:$0x3FA8]  }
0x30: {  	s3 =	sld [smem:$0x3FAB]  }
0x31: {  	[smem:$0x3FB4] =	sst s10  }
0x32: {  	s10 =	sld [smem:$0x3FB2];
	_ =	sdelay $0x3  }
0x33: {  	p0 =	seq.s32 s10, $0x1;
	s10 =	sld [smem:$0x3FB4];
	_ =	sdelay $0x3  }
0x34: {  	[smem:$0x3FB4] =	sst s10  }
0x35: {  	s10 =	sld [smem:$0x3FB3];
	_ =	sdelay $0x3  }
0x36: {  	p1 =	seq.s32 s10, $0x1;
	s10 =	sld [smem:$0x3FB4];
	_ =	sdelay $0x3  }
0x37: {  	[smem:$0x3FB4] =	sst s10  }
0x38: {  	s10 =	sld [smem:$0x3FB5]  }
0x39: {  	_ = 	snop;
	(pc) =	sbr.ind lr, $3  }
0x3a: {  	_ = 	snop  }
0x3b: {  	_ = 	snop  }
0x3c: {  	p2 =	seq.s32 s10, $0x1;
	s10 =	sld [smem:$0x3FB4]  }
0x3d: {  	_ =	shalt  }
0x3e: {  	_ =	shalt  }
0x3f: {  	_ =	shalt  }
0x40: {  	_ =	shalt  }
0x41: {  	_ =	shalt  }
0x42: {  	_ =	shalt  }
0x43: {  	_ =	shalt  }
0x44: {  	_ =	shalt  }
0x45: {  	_ =	shalt  }
0x46: {  	_ =	shalt  }
0x47: {  	_ =	shalt  }
0x48: {  	_ =	shalt  }
0x49: {  	_ =	shalt  }
0x4a: {  	_ =	shalt  }
0x4b: {  	_ =	shalt  }
0x4c: {  	_ =	shalt  }
0x4d: {  	_ =	shalt  }
0x4e: {  	_ =	shalt  }
0x4f: {  	_ =	shalt  }
0x50: {  	_ =	shalt  }
0x51: {  	_ =	shalt  }
0x52: {  	_ =	shalt  }
0x53: {  	_ =	shalt  }
0x54: {  	_ =	shalt  }
0x55: {  	_ =	shalt  }
0x56: {  	_ =	shalt  }
0x57: {  	_ =	shalt  }
0x58: {  	_ =	shalt  }
0x59: {  	_ =	shalt  }
0x5a: {  	_ =	shalt  }
0x5b: {  	_ =	shalt  }
0x5c: {  	_ =	shalt  }
0x5d: {  	_ =	shalt  }
0x5e: {  	_ =	shalt  }
0x5f: {  	_ =	shalt  }
0x60: {  	_ =	shalt  }
0x61: {  	_ =	shalt  }
0x62: {  	_ =	shalt  }
0x63: {  	_ =	shalt  }
0x64: {  	_ =	shalt  }
0x65: {  	_ =	shalt  }
0x66: {  	_ =	shalt  }
0x67: {  	_ =	shalt  }
0x68: {  	_ =	shalt  }
0x69: {  	_ =	shalt  }
0x6a: {  	_ =	shalt  }
0x6b: {  	_ =	shalt  }
0x6c: {  	_ =	shalt  }
0x6d: {  	_ =	shalt  }
0x6e: {  	_ =	shalt  }
0x6f: {  	_ =	shalt  }
0x70: {  	_ =	shalt  }
0x71: {  	_ =	shalt  }
0x72: {  	_ =	shalt  }
0x73: {  	_ =	shalt  }
0x74: {  	_ =	shalt  }
0x75: {  	_ =	shalt  }
0x76: {  	_ =	shalt  }
0x77: {  	_ =	shalt  }
0x78: {  	_ =	shalt  }
0x79: {  	_ =	shalt  }
0x7a: {  	_ =	shalt  }
0x7b: {  	_ =	shalt  }
0x7c: {  	_ =	shalt  }
0x7d: {  	_ =	shalt  }
0x7e: {  	_ =	shalt  }
0x7f: {  	_ =	shalt  }
0x80: {  	_ =	shalt  }
0x81: {  	_ =	shalt  }
0x82: {  	_ =	shalt  }
0x83: {  	_ =	shalt  }
0x84: {  	_ =	shalt  }
0x85: {  	_ =	shalt  }
0x86: {  	_ =	shalt  }
0x87: {  	_ =	shalt  }
.Lfunc_end0:
.L_simem_size_0:
called_computation.1_lowered:
.L_overlay_start_0:
0x88: {  	s2 =	sld [smem:$0x3FD9]  }
0x89: {  	s3 =	sld [smem:$0x3FFE];
	_ =	sdelay $0x1  }
0x8a: {  	s1 =	srdreg.scid  }
0x8b: {  	s0 =	sand.u32 $0x1, s1  }
0x8c: {  	s14 =	sshll.u32 s0, $0xA;
	s2 =	sadd.s32 s3, s2  }
0x8d: {  	s2 =	sadd.s32 s2, s14  }
0x8e: {  	[smem:$0x3FC0] =	sst s2  }
0x8f: {  	_ = 	snop  }
0x90: {  	s2 =	sld [smem:$0x3FD0];
	_ =	sdelay $0x2  }
0x91: {  	s15 =	simm.s32 $0xA;
	s4 =	simm.s32 $0x10  }
0x92: {  	[smem:s4], [sflag:s15] =	dma.local [hbm:s2], $0x1  }
0x93: {  	_ =	swait.eq [sflag:s15], $0x1  }
0x94: {  	[sflag:s15] =	ssyncset.done $0x0  }
0x95: {  	[sflag:s15] =	ssyncadd.s32 $0xFFFFFFFF  }
0x96: {  	s16 =	sld [smem:$0x10];
	(tm) =	ssettm $0x1  }
0x97: {  	s17 =	sld [smem:$0x3FFB];
	_ =	sdelay $0x3  }
0x98: {  	_ =	strace s17  }
0x99: {  	s3 =	sld [smem:$0x3FFC];
	_ =	sdelay $0x3  }
0x9a: {  	_ =	strace s3  }
0x9b: {  	s3 =	sld [smem:$0x3FFD];
	_ =	sdelay $0x3  }
0x9c: {  	_ =	strace s3  }
0x9d: {  	_ =	strace $0x8FFFFFFF  }
0x9e: {  	s18 =	sld [smem:$0x3FDB];
	_ =	sdelay $0x1  }
0x9f: {  	s19 =	simm.s32 $_scs_section_size  }
0xa0: {  	s5 =	simm.s32 $_size__tile_overlayer_lowered;
	s6 =	simm.s32 $_tile_overlayer_lowered  }
0xa1: {  	s22 =	simm.s32 $0x1BFF;
	s21 =	sshll.u32 s6, $0x1;
	s3 =	sadd.s32 s19, s18  }
0xa2: {  	s7 =	simm.s32 $0x0;
	s20 =	sshll.u32 s5, $0x1;
	s5 =	sadd.s32 s21, s3  }
0xa3: {  	[timem:s7], [sflag:s22] =	dma.local [hbm:s5], s20  }
0xa4: {  	_ =	swait.ge [sflag:s22], s20  }
0xa5: {  	s4 =	ssub.s32 $0x0, s20;
	[sflag:s22] =	ssyncset.done $0x0  }
0xa6: {  	[sflag:s22] =	ssyncadd.s32 s4;
	_ =	sdelay $0x1  }
0xa7: {  	s23 =	simm.s32 $0x1B8B  }
0xa8: {  	_ =	swait.ge [sflag:s23], $0x1  }
0xa9: {  	[sflag:s23] =	ssyncset.done $0x0  }
0xaa: {  	s25 =	simm.s32 $0x1B8E;
	s24 =	sld [smem:$0x3FFE];
	[sflag:s23] =	ssyncadd.s32 $0xFFFFFFFF  }
0xab: {  	s26 =	simm.s32 $execute0_lowered;
	[smem:$0x3FD2] =	sst s25  }
0xac: {  	s5 =	sshll.u32 s26, $0x1;
	_ =	strace $0x80000049;
	[dreg:$0x1] =	wrdreg $0xFFFFFFFF  }
0xad: {  	s28 =	simm.s32 $_size_execute0_lowered;
	s3 =	sadd.s32 s3, s5;
	[dreg:$0x0] =	wrdreg $0x0  }
0xae: {  	s5 =	sshll.u32 s28, $0x1;
	[dreg:$0x2] =	wrdreg s3  }
0xaf: {  	[dreg:$0x3] =	wrdreg s5  }
0xb0: {  	[dreg:$0x4] =	wrdreg $0xC0  }
0xb1: {  	_ =	task [dreg:s7], $0x5FFFF  }
0xb2: {  	[dreg:$0x1] =	wrdreg $0xFFFFFFFF  }
0xb3: {  	[dreg:$0x0] =	wrdreg $0x60  }
0xb4: {  	[dreg:$0x2] =	wrdreg s24  }
0xb5: {  	[dreg:$0x3] =	wrdreg s16  }
0xb6: {  	[dreg:$0x4] =	wrdreg $0x0  }
0xb7: {  	[dreg:$0x5] =	wrdreg $0x9  }
0xb8: {  	_ =	task.clear_ibuf [dreg:s7], $0x6FFFF;
	_ =	strace $0x90000049  }
0xb9: {  	s29 =	simm.s32 $0x9;
	_ =	strace $0x8000004B  }
0xba: {  	_ =	swait.ge [sflag:s29], $0x1  }
0xbb: {  	[sflag:s29] =	ssyncadd.s32 $0xFFFFFFFF  }
0xbc: {  	_ =	strace $0x9000004B  }
0xbd: {  	_ =	sfence  }
0xbe: {  	s30 =	sld [smem:$0x0];
	_ =	sdelay $0x2  }
0xbf: {  	s31 =	sshll.u32 s1, $0xD;
	s1 =	sshrl.u32 s1, $0x2  }
0xc0: {  	s3 =	sand.u32 $0x4000, s31;
	s1 =	sadd.s32 s1, s30  }
0xc1: {  	s0 =	sor.u32 s3, s0;
	s1 =	sshll.u32 s1, $0x11  }
0xc2: {  	s0 =	sor.u32 s1, s0  }
0xc3: {  	s0 =	sadd.s32 $0x8F2B, s0  }
0xc4: {  	[sflag:s0] =	ssyncadd.remote.s32 $0x1  }
0xc5: {  	_ =	sfence.sel $0xFFFF  }
0xc6: {  	[dreg:$0x0] =	wrdreg $0xFFFFFFFF;
	(pc) =	sbr.abs _section_cstart, $3  }
0xc7: {  	[dreg:$0x1] =	wrdreg $0xFFFFFFFF  }
0xc8: {  	_ =	task.clear_ibuf [dreg:s7], $0x2FFFF;
	_ =	strace $0x9FFFFFFF  }
0xc9: {  	(tm) =	ssettm $0x7FFFFFFF  }
tec
execute0_lowered:
.L_overlay_start_1:
0x0: {  	(tag) =	ssettag $0x1  }
0x1: {  	s0 =	rddreg [dreg:$0x0]  }
0x2: {  	s3 =	rddreg [dreg:$0x2]  }
0x3: {  	s1 =	srdreg.scid;
	s13 =	stileid.u32;
	s4 =	simm.s32 $0x0  }
0x4: {  	s24 =	simm.s32 $0x14080;
	s25 =	simm.s32 $0x14180;
	s26 =	simm.s32 $0x14380  }
0x5: {  	s28 =	simm.s32 $0x80;
	s29 =	simm.s32 $0x2;
	s30 =	simm.s32 $0x18400  }
0x6: {  	s31 =	simm.s32 $0x14300;
	s1 =	sand.u32 $0x1, s1;
	s2 =	smul.u32 $0x280, s13  }
0x7: {  	[smem:$0x7FF] =	sst s4;
	s12 =	sadd.s32 $0x2B000, s0;
	s6 =	smul.u32 $0x50000, s13  }
0x8: {  	s5 =	smul.u32 $0x2800, s1;
	_ =	strace $0x8000004A;
	[dreg:$0x4] =	wrdreg s24  }
0x9: {  	s7 =	sshll.u32 s1, $0x4;
	s8 =	ssub.s32 $0x2, s1;
	[dreg:$0x5] =	wrdreg s25  }
0xa: {  	s1 =	smul.u32 $0x27800, s1;
	s24 =	simm.s32 $0x14100;
	[dreg:$0x6] =	wrdreg s26  }
0xb: {  	s25 =	simm.s32 $0x14200;
	s6 =	sshrl.u32 s6, $0x2;
	s9 =	sshrl.u32 s8, $0x1  }
0xc: {  	s7 =	sor.u32 s13, s7;
	s13 =	smul.u32 $0x2780, s13;
	s11 =	ssub.s32 s8, s9  }
0xd: {  	s2 =	sadd.s32 s2, s5;
	s16 =	sadd.s32 s6, s3;
	s22 =	smax.u32 s11, $0x1  }
0xe: {  	s10 =	smul.u32 $0x2780, s7;
	s9 =	sadd.s32 $0x8000, s16;
	[dreg:$0x12] =	wrdreg s22  }
0xf: {  	s5 =	sadd.s32 $0xCA000, s0;
	s17 =	sadd.s32 $0xC000, s16;
	[dreg:$0x7] =	wrdreg s9  }
0x10: {  	s23 =	sadd.s32 s1, s12;
	s14 =	sadd.s32 s12, s10;
	[dreg:$0x8] =	wrdreg s17  }
0x11: {  	s1 =	simm.s32 $0x7;
	s10 =	sadd.s32 $0x10000, s16;
	[dreg:$0x9] =	wrdreg s14  }
0x12: {  	s2 =	sshll.u32 s2, $0x4;
	s15 =	sadd.s32 $0x20, s14;
	[dreg:$0xa] =	wrdreg s10  }
0x13: {  	s0 =	sadd.s32 s2, s0;
	s6 =	sadd.s32 $0x40, s14;
	[dreg:$0xb] =	wrdreg s15  }
0x14: {  	s8 =	sadd.s32 $0x4000, s16;
	s18 =	sadd.s32 $0x11A000, s0;
	[dreg:$0xc] =	wrdreg s6  }
0x15: {  	s22 =	simm.s32 $0x9;
	s19 =	sadd.s32 $0x11A800, s0;
	[dreg:$0xd] =	wrdreg s18  }
0x16: {  	s2 =	simm.s32 $0x3;
	s20 =	sadd.s32 $0x11B000, s0;
	[dreg:$0xe] =	wrdreg s19  }
0x17: {  	s12 =	simm.s32 $0x6;
	s21 =	sadd.s32 $0x11B800, s0;
	[dreg:$0xf] =	wrdreg s20  }
0x18: {  	s0 =	sadd.s32 $0x11C000, s0;
	s14 =	simm.s32 $0x4;
	[dreg:$0x10] =	wrdreg s21  }
0x19: {  	[dreg:$0x11] =	wrdreg s0;
	s20 =	sadd.s32 s13, s23;
	s21 =	simm.s32 $0x14400  }
0x1a: {  	s0 =	simm.s32 $0x5;
	s13 =	simm.s32 $0x8;
	s15 =	simm.s32 $0x0  }
.LBB2_1:
0x1b: {  	s7 =	rddreg [dreg:$0x1]  }
0x1c: {  	[tilespmem:s21], [sflag:$0x9] =	stream.linear.gather [hbm4b:s7+s4], $0x4000, $0x38;
	[tilespmem:$0x1C400] =	vst v63  }
0x1d: {  	_ =	swait.ge [sflag:s22], $0x4000  }
0x1e: {  	[sflag:s22] =	ssyncset.done $0x0  }
0x1f: {  	[sflag:s22] =	ssyncadd.s32 $0xFFFFC000  }
0x20: {  	[spmem:s16] =	stream.linear.scatter [tilespmem:s21], [sflag:$0x9], $0x4000, $0x38;
	[tilespmem:$0x1C400] =	vst v63  }
0x21: {  	_ =	swait.ge [sflag:s22], $0x4000  }
0x22: {  	[sflag:s22] =	ssyncset.done $0x0  }
0x23: {  	[sflag:s22] =	ssyncadd.s32 $0xFFFFC000  }
0x24: {  	[spmem:s8] =	stream.linear.scatter [tilespmem:s21], [sflag:$0x9], $0x4000, $0x38;
	[tilespmem:$0x1C400] =	vst v63  }
0x25: {  	_ =	swait.ge [sflag:s22], $0x4000  }
0x26: {  	[sflag:s22] =	ssyncset.done $0x0  }
0x27: {  	[sflag:s22] =	ssyncadd.s32 $0xFFFFC000  }
0x28: {  	[spmem:s9] =	stream.linear.scatter [tilespmem:s21], [sflag:$0x9], $0x4000, $0x38;
	[tilespmem:$0x1C400] =	vst v63  }
0x29: {  	_ =	swait.ge [sflag:s22], $0x4000  }
0x2a: {  	[sflag:s22] =	ssyncset.done $0x0  }
0x2b: {  	[sflag:s22] =	ssyncadd.s32 $0xFFFFC000  }
0x2c: {  	[spmem:s17] =	stream.linear.scatter [tilespmem:s21], [sflag:$0x9], $0x4000, $0x38;
	[tilespmem:$0x1C400] =	vst v63  }
0x2d: {  	_ =	swait.ge [sflag:s22], $0x4000  }
0x2e: {  	[sflag:s22] =	ssyncset.done $0x0  }
0x2f: {  	[sflag:s22] =	ssyncadd.s32 $0xFFFFC000  }
0x30: {  	[spmem:s10] =	stream.linear.scatter [tilespmem:s21], [sflag:$0x9], $0x4000, $0x38;
	[tilespmem:$0x1C400] =	vst v63  }
0x31: {  	_ =	swait.ge [sflag:s22], $0x4000  }
0x32: {  	[sflag:s22] =	ssyncset.done $0x0  }
0x33: {  	[sflag:s22] =	ssyncadd.s32 $0xFFFFC000  }
0x34: {  	[bflag:$0x0] =	sbarrier.arrive $0xFFFF  }
0x35: {  	s10 =	simm.s32 $0x14000;
	s9 =	rddreg [dreg:$0x9]  }
0x36: {  	[tilespmem:s10], [sflag:$0x1] =	stream.linear.gather [hbm4b:s9+s4], $0x100, $0x38;
	[tilespmem:$0x1C400] =	vst v63  }
0x37: {  	s6 =	smov.u32 s16;
	s16 =	rddreg [dreg:$0xb]  }
0x38: {  	[tilespmem:s24], [sflag:$0x2] =	stream.linear.gather [hbm4b:s16+s4], $0x100, $0x38;
	[tilespmem:$0x1C400] =	vst v63  }
0x39: {  	s18 =	simm.s32 $0x1;
	s17 =	rddreg [dreg:$0xc]  }
0x3a: {  	[tilespmem:s25], [sflag:$0x3] =	stream.linear.gather [hbm4b:s17+s4], $0x100, $0x38;
	[tilespmem:$0x1C400] =	vst v63  }
0x3b: {  	p0 =	por $0x1, $0x1;
	_ =	swait.ge [sflag:s18], $0x100  }
0x3c: {  	p0 =	por p0, p0;
	[sflag:s18] =	ssyncset.done $0x0  }
0x3d: {  	s16 =	simm.s32 @!p0 $0x8;
	[sflag:s18] =	ssyncadd.s32 $0xFFFFFF00  }
0x3e: {  	[tilespmem:s21], [sflag:$0x5] =	stream.indirect.gather [hbm4b:s5+s28], $0x80, s10, s28, $0xb8;
	[tilespmem:$0x1C400] =	vst v63  }
0x3f: {  	_ =	swait.ge @!p0 [sflag:s16], $0x4000  }
0x40: {  	[sflag:s16] =	ssyncset.done @!p0 $0x0  }
0x41: {  	[sflag:s16] =	ssyncadd.s32 @!p0 $0xFFFFC000  }
0x42: {  	_ =	swait.ge [sflag:s29], $0x100  }
0x43: {  	[sflag:s29] =	ssyncset.done $0x0  }
0x44: {  	s19 =	sadd.s32 $0x0, s20;
	[sflag:s29] =	ssyncadd.s32 $0xFFFFFF00  }
0x45: {  	[tilespmem:s30], [sflag:$0x6] =	stream.indirect.gather [hbm4b:s5+s28], $0x80, s24, s28, $0xb8;
	[tilespmem:$0x1C400] =	vst v63  }
0x46: {  	s16 =	sadd.s32 $0x60, s19  }
0x47: {  	[tilespmem:s31], [sflag:$0x4] =	stream.linear.gather [hbm4b:s16+s4], $0x100, $0x38;
	[tilespmem:$0x1C400] =	vst v63  }
0x48: {  	_ =	swait.ge [sflag:s0], $0x4000  }
0x49: {  	[sflag:s0] =	ssyncset.done $0x0  }
0x4a: {  	s23 =	rddreg [dreg:$0x4];
	[sflag:s0] =	ssyncadd.s32 $0xFFFFC000  }
0x4b: {  	[spmem:s3] =	stream.indirect.scatter.add.f32 [tilespmem:s21], [sflag:$0x7], $0x80, s23, s28, $0xb8;
	[tilespmem:$0x1C400] =	vst v63  }
0x4c: {  	_ =	swait.ge [sflag:s1], $0x4000  }
0x4d: {  	[sflag:s1] =	ssyncset.done $0x0  }
0x4e: {  	[sflag:s1] =	ssyncadd.s32 $0xFFFFC000  }
0x4f: {  	_ =	swait.ge [sflag:s2], $0x100  }
0x50: {  	p0 =	por $0x0, $0x0;
	[sflag:s2] =	ssyncset.done $0x0  }
0x51: {  	s16 =	sadd.s32 @!p0 $0x0, s20;
	[sflag:s2] =	ssyncadd.s32 $0xFFFFFF00  }
0x52: {  	[tilespmem:s21], [sflag:$0x5] =	stream.indirect.gather [hbm4b:s5+s28], $0x80, s25, s28, $0xb8;
	[tilespmem:$0x1C400] =	vst v63  }
0x53: {  	s17 =	simm.s32 @!p0 $0x0;
	s18 =	simm.s32 @!p0 $0x14000;
	s19 =	sadd.s32 @!p0 $0x80, s16  }
0x54: {  	[tilespmem:s18], [sflag:$0x1] =	stream.linear.gather @!p0 [hbm4b:s19+s17], $0x100, $0x38;
	[tilespmem:$0x1C400] =	vst v63  }
0x55: {  	_ =	swait.ge [sflag:s12], $0x4000  }
0x56: {  	[sflag:s12] =	ssyncset.done $0x0  }
0x57: {  	s26 =	rddreg [dreg:$0x5];
	[sflag:s12] =	ssyncadd.s32 $0xFFFFC000  }
0x58: {  	[spmem:s3] =	stream.indirect.scatter.add.f32 [tilespmem:s30], [sflag:$0x8], $0x80, s26, s28, $0xb8;
	[tilespmem:$0x1C400] =	vst v63  }
0x59: {  	_ =	swait.ge [sflag:s13], $0x4000  }
0x5a: {  	[sflag:s13] =	ssyncset.done $0x0  }
0x5b: {  	[sflag:s13] =	ssyncadd.s32 $0xFFFFC000  }
0x5c: {  	_ =	swait.ge [sflag:s14], $0x100  }
0x5d: {  	[sflag:s14] =	ssyncset.done $0x0  }
0x5e: {  	s19 =	simm.s32 @p0 $0x5;
	[sflag:s14] =	ssyncadd.s32 $0xFFFFFF00  }
0x5f: {  	[tilespmem:s30], [sflag:$0x6] =	stream.indirect.gather [hbm4b:s5+s28], $0x80, s31, s28, $0xb8;
	[tilespmem:$0x1C400] =	vst v63  }
0x60: {  	_ =	swait.ge @p0 [sflag:s19], $0x4000  }
0x61: {  	s10 =	simm.s32 @p0 $0x80;
	[sflag:s19] =	ssyncset.done @p0 $0x0  }
0x62: {  	s23 =	simm.s32 @p0 $0x14400;
	[sflag:s19] =	ssyncadd.s32 @p0 $0xFFFFC000;
	s19 =	simm.s32 @p0 $0x14280  }
0x63: {  	[spmem:s3] =	stream.indirect.scatter.add.f32 @p0 [tilespmem:s23], [sflag:$0x7], $0x80, s19, s10, $0xb8;
	[tilespmem:$0x1C400] =	vst v63  }
0x64: {  	s10 =	simm.s32 @p0 $0x7  }
0x65: {  	_ =	swait.ge @p0 [sflag:s10], $0x4000  }
0x66: {  	s19 =	sadd.s32 @!p0 $0xA0, s16;
	[sflag:s10] =	ssyncset.done @p0 $0x0  }
0x67: {  	s23 =	simm.s32 @!p0 $0x14100;
	[sflag:s10] =	ssyncadd.s32 @p0 $0xFFFFC000;
	s10 =	simm.s32 @!p0 $0x5  }
0x68: {  	[tilespmem:s23], [sflag:$0x2] =	stream.linear.gather @!p0 [hbm4b:s19+s17], $0x100, $0x38;
	[tilespmem:$0x1C400] =	vst v63  }
0x69: {  	_ =	swait.ge @!p0 [sflag:s10], $0x4000  }
0x6a: {  	s19 =	simm.s32 @!p0 $0x14400;
	[sflag:s10] =	ssyncset.done @!p0 $0x0  }
0x6b: {  	s23 =	simm.s32 @!p0 $0x80;
	[sflag:s10] =	ssyncadd.s32 @!p0 $0xFFFFC000;
	s10 =	simm.s32 @!p0 $0x14280  }
0x6c: {  	[spmem:s3] =	stream.indirect.scatter.add.f32 @!p0 [tilespmem:s19], [sflag:$0x7], $0x80, s10, s23, $0xb8;
	[tilespmem:$0x1C400] =	vst v63  }
0x6d: {  	s10 =	simm.s32 @!p0 $0x7  }
0x6e: {  	_ =	swait.ge @!p0 [sflag:s10], $0x4000  }
0x6f: {  	[sflag:s10] =	ssyncset.done @!p0 $0x0  }
0x70: {  	[sflag:s10] =	ssyncadd.s32 @!p0 $0xFFFFC000;
	s10 =	simm.s32 @!p0 $0x1  }
0x71: {  	_ =	swait.ge @!p0 [sflag:s10], $0x100  }
0x72: {  	[sflag:s10] =	ssyncset.done @!p0 $0x0  }
0x73: {  	[sflag:s10] =	ssyncadd.s32 @!p0 $0xFFFFFF00  }
0x74: {  	[tilespmem:s19], [sflag:$0x5] =	stream.indirect.gather @!p0 [hbm4b:s5+s23], $0x80, s18, s23, $0xb8;
	[tilespmem:$0x1C400] =	vst v63  }
0x75: {  	s10 =	sadd.s32 @!p0 $0xC0, s16;
	s16 =	simm.s32 @!p0 $0x14200  }
0x76: {  	[tilespmem:s16], [sflag:$0x3] =	stream.linear.gather @!p0 [hbm4b:s10+s17], $0x100, $0x38;
	[tilespmem:$0x1C400] =	vst v63  }
0x77: {  	s11 =	smov.u32 s8;
	p6 =	por $0x0, $0x0;
	_ =	swait.ge [sflag:s12], $0x4000  }
0x78: {  	s16 =	simm.s32 $0x80;
	s17 =	simm.s32 $0x100;
	[sflag:s12] =	ssyncset.done $0x0  }
0x79: {  	p0 =	por p6, p6;
	s18 =	rddreg [dreg:$0x6];
	[sflag:s12] =	ssyncadd.s32 $0xFFFFC000  }
.LBB2_2:
0x7a: {  	s10 =	simm.s32 @!p0 $0x8  }
0x7b: {  	[spmem:s3] =	stream.indirect.scatter.add.f32 [tilespmem:s30], [sflag:$0x8], $0x80, s18, s28, $0xb8;
	[tilespmem:$0x1C400] =	vst v63  }
0x7c: {  	_ =	swait.ge @!p0 [sflag:s10], $0x4000  }
0x7d: {  	[sflag:s10] =	ssyncset.done @!p0 $0x0  }
0x7e: {  	[sflag:s10] =	ssyncadd.s32 @!p0 $0xFFFFC000  }
0x7f: {  	_ =	swait.ge [sflag:s29], $0x100  }
0x80: {  	[sflag:s29] =	ssyncset.done $0x0  }
0x81: {  	s19 =	sadd.s32 s16, s20;
	[sflag:s29] =	ssyncadd.s32 $0xFFFFFF00  }
0x82: {  	[tilespmem:s30], [sflag:$0x6] =	stream.indirect.gather [hbm4b:s5+s28], $0x80, s24, s28, $0xb8;
	[tilespmem:$0x1C400] =	vst v63  }
0x83: {  	s10 =	sadd.s32 $0x60, s19  }
0x84: {  	[tilespmem:s31], [sflag:$0x4] =	stream.linear.gather [hbm4b:s10+s4], $0x100, $0x38;
	[tilespmem:$0x1C400] =	vst v63  }
0x85: {  	_ =	swait.ge [sflag:s0], $0x4000  }
0x86: {  	[sflag:s0] =	ssyncset.done $0x0  }
0x87: {  	s23 =	rddreg [dreg:$0x4];
	[sflag:s0] =	ssyncadd.s32 $0xFFFFC000  }
0x88: {  	[spmem:s3] =	stream.indirect.scatter.add.f32 [tilespmem:s21], [sflag:$0x7], $0x80, s23, s28, $0xb8;
	[tilespmem:$0x1C400] =	vst v63  }
0x89: {  	_ =	swait.ge [sflag:s1], $0x4000  }
0x8a: {  	[sflag:s1] =	ssyncset.done $0x0  }
0x8b: {  	[sflag:s1] =	ssyncadd.s32 $0xFFFFC000  }
0x8c: {  	p2 =	seq.s32 s17, $0x0;
	_ =	swait.ge [sflag:s2], $0x100  }
0x8d: {  	p0 =	por p2, p2;
	p2 =	seq.s32 s16, $0x2700;
	[sflag:s2] =	ssyncset.done $0x0  }
0x8e: {  	s10 =	sadd.s32 @!p2 s16, s20;
	[sflag:s2] =	ssyncadd.s32 $0xFFFFFF00  }
0x8f: {  	[tilespmem:s21], [sflag:$0x5] =	stream.indirect.gather [hbm4b:s5+s28], $0x80, s25, s28, $0xb8;
	[tilespmem:$0x1C400] =	vst v63  }
0x90: {  	s18 =	simm.s32 @!p2 $0x0;
	s19 =	simm.s32 @!p2 $0x14000;
	s16 =	sadd.s32 @!p2 $0x80, s10  }
0x91: {  	[tilespmem:s19], [sflag:$0x1] =	stream.linear.gather @!p2 [hbm4b:s16+s18], $0x100, $0x38;
	[tilespmem:$0x1C400] =	vst v63  }
0x92: {  	_ =	swait.ge [sflag:s12], $0x4000  }
0x93: {  	s26 =	smov.u32 s17;
	[sflag:s12] =	ssyncset.done $0x0  }
0x94: {  	s16 =	smov.u32 s26;
	s26 =	rddreg [dreg:$0x5];
	[sflag:s12] =	ssyncadd.s32 $0xFFFFC000  }
0x95: {  	[spmem:s3] =	stream.indirect.scatter.add.f32 [tilespmem:s30], [sflag:$0x8], $0x80, s26, s28, $0xb8;
	[tilespmem:$0x1C400] =	vst v63  }
0x96: {  	_ =	swait.ge [sflag:s13], $0x4000  }
0x97: {  	[sflag:s13] =	ssyncset.done $0x0  }
0x98: {  	[sflag:s13] =	ssyncadd.s32 $0xFFFFC000  }
0x99: {  	_ =	swait.ge [sflag:s14], $0x100  }
0x9a: {  	s7 =	sadd.s32 @!p2 $0xA0, s10;
	[sflag:s14] =	ssyncset.done $0x0  }
0x9b: {  	s23 =	sadd.s32 @!p2 $0xC0, s10;
	s10 =	simm.s32 @p2 $0x5;
	[sflag:s14] =	ssyncadd.s32 $0xFFFFFF00  }
0x9c: {  	[tilespmem:s30], [sflag:$0x6] =	stream.indirect.gather [hbm4b:s5+s28], $0x80, s31, s28, $0xb8;
	[tilespmem:$0x1C400] =	vst v63  }
0x9d: {  	_ =	swait.ge @p2 [sflag:s10], $0x4000  }
0x9e: {  	s8 =	simm.s32 @p2 $0x80;
	s9 =	simm.s32 @p2 $0x14280;
	[sflag:s10] =	ssyncset.done @p2 $0x0  }
0x9f: {  	s26 =	simm.s32 @p2 $0x14400;
	[sflag:s10] =	ssyncadd.s32 @p2 $0xFFFFC000;
	s10 =	simm.s32 @p2 $0x7  }
0xa0: {  	[spmem:s3] =	stream.indirect.scatter.add.f32 @p2 [tilespmem:s26], [sflag:$0x7], $0x80, s9, s8, $0xb8;
	[tilespmem:$0x1C400] =	vst v63  }
0xa1: {  	_ =	swait.ge @p2 [sflag:s10], $0x4000  }
0xa2: {  	[sflag:s10] =	ssyncset.done @p2 $0x0  }
0xa3: {  	s8 =	simm.s32 @!p2 $0x14100;
	s9 =	simm.s32 @!p2 $0x5;
	[sflag:s10] =	ssyncadd.s32 @p2 $0xFFFFC000  }
0xa4: {  	[tilespmem:s8], [sflag:$0x2] =	stream.linear.gather @!p2 [hbm4b:s7+s18], $0x100, $0x38;
	[tilespmem:$0x1C400] =	vst v63  }
0xa5: {  	_ =	swait.ge @!p2 [sflag:s9], $0x4000  }
0xa6: {  	s10 =	simm.s32 @!p2 $0x14280;
	s7 =	simm.s32 @!p2 $0x14400;
	[sflag:s9] =	ssyncset.done @!p2 $0x0  }
0xa7: {  	s8 =	simm.s32 @!p2 $0x80;
	[sflag:s9] =	ssyncadd.s32 @!p2 $0xFFFFC000;
	s9 =	simm.s32 @!p2 $0x7  }
0xa8: {  	[spmem:s3] =	stream.indirect.scatter.add.f32 @!p2 [tilespmem:s7], [sflag:$0x7], $0x80, s10, s8, $0xb8;
	[tilespmem:$0x1C400] =	vst v63  }
0xa9: {  	_ =	swait.ge @!p2 [sflag:s9], $0x4000  }
0xaa: {  	[sflag:s9] =	ssyncset.done @!p2 $0x0  }
0xab: {  	s10 =	simm.s32 @!p2 $0x1;
	[sflag:s9] =	ssyncadd.s32 @!p2 $0xFFFFC000  }
0xac: {  	_ =	swait.ge @!p2 [sflag:s10], $0x100  }
0xad: {  	s17 =	sadd.s32 $0x80, s17;
	[sflag:s10] =	ssyncset.done @!p2 $0x0  }
0xae: {  	p1 =	sne.s32 s17, $0x2780;
	[sflag:s10] =	ssyncadd.s32 @!p2 $0xFFFFFF00  }
0xaf: {  	[tilespmem:s7], [sflag:$0x5] =	stream.indirect.gather @!p2 [hbm4b:s5+s8], $0x80, s19, s8, $0xb8;
	[tilespmem:$0x1C400] =	vst v63  }
.Ltmp0:
0xb0: {  	s9 =	simm.s32 @!p2 $0x14200;
	(pc) =	sbr.rel @p1 .LBB2_2-.Ltmp0, $4  }
0xb1: {  	[tilespmem:s9], [sflag:$0x3] =	stream.linear.gather @!p2 [hbm4b:s23+s18], $0x100, $0x38;
	[tilespmem:$0x1C400] =	vst v63  }
0xb2: {  	_ =	swait.ge [sflag:s12], $0x4000  }
0xb3: {  	[sflag:s12] =	ssyncset.done $0x0  }
0xb4: {  	s18 =	rddreg [dreg:$0x6];
	[sflag:s12] =	ssyncadd.s32 $0xFFFFC000  }
0xb5: {  	s7 =	simm.s32 @!p0 $0x8  }
0xb6: {  	[spmem:s3] =	stream.indirect.scatter.add.f32 [tilespmem:s30], [sflag:$0x8], $0x80, s18, s28, $0xb8;
	[tilespmem:$0x1C400] =	vst v63  }
0xb7: {  	_ =	swait.ge @!p0 [sflag:s7], $0x4000  }
0xb8: {  	[sflag:s7] =	ssyncset.done @!p0 $0x0  }
0xb9: {  	[sflag:s7] =	ssyncadd.s32 @!p0 $0xFFFFC000  }
0xba: {  	_ =	swait.ge [sflag:s29], $0x100  }
0xbb: {  	[sflag:s29] =	ssyncset.done $0x0  }
0xbc: {  	s19 =	sadd.s32 s16, s20;
	[sflag:s29] =	ssyncadd.s32 $0xFFFFFF00  }
0xbd: {  	[tilespmem:s30], [sflag:$0x6] =	stream.indirect.gather [hbm4b:s5+s28], $0x80, s24, s28, $0xb8;
	[tilespmem:$0x1C400] =	vst v63  }
0xbe: {  	s7 =	sadd.s32 $0x60, s19  }
0xbf: {  	[tilespmem:s31], [sflag:$0x4] =	stream.linear.gather [hbm4b:s7+s4], $0x100, $0x38;
	[tilespmem:$0x1C400] =	vst v63  }
0xc0: {  	_ =	swait.ge [sflag:s0], $0x4000  }
0xc1: {  	[sflag:s0] =	ssyncset.done $0x0  }
0xc2: {  	s23 =	rddreg [dreg:$0x4];
	[sflag:s0] =	ssyncadd.s32 $0xFFFFC000  }
0xc3: {  	[spmem:s3] =	stream.indirect.scatter.add.f32 [tilespmem:s21], [sflag:$0x7], $0x80, s23, s28, $0xb8;
	[tilespmem:$0x1C400] =	vst v63  }
0xc4: {  	_ =	swait.ge [sflag:s1], $0x4000  }
0xc5: {  	[sflag:s1] =	ssyncset.done $0x0  }
0xc6: {  	[sflag:s1] =	ssyncadd.s32 $0xFFFFC000  }
0xc7: {  	_ =	swait.ge [sflag:s2], $0x100  }
0xc8: {  	p0 =	seq.s32 s16, $0x2700;
	[sflag:s2] =	ssyncset.done $0x0  }
0xc9: {  	s7 =	sadd.s32 @!p0 s16, s20;
	[sflag:s2] =	ssyncadd.s32 $0xFFFFFF00  }
0xca: {  	[tilespmem:s21], [sflag:$0x5] =	stream.indirect.gather [hbm4b:s5+s28], $0x80, s25, s28, $0xb8;
	[tilespmem:$0x1C400] =	vst v63  }
0xcb: {  	s8 =	simm.s32 @!p0 $0x0;
	s9 =	simm.s32 @!p0 $0x14000;
	s10 =	sadd.s32 @!p0 $0x80, s7  }
0xcc: {  	[tilespmem:s9], [sflag:$0x1] =	stream.linear.gather @!p0 [hbm4b:s10+s8], $0x100, $0x38;
	[tilespmem:$0x1C400] =	vst v63  }
0xcd: {  	_ =	swait.ge [sflag:s12], $0x4000  }
0xce: {  	[sflag:s12] =	ssyncset.done $0x0  }
0xcf: {  	s26 =	rddreg [dreg:$0x5];
	[sflag:s12] =	ssyncadd.s32 $0xFFFFC000  }
0xd0: {  	[spmem:s3] =	stream.indirect.scatter.add.f32 [tilespmem:s30], [sflag:$0x8], $0x80, s26, s28, $0xb8;
	[tilespmem:$0x1C400] =	vst v63  }
0xd1: {  	_ =	swait.ge [sflag:s13], $0x4000  }
0xd2: {  	[sflag:s13] =	ssyncset.done $0x0  }
0xd3: {  	[sflag:s13] =	ssyncadd.s32 $0xFFFFC000  }
0xd4: {  	_ =	swait.ge [sflag:s14], $0x100  }
0xd5: {  	[sflag:s14] =	ssyncset.done $0x0  }
0xd6: {  	s10 =	simm.s32 @p0 $0x5;
	[sflag:s14] =	ssyncadd.s32 $0xFFFFFF00  }
0xd7: {  	[tilespmem:s30], [sflag:$0x6] =	stream.indirect.gather [hbm4b:s5+s28], $0x80, s31, s28, $0xb8;
	[tilespmem:$0x1C400] =	vst v63  }
0xd8: {  	_ =	swait.ge @p0 [sflag:s10], $0x4000  }
0xd9: {  	s17 =	simm.s32 @p0 $0x80;
	[sflag:s10] =	ssyncset.done @p0 $0x0  }
0xda: {  	s16 =	simm.s32 @p0 $0x14400;
	[sflag:s10] =	ssyncadd.s32 @p0 $0xFFFFC000;
	s10 =	simm.s32 @p0 $0x14280  }
0xdb: {  	[spmem:s3] =	stream.indirect.scatter.add.f32 @p0 [tilespmem:s16], [sflag:$0x7], $0x80, s10, s17, $0xb8;
	[tilespmem:$0x1C400] =	vst v63  }
0xdc: {  	s10 =	simm.s32 @p0 $0x7  }
0xdd: {  	_ =	swait.ge @p0 [sflag:s10], $0x4000  }
0xde: {  	s16 =	sadd.s32 @!p0 $0xA0, s7;
	[sflag:s10] =	ssyncset.done @p0 $0x0  }
0xdf: {  	s17 =	simm.s32 @!p0 $0x14100;
	[sflag:s10] =	ssyncadd.s32 @p0 $0xFFFFC000;
	s10 =	simm.s32 @!p0 $0x5  }
0xe0: {  	[tilespmem:s17], [sflag:$0x2] =	stream.linear.gather @!p0 [hbm4b:s16+s8], $0x100, $0x38;
	[tilespmem:$0x1C400] =	vst v63  }
0xe1: {  	_ =	swait.ge @!p0 [sflag:s10], $0x4000  }
0xe2: {  	s16 =	simm.s32 @!p0 $0x14400;
	[sflag:s10] =	ssyncset.done @!p0 $0x0  }
0xe3: {  	s17 =	simm.s32 @!p0 $0x80;
	[sflag:s10] =	ssyncadd.s32 @!p0 $0xFFFFC000;
	s10 =	simm.s32 @!p0 $0x14280  }
0xe4: {  	[spmem:s3] =	stream.indirect.scatter.add.f32 @!p0 [tilespmem:s16], [sflag:$0x7], $0x80, s10, s17, $0xb8;
	[tilespmem:$0x1C400] =	vst v63  }
0xe5: {  	s10 =	simm.s32 @!p0 $0x7  }
0xe6: {  	_ =	swait.ge @!p0 [sflag:s10], $0x4000  }
0xe7: {  	[sflag:s10] =	ssyncset.done @!p0 $0x0  }
0xe8: {  	[sflag:s10] =	ssyncadd.s32 @!p0 $0xFFFFC000;
	s10 =	simm.s32 @!p0 $0x1  }
0xe9: {  	_ =	swait.ge @!p0 [sflag:s10], $0x100  }
0xea: {  	[sflag:s10] =	ssyncset.done @!p0 $0x0  }
0xeb: {  	[sflag:s10] =	ssyncadd.s32 @!p0 $0xFFFFFF00  }
0xec: {  	[tilespmem:s16], [sflag:$0x5] =	stream.indirect.gather @!p0 [hbm4b:s5+s17], $0x80, s9, s17, $0xb8;
	[tilespmem:$0x1C400] =	vst v63  }
0xed: {  	s7 =	sadd.s32 @!p0 $0xC0, s7;
	s9 =	simm.s32 @!p0 $0x14200  }
0xee: {  	[tilespmem:s9], [sflag:$0x3] =	stream.linear.gather @!p0 [hbm4b:s7+s8], $0x100, $0x38;
	[tilespmem:$0x1C400] =	vst v63  }
0xef: {  	_ =	swait.ge [sflag:s12], $0x4000  }
0xf0: {  	[sflag:s12] =	ssyncset.done $0x0  }
0xf1: {  	s9 =	rddreg [dreg:$0x6];
	[sflag:s12] =	ssyncadd.s32 $0xFFFFC000  }
0xf2: {  	[spmem:s3] =	stream.indirect.scatter.add.f32 [tilespmem:s30], [sflag:$0x8], $0x80, s9, s28, $0xb8;
	[tilespmem:$0x1C400] =	vst v63  }
0xf3: {  	_ =	swait.ge [sflag:s13], $0x4000  }
0xf4: {  	[sflag:s13] =	ssyncset.done $0x0  }
0xf5: {  	[sflag:s13] =	ssyncadd.s32 $0xFFFFC000  }
0xf6: {  	[bflag:$0x0] =	sbarrier.arrive $0xFFFF  }
0xf7: {  	[tilespmem:s21], [sflag:$0x9] =	stream.linear.gather [spmem:s6], $0x4000, $0x38;
	[tilespmem:$0x1C400] =	vst v63  }
0xf8: {  	_ =	swait.ge [sflag:s22], $0x4000  }
0xf9: {  	[sflag:s22] =	ssyncset.done $0x0  }
0xfa: {  	s10 =	rddreg [dreg:$0xd];
	[sflag:s22] =	ssyncadd.s32 $0xFFFFC000  }
0xfb: {  	[hbm4b:s10+s4] =	stream.linear.scatter [tilespmem:s21], [sflag:$0x9], $0x4000, $0x38;
	[tilespmem:$0x1C400] =	vst v63  }
0xfc: {  	_ =	swait.ge [sflag:s22], $0x4000  }
0xfd: {  	[sflag:s22] =	ssyncset.done $0x0  }
0xfe: {  	[sflag:s22] =	ssyncadd.s32 $0xFFFFC000  }
0xff: {  	[tilespmem:s21], [sflag:$0x9] =	stream.linear.gather [spmem:s11], $0x4000, $0x38;
	[tilespmem:$0x1C400] =	vst v63  }
0x100: {  	_ =	swait.ge [sflag:s22], $0x4000  }
0x101: {  	[sflag:s22] =	ssyncset.done $0x0  }
0x102: {  	s17 =	rddreg [dreg:$0xe];
	[sflag:s22] =	ssyncadd.s32 $0xFFFFC000  }
0x103: {  	[hbm4b:s17+s4] =	stream.linear.scatter [tilespmem:s21], [sflag:$0x9], $0x4000, $0x38;
	[tilespmem:$0x1C400] =	vst v63  }
0x104: {  	_ =	swait.ge [sflag:s22], $0x4000  }
0x105: {  	[sflag:s22] =	ssyncset.done $0x0  }
0x106: {  	s9 =	rddreg [dreg:$0x7];
	[sflag:s22] =	ssyncadd.s32 $0xFFFFC000  }
0x107: {  	[tilespmem:s21], [sflag:$0x9] =	stream.linear.gather [spmem:s9], $0x4000, $0x38;
	[tilespmem:$0x1C400] =	vst v63  }
0x108: {  	_ =	swait.ge [sflag:s22], $0x4000  }
0x109: {  	[sflag:s22] =	ssyncset.done $0x0  }
0x10a: {  	s18 =	rddreg [dreg:$0xf];
	[sflag:s22] =	ssyncadd.s32 $0xFFFFC000  }
0x10b: {  	[hbm4b:s18+s4] =	stream.linear.scatter [tilespmem:s21], [sflag:$0x9], $0x4000, $0x38;
	[tilespmem:$0x1C400] =	vst v63  }
0x10c: {  	_ =	swait.ge [sflag:s22], $0x4000  }
0x10d: {  	[sflag:s22] =	ssyncset.done $0x0  }
0x10e: {  	s17 =	rddreg [dreg:$0x8];
	[sflag:s22] =	ssyncadd.s32 $0xFFFFC000  }
0x10f: {  	[tilespmem:s21], [sflag:$0x9] =	stream.linear.gather [spmem:s17], $0x4000, $0x38;
	[tilespmem:$0x1C400] =	vst v63  }
0x110: {  	_ =	swait.ge [sflag:s22], $0x4000  }
0x111: {  	[sflag:s22] =	ssyncset.done $0x0  }
0x112: {  	s19 =	rddreg [dreg:$0x10];
	[sflag:s22] =	ssyncadd.s32 $0xFFFFC000  }
0x113: {  	[hbm4b:s19+s4] =	stream.linear.scatter [tilespmem:s21], [sflag:$0x9], $0x4000, $0x38;
	[tilespmem:$0x1C400] =	vst v63  }
0x114: {  	_ =	swait.ge [sflag:s22], $0x4000  }
0x115: {  	[sflag:s22] =	ssyncset.done $0x0  }
0x116: {  	s10 =	rddreg [dreg:$0xa];
	[sflag:s22] =	ssyncadd.s32 $0xFFFFC000  }
0x117: {  	[tilespmem:s21], [sflag:$0x9] =	stream.linear.gather [spmem:s10], $0x4000, $0x38;
	[tilespmem:$0x1C400] =	vst v63  }
0x118: {  	_ =	swait.ge [sflag:s22], $0x4000  }
0x119: {  	[sflag:s22] =	ssyncset.done $0x0  }
0x11a: {  	s23 =	rddreg [dreg:$0x11];
	[sflag:s22] =	ssyncadd.s32 $0xFFFFC000  }
0x11b: {  	[hbm4b:s23+s4] =	stream.linear.scatter [tilespmem:s21], [sflag:$0x9], $0x4000, $0x38;
	[tilespmem:$0x1C400] =	vst v63  }
0x11c: {  	_ =	swait.ge [sflag:s22], $0x4000  }
0x11d: {  	s15 =	sadd.s32 $0x1, s15;
	s26 =	rddreg [dreg:$0x12]  }
0x11e: {  	p0 =	sne.s32 s15, s26  }
.Ltmp1:
0x11f: {  	_ = 	snop;
	(pc) =	sbr.rel @p0 .LBB2_1-.Ltmp1, $3  }
0x120: {  	_ =	sdelay $0x1  }
0x121: {  	[sflag:s22] =	ssyncset.done $0x0  }
0x122: {  	s16 =	smov.u32 s6;
	s8 =	smov.u32 s11;
	[sflag:s22] =	ssyncadd.s32 $0xFFFFC000  }
0x123: {  	_ =	sfence.sel $0x180000  }
0x124: {  	[bflag:$0x0] =	sbarrier.arrive $0xFFFF  }
0x125: {  	_ =	strace $0x9000004A  }
0x126: {  	s0 =	stileid.u32;
	[bflag:$0x2] =	sbarrier.arrive $0xFFFF  }
0x127: {  	p0 =	sne.s32 s0, $0x0;
	s0 =	rddreg [dreg:$0x3]  }
0x128: {  	s0 =	sadd.s32 @!p0 $0x100000, s0  }
0x129: {  	[sflag:s0] =	ssyncadd.tile.s32 @!p0 $0x1;
	_ =	shalt  }
.Lfunc_end2:
_tile_overlayer_lowered:
.L_overlay_start_2:
0x12a: {  	(tag) =	ssettag $0x2  }
0x12b: {  	s0 =	rddreg [dreg:$0x0];
	s2 =	stileid.u32  }
0x12c: {  	s1 =	rddreg [dreg:$0x1];
	p0 =	sne.s32 s2, $0x0  }
0x12d: {  	s3 =	rddreg [dreg:$0x2];
	[bflag:$0x3] =	sbarrier.arrive $0xFFFF;
	s2 =	simm.s32 @!p0 $0x1C09  }
0x12e: {  	[timem:s3], [sflag:s2] =	dma.local @!p0 [hbm:s0], s1  }
0x12f: {  	s0 =	simm.s32 @!p0 $0x9  }
0x130: {  	_ =	swait.ge @!p0 [sflag:s0], s1  }
0x131: {  	s1 =	ssub.s32 @!p0 $0x0, s1;
	[sflag:s0] =	ssyncset.done @!p0 $0x0  }
0x132: {  	[sflag:s0] =	ssyncadd.s32 @!p0 s1  }
0x133: {  	[bflag:$0x3] =	sbarrier.arrive $0xFFFF  }
0x134: {  	_ =	shalt  }

// kernel: kernel.15.cloned.1.call-start
scs
__scs_entry_jumppad:
0x0: {  	(pc) =	sbr.rel $0x88, $3  }
0x1: {  	(tag) =	ssettag $0x0;
	lr =	simm.s32 $0x1  }
0x2: {  	[smem:$0x3F99] =	sst lr;
	_ =	strace $0xD0000000  }
0x3: {  	_ = 	snop  }
0x4: {  	_ = 	snop  }
0x5: {  	_ = 	snop  }
0x6: {  	_ = 	snop  }
0x7: {  	_ = 	snop  }
__scs_overlays_trampoline_lowered:
0x8: {  	[smem:$0x3FA8] =	sst s0  }
0x9: {  	[smem:$0x3FA9] =	sst s1  }
0xa: {  	[smem:$0x3FAA] =	sst s2  }
0xb: {  	[smem:$0x3FAB] =	sst s3  }
0xc: {  	[smem:$0x3FAC] =	sst s4  }
0xd: {  	[smem:$0x3FAD] =	sst s5  }
0xe: {  	[smem:$0x3FAE] =	sst s6  }
0xf: {  	[smem:$0x3FAF] =	sst s7  }
0x10: {  	[smem:$0x3FB0] =	sst s8  }
0x11: {  	[smem:$0x3FB1] =	sst s9;
	s0 =	simm.s32 @!p0 $0x0  }
0x12: {  	s1 =	sld [smem:$0x3F97];
	s0 =	simm.s32 @p0 $0x1  }
0x13: {  	[smem:$0x3FB2] =	sst s0;
	s0 =	simm.s32 @!p1 $0x0  }
0x14: {  	s2 =	sld [smem:$0x3F96];
	s0 =	simm.s32 @p1 $0x1  }
0x15: {  	[smem:$0x3FB3] =	sst s0;
	s0 =	simm.s32 @!p2 $0x0  }
0x16: {  	s3 =	sld [smem:$0x3FDB];
	s0 =	simm.s32 @p2 $0x1  }
0x17: {  	s4 =	simm.s32 $0x1BF5;
	[smem:$0x3FB5] =	sst s0  }
0x18: {  	s0 =	sld [smem:$0x3F98];
	_ =	swait.ge [sflag:s4], $0x0  }
0x19: {  	s7 =	sld [smem:$0x3F99]  }
0x1a: {  	s8 =	sadd.s32 $0xFFFFE003, lr  }
0x1b: {  	s9 =	sadd.s32 $0xFFFFFEF7, lr;
	s5 =	simm.s32 $0xFFFFFFFF;
	p2 =	slt.u32 s8, $0xFFFFF086  }
0x1c: {  	p1 =	slt.u32 s9, $0xF7A;
	s5 =	simm.s32 @!p2 $0x0  }
0x1d: {  	s5 =	simm.s32 @p1 $0x1;
	p0 =	seq.s32 s7, s2  }
0x1e: {  	s7 =	smul.u32 @!p0 $0xF7A, s2;
	p2 =	seq.s32 @!p0 s5, $0x0  }
0x1f: {  	s9 =	smul.u32 $0xF7A, s1;
	s8 =	simm.s32 @!p0 $0x1BF5;
	p2 =	por !p2, p0  }
0x20: {  	[sflag:s8] =	ssyncset.s32 @!p0 $0xFFFFF086;
	s6 =	sadd.s32 @!p0 s3, s7;
	s7 =	simm.s32 @!p0 $0x108  }
0x21: {  	s3 =	sadd.s32 s3, s9;
	s6 =	sadd.s32 @!p0 $0x88, s6;
	s7 =	simm.s32 @p2 $0x1082  }
0x22: {  	[simem:s7], [sflag:s8] =	dma.local @!p0 [hbm:s6], $0xF7A  }
0x23: {  	s9 =	sor.u32 $0xD0000000, s2;
	s6 =	simm.s32 $0x108;
	_ =	swait.ge @!p0 [sflag:s8], $0x0  }
0x24: {  	s3 =	sadd.s32 $0x88, s3;
	s6 =	simm.s32 @!p1 $0x1082;
	[sflag:s4] =	ssyncset.s32 $0xFFFFF086  }
0x25: {  	[simem:s6], [sflag:s4] =	dma.local [hbm:s3], $0xF7A  }
0x26: {  	[smem:$0x3F99] =	sst s1;
	(tag) =	ssettag s2;
	_ =	strace s9  }
0x27: {  	s1 =	sld [smem:$0x3FA9]  }
0x28: {  	s2 =	sld [smem:$0x3FAA]  }
0x29: {  	s4 =	sld [smem:$0x3FAC]  }
0x2a: {  	p0 =	seq.s32 s5, $0x0;
	s5 =	sld [smem:$0x3FAD]  }
0x2b: {  	s6 =	sld [smem:$0x3FAE]  }
0x2c: {  	s7 =	sld [smem:$0x3FAF]  }
0x2d: {  	s3 =	simm.s32 $0x108;
	s8 =	sld [smem:$0x3FB0]  }
0x2e: {  	s3 =	simm.s32 @!p0 $0x1082;
	s9 =	sld [smem:$0x3FB1]  }
0x2f: {  	lr =	sadd.s32 s0, s3;
	s0 =	sld [smem:$0x3FA8]  }
0x30: {  	s3 =	sld [smem:$0x3FAB]  }
0x31: {  	[smem:$0x3FB4] =	sst s10  }
0x32: {  	s10 =	sld [smem:$0x3FB2];
	_ =	sdelay $0x3  }
0x33: {  	p0 =	seq.s32 s10, $0x1;
	s10 =	sld [smem:$0x3FB4];
	_ =	sdelay $0x3  }
0x34: {  	[smem:$0x3FB4] =	sst s10  }
0x35: {  	s10 =	sld [smem:$0x3FB3];
	_ =	sdelay $0x3  }
0x36: {  	p1 =	seq.s32 s10, $0x1;
	s10 =	sld [smem:$0x3FB4];
	_ =	sdelay $0x3  }
0x37: {  	[smem:$0x3FB4] =	sst s10  }
0x38: {  	s10 =	sld [smem:$0x3FB5]  }
0x39: {  	_ = 	snop;
	(pc) =	sbr.ind lr, $3  }
0x3a: {  	_ = 	snop  }
0x3b: {  	_ = 	snop  }
0x3c: {  	p2 =	seq.s32 s10, $0x1;
	s10 =	sld [smem:$0x3FB4]  }
0x3d: {  	_ =	shalt  }
0x3e: {  	_ =	shalt  }
0x3f: {  	_ =	shalt  }
0x40: {  	_ =	shalt  }
0x41: {  	_ =	shalt  }
0x42: {  	_ =	shalt  }
0x43: {  	_ =	shalt  }
0x44: {  	_ =	shalt  }
0x45: {  	_ =	shalt  }
0x46: {  	_ =	shalt  }
0x47: {  	_ =	shalt  }
0x48: {  	_ =	shalt  }
0x49: {  	_ =	shalt  }
0x4a: {  	_ =	shalt  }
0x4b: {  	_ =	shalt  }
0x4c: {  	_ =	shalt  }
0x4d: {  	_ =	shalt  }
0x4e: {  	_ =	shalt  }
0x4f: {  	_ =	shalt  }
0x50: {  	_ =	shalt  }
0x51: {  	_ =	shalt  }
0x52: {  	_ =	shalt  }
0x53: {  	_ =	shalt  }
0x54: {  	_ =	shalt  }
0x55: {  	_ =	shalt  }
0x56: {  	_ =	shalt  }
0x57: {  	_ =	shalt  }
0x58: {  	_ =	shalt  }
0x59: {  	_ =	shalt  }
0x5a: {  	_ =	shalt  }
0x5b: {  	_ =	shalt  }
0x5c: {  	_ =	shalt  }
0x5d: {  	_ =	shalt  }
0x5e: {  	_ =	shalt  }
0x5f: {  	_ =	shalt  }
0x60: {  	_ =	shalt  }
0x61: {  	_ =	shalt  }
0x62: {  	_ =	shalt  }
0x63: {  	_ =	shalt  }
0x64: {  	_ =	shalt  }
0x65: {  	_ =	shalt  }
0x66: {  	_ =	shalt  }
0x67: {  	_ =	shalt  }
0x68: {  	_ =	shalt  }
0x69: {  	_ =	shalt  }
0x6a: {  	_ =	shalt  }
0x6b: {  	_ =	shalt  }
0x6c: {  	_ =	shalt  }
0x6d: {  	_ =	shalt  }
0x6e: {  	_ =	shalt  }
0x6f: {  	_ =	shalt  }
0x70: {  	_ =	shalt  }
0x71: {  	_ =	shalt  }
0x72: {  	_ =	shalt  }
0x73: {  	_ =	shalt  }
0x74: {  	_ =	shalt  }
0x75: {  	_ =	shalt  }
0x76: {  	_ =	shalt  }
0x77: {  	_ =	shalt  }
0x78: {  	_ =	shalt  }
0x79: {  	_ =	shalt  }
0x7a: {  	_ =	shalt  }
0x7b: {  	_ =	shalt  }
0x7c: {  	_ =	shalt  }
0x7d: {  	_ =	shalt  }
0x7e: {  	_ =	shalt  }
0x7f: {  	_ =	shalt  }
0x80: {  	_ =	shalt  }
0x81: {  	_ =	shalt  }
0x82: {  	_ =	shalt  }
0x83: {  	_ =	shalt  }
0x84: {  	_ =	shalt  }
0x85: {  	_ =	shalt  }
0x86: {  	_ =	shalt  }
0x87: {  	_ =	shalt  }
.Lfunc_end0:
.L_simem_size_0:
called_computation.2_lowered:
.L_overlay_start_0:
0x88: {  	s2 =	sld [smem:$0x3FD9]  }
0x89: {  	s3 =	sld [smem:$0x3FFE];
	_ =	sdelay $0x1  }
0x8a: {  	s1 =	srdreg.scid  }
0x8b: {  	s0 =	sand.u32 $0x1, s1  }
0x8c: {  	s14 =	sshll.u32 s0, $0xA;
	s2 =	sadd.s32 s3, s2  }
0x8d: {  	s2 =	sadd.s32 s2, s14  }
0x8e: {  	[smem:$0x3FC0] =	sst s2  }
0x8f: {  	_ = 	snop  }
0x90: {  	s2 =	sld [smem:$0x3FD0];
	_ =	sdelay $0x2  }
0x91: {  	s15 =	simm.s32 $0xA;
	s4 =	simm.s32 $0x10  }
0x92: {  	[smem:s4], [sflag:s15] =	dma.local [hbm:s2], $0x1  }
0x93: {  	_ =	swait.eq [sflag:s15], $0x1  }
0x94: {  	[sflag:s15] =	ssyncset.done $0x0  }
0x95: {  	[sflag:s15] =	ssyncadd.s32 $0xFFFFFFFF  }
0x96: {  	s16 =	sld [smem:$0x10];
	(tm) =	ssettm $0x1  }
0x97: {  	s17 =	sld [smem:$0x3FFB];
	_ =	sdelay $0x3  }
0x98: {  	_ =	strace s17  }
0x99: {  	s3 =	sld [smem:$0x3FFC];
	_ =	sdelay $0x3  }
0x9a: {  	_ =	strace s3  }
0x9b: {  	s3 =	sld [smem:$0x3FFD];
	_ =	sdelay $0x3  }
0x9c: {  	_ =	strace s3  }
0x9d: {  	_ =	strace $0x8FFFFFFF  }
0x9e: {  	s18 =	sld [smem:$0x3FDB];
	_ =	sdelay $0x1  }
0x9f: {  	s19 =	simm.s32 $_scs_section_size  }
0xa0: {  	s5 =	simm.s32 $_size__tile_overlayer_lowered;
	s6 =	simm.s32 $_tile_overlayer_lowered  }
0xa1: {  	s22 =	simm.s32 $0x1BFF;
	s21 =	sshll.u32 s6, $0x1;
	s3 =	sadd.s32 s19, s18  }
0xa2: {  	s7 =	simm.s32 $0x0;
	s20 =	sshll.u32 s5, $0x1;
	s5 =	sadd.s32 s21, s3  }
0xa3: {  	[timem:s7], [sflag:s22] =	dma.local [hbm:s5], s20  }
0xa4: {  	_ =	swait.ge [sflag:s22], s20  }
0xa5: {  	s4 =	ssub.s32 $0x0, s20;
	[sflag:s22] =	ssyncset.done $0x0  }
0xa6: {  	[sflag:s22] =	ssyncadd.s32 s4;
	_ =	sdelay $0x1  }
0xa7: {  	s23 =	simm.s32 $0x1B8B  }
0xa8: {  	_ =	swait.ge [sflag:s23], $0x1  }
0xa9: {  	[sflag:s23] =	ssyncset.done $0x0  }
0xaa: {  	s25 =	simm.s32 $0x1B8E;
	s24 =	sld [smem:$0x3FFE];
	[sflag:s23] =	ssyncadd.s32 $0xFFFFFFFF  }
0xab: {  	s26 =	simm.s32 $execute0_lowered;
	[smem:$0x3FD2] =	sst s25  }
0xac: {  	s5 =	sshll.u32 s26, $0x1;
	_ =	strace $0x8000004C;
	[dreg:$0x1] =	wrdreg $0xFFFFFFFF  }
0xad: {  	s28 =	simm.s32 $_size_execute0_lowered;
	s3 =	sadd.s32 s3, s5;
	[dreg:$0x0] =	wrdreg $0x0  }
0xae: {  	s5 =	sshll.u32 s28, $0x1;
	[dreg:$0x2] =	wrdreg s3  }
0xaf: {  	[dreg:$0x3] =	wrdreg s5  }
0xb0: {  	[dreg:$0x4] =	wrdreg $0xC0  }
0xb1: {  	_ =	task [dreg:s7], $0x5FFFF  }
0xb2: {  	[dreg:$0x1] =	wrdreg $0xFFFFFFFF  }
0xb3: {  	[dreg:$0x0] =	wrdreg $0x60  }
0xb4: {  	[dreg:$0x2] =	wrdreg s24  }
0xb5: {  	[dreg:$0x3] =	wrdreg s16  }
0xb6: {  	[dreg:$0x4] =	wrdreg $0x0  }
0xb7: {  	[dreg:$0x5] =	wrdreg $0x9  }
0xb8: {  	_ =	task.clear_ibuf [dreg:s7], $0x6FFFF;
	_ =	strace $0x9000004C  }
0xb9: {  	s29 =	simm.s32 $0x9;
	_ =	strace $0x8000004E  }
0xba: {  	_ =	swait.ge [sflag:s29], $0x1  }
0xbb: {  	[sflag:s29] =	ssyncadd.s32 $0xFFFFFFFF  }
0xbc: {  	_ =	strace $0x9000004E  }
0xbd: {  	_ =	sfence  }
0xbe: {  	s30 =	sld [smem:$0x0];
	_ =	sdelay $0x2  }
0xbf: {  	s31 =	sshll.u32 s1, $0xD;
	s1 =	sshrl.u32 s1, $0x2  }
0xc0: {  	s3 =	sand.u32 $0x4000, s31;
	s1 =	sadd.s32 s1, s30  }
0xc1: {  	s0 =	sor.u32 s3, s0;
	s1 =	sshll.u32 s1, $0x11  }
0xc2: {  	s0 =	sor.u32 s1, s0  }
0xc3: {  	s0 =	sadd.s32 $0x8F2B, s0  }
0xc4: {  	[sflag:s0] =	ssyncadd.remote.s32 $0x1  }
0xc5: {  	_ =	sfence.sel $0xFFFF  }
0xc6: {  	[dreg:$0x0] =	wrdreg $0xFFFFFFFF;
	(pc) =	sbr.abs _section_cstart, $3  }
0xc7: {  	[dreg:$0x1] =	wrdreg $0xFFFFFFFF  }
0xc8: {  	_ =	task.clear_ibuf [dreg:s7], $0x2FFFF;
	_ =	strace $0x9FFFFFFF  }
0xc9: {  	(tm) =	ssettm $0x7FFFFFFF  }
tec
execute0_lowered:
.L_overlay_start_1:
0x0: {  	(tag) =	ssettag $0x1  }
0x1: {  	s0 =	rddreg [dreg:$0x0]  }
0x2: {  	s3 =	rddreg [dreg:$0x2]  }
0x3: {  	s1 =	srdreg.scid;
	s13 =	stileid.u32;
	s4 =	simm.s32 $0x0  }
0x4: {  	s24 =	simm.s32 $0x14080;
	s25 =	simm.s32 $0x14180;
	s26 =	simm.s32 $0x14380  }
0x5: {  	s28 =	simm.s32 $0x80;
	s29 =	simm.s32 $0x2;
	s30 =	simm.s32 $0x18400  }
0x6: {  	s31 =	simm.s32 $0x14300;
	s1 =	sand.u32 $0x1, s1;
	s2 =	smul.u32 $0x280, s13  }
0x7: {  	[smem:$0x7FF] =	sst s4;
	s12 =	sadd.s32 $0x2B000, s0;
	s6 =	smul.u32 $0x50000, s13  }
0x8: {  	s5 =	smul.u32 $0x2800, s1;
	_ =	strace $0x8000004D;
	[dreg:$0x4] =	wrdreg s24  }
0x9: {  	s7 =	sshll.u32 s1, $0x4;
	s8 =	ssub.s32 $0x2, s1;
	[dreg:$0x5] =	wrdreg s25  }
0xa: {  	s1 =	smul.u32 $0x27800, s1;
	s24 =	simm.s32 $0x14100;
	[dreg:$0x6] =	wrdreg s26  }
0xb: {  	s25 =	simm.s32 $0x14200;
	s6 =	sshrl.u32 s6, $0x2;
	s9 =	sshrl.u32 s8, $0x1  }
0xc: {  	s7 =	sor.u32 s13, s7;
	s13 =	smul.u32 $0x2780, s13;
	s11 =	ssub.s32 s8, s9  }
0xd: {  	s2 =	sadd.s32 s2, s5;
	s16 =	sadd.s32 s6, s3;
	s22 =	smax.u32 s11, $0x1  }
0xe: {  	s10 =	smul.u32 $0x2780, s7;
	s9 =	sadd.s32 $0x8000, s16;
	[dreg:$0x12] =	wrdreg s22  }
0xf: {  	s5 =	sadd.s32 $0x7A000, s0;
	s17 =	sadd.s32 $0xC000, s16;
	[dreg:$0x7] =	wrdreg s9  }
0x10: {  	s23 =	sadd.s32 s1, s12;
	s14 =	sadd.s32 s12, s10;
	[dreg:$0x8] =	wrdreg s17  }
0x11: {  	s1 =	simm.s32 $0x7;
	s10 =	sadd.s32 $0x10000, s16;
	[dreg:$0x9] =	wrdreg s14  }
0x12: {  	s2 =	sshll.u32 s2, $0x4;
	s15 =	sadd.s32 $0x20, s14;
	[dreg:$0xa] =	wrdreg s10  }
0x13: {  	s0 =	sadd.s32 s2, s0;
	s6 =	sadd.s32 $0x40, s14;
	[dreg:$0xb] =	wrdreg s15  }
0x14: {  	s8 =	sadd.s32 $0x4000, s16;
	s18 =	sadd.s32 $0x11A000, s0;
	[dreg:$0xc] =	wrdreg s6  }
0x15: {  	s22 =	simm.s32 $0x9;
	s19 =	sadd.s32 $0x11A800, s0;
	[dreg:$0xd] =	wrdreg s18  }
0x16: {  	s2 =	simm.s32 $0x3;
	s20 =	sadd.s32 $0x11B000, s0;
	[dreg:$0xe] =	wrdreg s19  }
0x17: {  	s12 =	simm.s32 $0x6;
	s21 =	sadd.s32 $0x11B800, s0;
	[dreg:$0xf] =	wrdreg s20  }
0x18: {  	s0 =	sadd.s32 $0x11C000, s0;
	s14 =	simm.s32 $0x4;
	[dreg:$0x10] =	wrdreg s21  }
0x19: {  	[dreg:$0x11] =	wrdreg s0;
	s20 =	sadd.s32 s13, s23;
	s21 =	simm.s32 $0x14400  }
0x1a: {  	s0 =	simm.s32 $0x5;
	s13 =	simm.s32 $0x8;
	s15 =	simm.s32 $0x0  }
.LBB2_1:
0x1b: {  	s7 =	rddreg [dreg:$0x1]  }
0x1c: {  	[tilespmem:s21], [sflag:$0x9] =	stream.linear.gather [hbm4b:s7+s4], $0x4000, $0x38;
	[tilespmem:$0x1C400] =	vst v63  }
0x1d: {  	_ =	swait.ge [sflag:s22], $0x4000  }
0x1e: {  	[sflag:s22] =	ssyncset.done $0x0  }
0x1f: {  	[sflag:s22] =	ssyncadd.s32 $0xFFFFC000  }
0x20: {  	[spmem:s16] =	stream.linear.scatter [tilespmem:s21], [sflag:$0x9], $0x4000, $0x38;
	[tilespmem:$0x1C400] =	vst v63  }
0x21: {  	_ =	swait.ge [sflag:s22], $0x4000  }
0x22: {  	[sflag:s22] =	ssyncset.done $0x0  }
0x23: {  	[sflag:s22] =	ssyncadd.s32 $0xFFFFC000  }
0x24: {  	[spmem:s8] =	stream.linear.scatter [tilespmem:s21], [sflag:$0x9], $0x4000, $0x38;
	[tilespmem:$0x1C400] =	vst v63  }
0x25: {  	_ =	swait.ge [sflag:s22], $0x4000  }
0x26: {  	[sflag:s22] =	ssyncset.done $0x0  }
0x27: {  	[sflag:s22] =	ssyncadd.s32 $0xFFFFC000  }
0x28: {  	[spmem:s9] =	stream.linear.scatter [tilespmem:s21], [sflag:$0x9], $0x4000, $0x38;
	[tilespmem:$0x1C400] =	vst v63  }
0x29: {  	_ =	swait.ge [sflag:s22], $0x4000  }
0x2a: {  	[sflag:s22] =	ssyncset.done $0x0  }
0x2b: {  	[sflag:s22] =	ssyncadd.s32 $0xFFFFC000  }
0x2c: {  	[spmem:s17] =	stream.linear.scatter [tilespmem:s21], [sflag:$0x9], $0x4000, $0x38;
	[tilespmem:$0x1C400] =	vst v63  }
0x2d: {  	_ =	swait.ge [sflag:s22], $0x4000  }
0x2e: {  	[sflag:s22] =	ssyncset.done $0x0  }
0x2f: {  	[sflag:s22] =	ssyncadd.s32 $0xFFFFC000  }
0x30: {  	[spmem:s10] =	stream.linear.scatter [tilespmem:s21], [sflag:$0x9], $0x4000, $0x38;
	[tilespmem:$0x1C400] =	vst v63  }
0x31: {  	_ =	swait.ge [sflag:s22], $0x4000  }
0x32: {  	[sflag:s22] =	ssyncset.done $0x0  }
0x33: {  	[sflag:s22] =	ssyncadd.s32 $0xFFFFC000  }
0x34: {  	[bflag:$0x0] =	sbarrier.arrive $0xFFFF  }
0x35: {  	s10 =	simm.s32 $0x14000;
	s9 =	rddreg [dreg:$0x9]  }
0x36: {  	[tilespmem:s10], [sflag:$0x1] =	stream.linear.gather [hbm4b:s9+s4], $0x100, $0x38;
	[tilespmem:$0x1C400] =	vst v63  }
0x37: {  	s6 =	smov.u32 s16;
	s16 =	rddreg [dreg:$0xb]  }
0x38: {  	[tilespmem:s24], [sflag:$0x2] =	stream.linear.gather [hbm4b:s16+s4], $0x100, $0x38;
	[tilespmem:$0x1C400] =	vst v63  }
0x39: {  	s18 =	simm.s32 $0x1;
	s17 =	rddreg [dreg:$0xc]  }
0x3a: {  	[tilespmem:s25], [sflag:$0x3] =	stream.linear.gather [hbm4b:s17+s4], $0x100, $0x38;
	[tilespmem:$0x1C400] =	vst v63  }
0x3b: {  	p0 =	por $0x1, $0x1;
	_ =	swait.ge [sflag:s18], $0x100  }
0x3c: {  	p0 =	por p0, p0;
	[sflag:s18] =	ssyncset.done $0x0  }
0x3d: {  	s16 =	simm.s32 @!p0 $0x8;
	[sflag:s18] =	ssyncadd.s32 $0xFFFFFF00  }
0x3e: {  	[tilespmem:s21], [sflag:$0x5] =	stream.indirect.gather [hbm4b:s5+s28], $0x80, s10, s28, $0xb8;
	[tilespmem:$0x1C400] =	vst v63  }
0x3f: {  	_ =	swait.ge @!p0 [sflag:s16], $0x4000  }
0x40: {  	[sflag:s16] =	ssyncset.done @!p0 $0x0  }
0x41: {  	[sflag:s16] =	ssyncadd.s32 @!p0 $0xFFFFC000  }
0x42: {  	_ =	swait.ge [sflag:s29], $0x100  }
0x43: {  	[sflag:s29] =	ssyncset.done $0x0  }
0x44: {  	s19 =	sadd.s32 $0x0, s20;
	[sflag:s29] =	ssyncadd.s32 $0xFFFFFF00  }
0x45: {  	[tilespmem:s30], [sflag:$0x6] =	stream.indirect.gather [hbm4b:s5+s28], $0x80, s24, s28, $0xb8;
	[tilespmem:$0x1C400] =	vst v63  }
0x46: {  	s16 =	sadd.s32 $0x60, s19  }
0x47: {  	[tilespmem:s31], [sflag:$0x4] =	stream.linear.gather [hbm4b:s16+s4], $0x100, $0x38;
	[tilespmem:$0x1C400] =	vst v63  }
0x48: {  	_ =	swait.ge [sflag:s0], $0x4000  }
0x49: {  	[sflag:s0] =	ssyncset.done $0x0  }
0x4a: {  	s23 =	rddreg [dreg:$0x4];
	[sflag:s0] =	ssyncadd.s32 $0xFFFFC000  }
0x4b: {  	[spmem:s3] =	stream.indirect.scatter.add.f32 [tilespmem:s21], [sflag:$0x7], $0x80, s23, s28, $0xb8;
	[tilespmem:$0x1C400] =	vst v63  }
0x4c: {  	_ =	swait.ge [sflag:s1], $0x4000  }
0x4d: {  	[sflag:s1] =	ssyncset.done $0x0  }
0x4e: {  	[sflag:s1] =	ssyncadd.s32 $0xFFFFC000  }
0x4f: {  	_ =	swait.ge [sflag:s2], $0x100  }
0x50: {  	p0 =	por $0x0, $0x0;
	[sflag:s2] =	ssyncset.done $0x0  }
0x51: {  	s16 =	sadd.s32 @!p0 $0x0, s20;
	[sflag:s2] =	ssyncadd.s32 $0xFFFFFF00  }
0x52: {  	[tilespmem:s21], [sflag:$0x5] =	stream.indirect.gather [hbm4b:s5+s28], $0x80, s25, s28, $0xb8;
	[tilespmem:$0x1C400] =	vst v63  }
0x53: {  	s17 =	simm.s32 @!p0 $0x0;
	s18 =	simm.s32 @!p0 $0x14000;
	s19 =	sadd.s32 @!p0 $0x80, s16  }
0x54: {  	[tilespmem:s18], [sflag:$0x1] =	stream.linear.gather @!p0 [hbm4b:s19+s17], $0x100, $0x38;
	[tilespmem:$0x1C400] =	vst v63  }
0x55: {  	_ =	swait.ge [sflag:s12], $0x4000  }
0x56: {  	[sflag:s12] =	ssyncset.done $0x0  }
0x57: {  	s26 =	rddreg [dreg:$0x5];
	[sflag:s12] =	ssyncadd.s32 $0xFFFFC000  }
0x58: {  	[spmem:s3] =	stream.indirect.scatter.add.f32 [tilespmem:s30], [sflag:$0x8], $0x80, s26, s28, $0xb8;
	[tilespmem:$0x1C400] =	vst v63  }
0x59: {  	_ =	swait.ge [sflag:s13], $0x4000  }
0x5a: {  	[sflag:s13] =	ssyncset.done $0x0  }
0x5b: {  	[sflag:s13] =	ssyncadd.s32 $0xFFFFC000  }
0x5c: {  	_ =	swait.ge [sflag:s14], $0x100  }
0x5d: {  	[sflag:s14] =	ssyncset.done $0x0  }
0x5e: {  	s19 =	simm.s32 @p0 $0x5;
	[sflag:s14] =	ssyncadd.s32 $0xFFFFFF00  }
0x5f: {  	[tilespmem:s30], [sflag:$0x6] =	stream.indirect.gather [hbm4b:s5+s28], $0x80, s31, s28, $0xb8;
	[tilespmem:$0x1C400] =	vst v63  }
0x60: {  	_ =	swait.ge @p0 [sflag:s19], $0x4000  }
0x61: {  	s10 =	simm.s32 @p0 $0x80;
	[sflag:s19] =	ssyncset.done @p0 $0x0  }
0x62: {  	s23 =	simm.s32 @p0 $0x14400;
	[sflag:s19] =	ssyncadd.s32 @p0 $0xFFFFC000;
	s19 =	simm.s32 @p0 $0x14280  }
0x63: {  	[spmem:s3] =	stream.indirect.scatter.add.f32 @p0 [tilespmem:s23], [sflag:$0x7], $0x80, s19, s10, $0xb8;
	[tilespmem:$0x1C400] =	vst v63  }
0x64: {  	s10 =	simm.s32 @p0 $0x7  }
0x65: {  	_ =	swait.ge @p0 [sflag:s10], $0x4000  }
0x66: {  	s19 =	sadd.s32 @!p0 $0xA0, s16;
	[sflag:s10] =	ssyncset.done @p0 $0x0  }
0x67: {  	s23 =	simm.s32 @!p0 $0x14100;
	[sflag:s10] =	ssyncadd.s32 @p0 $0xFFFFC000;
	s10 =	simm.s32 @!p0 $0x5  }
0x68: {  	[tilespmem:s23], [sflag:$0x2] =	stream.linear.gather @!p0 [hbm4b:s19+s17], $0x100, $0x38;
	[tilespmem:$0x1C400] =	vst v63  }
0x69: {  	_ =	swait.ge @!p0 [sflag:s10], $0x4000  }
0x6a: {  	s19 =	simm.s32 @!p0 $0x14400;
	[sflag:s10] =	ssyncset.done @!p0 $0x0  }
0x6b: {  	s23 =	simm.s32 @!p0 $0x80;
	[sflag:s10] =	ssyncadd.s32 @!p0 $0xFFFFC000;
	s10 =	simm.s32 @!p0 $0x14280  }
0x6c: {  	[spmem:s3] =	stream.indirect.scatter.add.f32 @!p0 [tilespmem:s19], [sflag:$0x7], $0x80, s10, s23, $0xb8;
	[tilespmem:$0x1C400] =	vst v63  }
0x6d: {  	s10 =	simm.s32 @!p0 $0x7  }
0x6e: {  	_ =	swait.ge @!p0 [sflag:s10], $0x4000  }
0x6f: {  	[sflag:s10] =	ssyncset.done @!p0 $0x0  }
0x70: {  	[sflag:s10] =	ssyncadd.s32 @!p0 $0xFFFFC000;
	s10 =	simm.s32 @!p0 $0x1  }
0x71: {  	_ =	swait.ge @!p0 [sflag:s10], $0x100  }
0x72: {  	[sflag:s10] =	ssyncset.done @!p0 $0x0  }
0x73: {  	[sflag:s10] =	ssyncadd.s32 @!p0 $0xFFFFFF00  }
0x74: {  	[tilespmem:s19], [sflag:$0x5] =	stream.indirect.gather @!p0 [hbm4b:s5+s23], $0x80, s18, s23, $0xb8;
	[tilespmem:$0x1C400] =	vst v63  }
0x75: {  	s10 =	sadd.s32 @!p0 $0xC0, s16;
	s16 =	simm.s32 @!p0 $0x14200  }
0x76: {  	[tilespmem:s16], [sflag:$0x3] =	stream.linear.gather @!p0 [hbm4b:s10+s17], $0x100, $0x38;
	[tilespmem:$0x1C400] =	vst v63  }
0x77: {  	s11 =	smov.u32 s8;
	p6 =	por $0x0, $0x0;
	_ =	swait.ge [sflag:s12], $0x4000  }
0x78: {  	s16 =	simm.s32 $0x80;
	s17 =	simm.s32 $0x100;
	[sflag:s12] =	ssyncset.done $0x0  }
0x79: {  	p0 =	por p6, p6;
	s18 =	rddreg [dreg:$0x6];
	[sflag:s12] =	ssyncadd.s32 $0xFFFFC000  }
.LBB2_2:
0x7a: {  	s10 =	simm.s32 @!p0 $0x8  }
0x7b: {  	[spmem:s3] =	stream.indirect.scatter.add.f32 [tilespmem:s30], [sflag:$0x8], $0x80, s18, s28, $0xb8;
	[tilespmem:$0x1C400] =	vst v63  }
0x7c: {  	_ =	swait.ge @!p0 [sflag:s10], $0x4000  }
0x7d: {  	[sflag:s10] =	ssyncset.done @!p0 $0x0  }
0x7e: {  	[sflag:s10] =	ssyncadd.s32 @!p0 $0xFFFFC000  }
0x7f: {  	_ =	swait.ge [sflag:s29], $0x100  }
0x80: {  	[sflag:s29] =	ssyncset.done $0x0  }
0x81: {  	s19 =	sadd.s32 s16, s20;
	[sflag:s29] =	ssyncadd.s32 $0xFFFFFF00  }
0x82: {  	[tilespmem:s30], [sflag:$0x6] =	stream.indirect.gather [hbm4b:s5+s28], $0x80, s24, s28, $0xb8;
	[tilespmem:$0x1C400] =	vst v63  }
0x83: {  	s10 =	sadd.s32 $0x60, s19  }
0x84: {  	[tilespmem:s31], [sflag:$0x4] =	stream.linear.gather [hbm4b:s10+s4], $0x100, $0x38;
	[tilespmem:$0x1C400] =	vst v63  }
0x85: {  	_ =	swait.ge [sflag:s0], $0x4000  }
0x86: {  	[sflag:s0] =	ssyncset.done $0x0  }
0x87: {  	s23 =	rddreg [dreg:$0x4];
	[sflag:s0] =	ssyncadd.s32 $0xFFFFC000  }
0x88: {  	[spmem:s3] =	stream.indirect.scatter.add.f32 [tilespmem:s21], [sflag:$0x7], $0x80, s23, s28, $0xb8;
	[tilespmem:$0x1C400] =	vst v63  }
0x89: {  	_ =	swait.ge [sflag:s1], $0x4000  }
0x8a: {  	[sflag:s1] =	ssyncset.done $0x0  }
0x8b: {  	[sflag:s1] =	ssyncadd.s32 $0xFFFFC000  }
0x8c: {  	p2 =	seq.s32 s17, $0x0;
	_ =	swait.ge [sflag:s2], $0x100  }
0x8d: {  	p0 =	por p2, p2;
	p2 =	seq.s32 s16, $0x2700;
	[sflag:s2] =	ssyncset.done $0x0  }
0x8e: {  	s10 =	sadd.s32 @!p2 s16, s20;
	[sflag:s2] =	ssyncadd.s32 $0xFFFFFF00  }
0x8f: {  	[tilespmem:s21], [sflag:$0x5] =	stream.indirect.gather [hbm4b:s5+s28], $0x80, s25, s28, $0xb8;
	[tilespmem:$0x1C400] =	vst v63  }
0x90: {  	s18 =	simm.s32 @!p2 $0x0;
	s19 =	simm.s32 @!p2 $0x14000;
	s16 =	sadd.s32 @!p2 $0x80, s10  }
0x91: {  	[tilespmem:s19], [sflag:$0x1] =	stream.linear.gather @!p2 [hbm4b:s16+s18], $0x100, $0x38;
	[tilespmem:$0x1C400] =	vst v63  }
0x92: {  	_ =	swait.ge [sflag:s12], $0x4000  }
0x93: {  	s26 =	smov.u32 s17;
	[sflag:s12] =	ssyncset.done $0x0  }
0x94: {  	s16 =	smov.u32 s26;
	s26 =	rddreg [dreg:$0x5];
	[sflag:s12] =	ssyncadd.s32 $0xFFFFC000  }
0x95: {  	[spmem:s3] =	stream.indirect.scatter.add.f32 [tilespmem:s30], [sflag:$0x8], $0x80, s26, s28, $0xb8;
	[tilespmem:$0x1C400] =	vst v63  }
0x96: {  	_ =	swait.ge [sflag:s13], $0x4000  }
0x97: {  	[sflag:s13] =	ssyncset.done $0x0  }
0x98: {  	[sflag:s13] =	ssyncadd.s32 $0xFFFFC000  }
0x99: {  	_ =	swait.ge [sflag:s14], $0x100  }
0x9a: {  	s7 =	sadd.s32 @!p2 $0xA0, s10;
	[sflag:s14] =	ssyncset.done $0x0  }
0x9b: {  	s23 =	sadd.s32 @!p2 $0xC0, s10;
	s10 =	simm.s32 @p2 $0x5;
	[sflag:s14] =	ssyncadd.s32 $0xFFFFFF00  }
0x9c: {  	[tilespmem:s30], [sflag:$0x6] =	stream.indirect.gather [hbm4b:s5+s28], $0x80, s31, s28, $0xb8;
	[tilespmem:$0x1C400] =	vst v63  }
0x9d: {  	_ =	swait.ge @p2 [sflag:s10], $0x4000  }
0x9e: {  	s8 =	simm.s32 @p2 $0x80;
	s9 =	simm.s32 @p2 $0x14280;
	[sflag:s10] =	ssyncset.done @p2 $0x0  }
0x9f: {  	s26 =	simm.s32 @p2 $0x14400;
	[sflag:s10] =	ssyncadd.s32 @p2 $0xFFFFC000;
	s10 =	simm.s32 @p2 $0x7  }
0xa0: {  	[spmem:s3] =	stream.indirect.scatter.add.f32 @p2 [tilespmem:s26], [sflag:$0x7], $0x80, s9, s8, $0xb8;
	[tilespmem:$0x1C400] =	vst v63  }
0xa1: {  	_ =	swait.ge @p2 [sflag:s10], $0x4000  }
0xa2: {  	[sflag:s10] =	ssyncset.done @p2 $0x0  }
0xa3: {  	s8 =	simm.s32 @!p2 $0x14100;
	s9 =	simm.s32 @!p2 $0x5;
	[sflag:s10] =	ssyncadd.s32 @p2 $0xFFFFC000  }
0xa4: {  	[tilespmem:s8], [sflag:$0x2] =	stream.linear.gather @!p2 [hbm4b:s7+s18], $0x100, $0x38;
	[tilespmem:$0x1C400] =	vst v63  }
0xa5: {  	_ =	swait.ge @!p2 [sflag:s9], $0x4000  }
0xa6: {  	s10 =	simm.s32 @!p2 $0x14280;
	s7 =	simm.s32 @!p2 $0x14400;
	[sflag:s9] =	ssyncset.done @!p2 $0x0  }
0xa7: {  	s8 =	simm.s32 @!p2 $0x80;
	[sflag:s9] =	ssyncadd.s32 @!p2 $0xFFFFC000;
	s9 =	simm.s32 @!p2 $0x7  }
0xa8: {  	[spmem:s3] =	stream.indirect.scatter.add.f32 @!p2 [tilespmem:s7], [sflag:$0x7], $0x80, s10, s8, $0xb8;
	[tilespmem:$0x1C400] =	vst v63  }
0xa9: {  	_ =	swait.ge @!p2 [sflag:s9], $0x4000  }
0xaa: {  	[sflag:s9] =	ssyncset.done @!p2 $0x0  }
0xab: {  	s10 =	simm.s32 @!p2 $0x1;
	[sflag:s9] =	ssyncadd.s32 @!p2 $0xFFFFC000  }
0xac: {  	_ =	swait.ge @!p2 [sflag:s10], $0x100  }
0xad: {  	s17 =	sadd.s32 $0x80, s17;
	[sflag:s10] =	ssyncset.done @!p2 $0x0  }
0xae: {  	p1 =	sne.s32 s17, $0x2780;
	[sflag:s10] =	ssyncadd.s32 @!p2 $0xFFFFFF00  }
0xaf: {  	[tilespmem:s7], [sflag:$0x5] =	stream.indirect.gather @!p2 [hbm4b:s5+s8], $0x80, s19, s8, $0xb8;
	[tilespmem:$0x1C400] =	vst v63  }
.Ltmp0:
0xb0: {  	s9 =	simm.s32 @!p2 $0x14200;
	(pc) =	sbr.rel @p1 .LBB2_2-.Ltmp0, $4  }
0xb1: {  	[tilespmem:s9], [sflag:$0x3] =	stream.linear.gather @!p2 [hbm4b:s23+s18], $0x100, $0x38;
	[tilespmem:$0x1C400] =	vst v63  }
0xb2: {  	_ =	swait.ge [sflag:s12], $0x4000  }
0xb3: {  	[sflag:s12] =	ssyncset.done $0x0  }
0xb4: {  	s18 =	rddreg [dreg:$0x6];
	[sflag:s12] =	ssyncadd.s32 $0xFFFFC000  }
0xb5: {  	s7 =	simm.s32 @!p0 $0x8  }
0xb6: {  	[spmem:s3] =	stream.indirect.scatter.add.f32 [tilespmem:s30], [sflag:$0x8], $0x80, s18, s28, $0xb8;
	[tilespmem:$0x1C400] =	vst v63  }
0xb7: {  	_ =	swait.ge @!p0 [sflag:s7], $0x4000  }
0xb8: {  	[sflag:s7] =	ssyncset.done @!p0 $0x0  }
0xb9: {  	[sflag:s7] =	ssyncadd.s32 @!p0 $0xFFFFC000  }
0xba: {  	_ =	swait.ge [sflag:s29], $0x100  }
0xbb: {  	[sflag:s29] =	ssyncset.done $0x0  }
0xbc: {  	s19 =	sadd.s32 s16, s20;
	[sflag:s29] =	ssyncadd.s32 $0xFFFFFF00  }
0xbd: {  	[tilespmem:s30], [sflag:$0x6] =	stream.indirect.gather [hbm4b:s5+s28], $0x80, s24, s28, $0xb8;
	[tilespmem:$0x1C400] =	vst v63  }
0xbe: {  	s7 =	sadd.s32 $0x60, s19  }
0xbf: {  	[tilespmem:s31], [sflag:$0x4] =	stream.linear.gather [hbm4b:s7+s4], $0x100, $0x38;
	[tilespmem:$0x1C400] =	vst v63  }
0xc0: {  	_ =	swait.ge [sflag:s0], $0x4000  }
0xc1: {  	[sflag:s0] =	ssyncset.done $0x0  }
0xc2: {  	s23 =	rddreg [dreg:$0x4];
	[sflag:s0] =	ssyncadd.s32 $0xFFFFC000  }
0xc3: {  	[spmem:s3] =	stream.indirect.scatter.add.f32 [tilespmem:s21], [sflag:$0x7], $0x80, s23, s28, $0xb8;
	[tilespmem:$0x1C400] =	vst v63  }
0xc4: {  	_ =	swait.ge [sflag:s1], $0x4000  }
0xc5: {  	[sflag:s1] =	ssyncset.done $0x0  }
0xc6: {  	[sflag:s1] =	ssyncadd.s32 $0xFFFFC000  }
0xc7: {  	_ =	swait.ge [sflag:s2], $0x100  }
0xc8: {  	p0 =	seq.s32 s16, $0x2700;
	[sflag:s2] =	ssyncset.done $0x0  }
0xc9: {  	s7 =	sadd.s32 @!p0 s16, s20;
	[sflag:s2] =	ssyncadd.s32 $0xFFFFFF00  }
0xca: {  	[tilespmem:s21], [sflag:$0x5] =	stream.indirect.gather [hbm4b:s5+s28], $0x80, s25, s28, $0xb8;
	[tilespmem:$0x1C400] =	vst v63  }
0xcb: {  	s8 =	simm.s32 @!p0 $0x0;
	s9 =	simm.s32 @!p0 $0x14000;
	s10 =	sadd.s32 @!p0 $0x80, s7  }
0xcc: {  	[tilespmem:s9], [sflag:$0x1] =	stream.linear.gather @!p0 [hbm4b:s10+s8], $0x100, $0x38;
	[tilespmem:$0x1C400] =	vst v63  }
0xcd: {  	_ =	swait.ge [sflag:s12], $0x4000  }
0xce: {  	[sflag:s12] =	ssyncset.done $0x0  }
0xcf: {  	s26 =	rddreg [dreg:$0x5];
	[sflag:s12] =	ssyncadd.s32 $0xFFFFC000  }
0xd0: {  	[spmem:s3] =	stream.indirect.scatter.add.f32 [tilespmem:s30], [sflag:$0x8], $0x80, s26, s28, $0xb8;
	[tilespmem:$0x1C400] =	vst v63  }
0xd1: {  	_ =	swait.ge [sflag:s13], $0x4000  }
0xd2: {  	[sflag:s13] =	ssyncset.done $0x0  }
0xd3: {  	[sflag:s13] =	ssyncadd.s32 $0xFFFFC000  }
0xd4: {  	_ =	swait.ge [sflag:s14], $0x100  }
0xd5: {  	[sflag:s14] =	ssyncset.done $0x0  }
0xd6: {  	s10 =	simm.s32 @p0 $0x5;
	[sflag:s14] =	ssyncadd.s32 $0xFFFFFF00  }
0xd7: {  	[tilespmem:s30], [sflag:$0x6] =	stream.indirect.gather [hbm4b:s5+s28], $0x80, s31, s28, $0xb8;
	[tilespmem:$0x1C400] =	vst v63  }
0xd8: {  	_ =	swait.ge @p0 [sflag:s10], $0x4000  }
0xd9: {  	s17 =	simm.s32 @p0 $0x80;
	[sflag:s10] =	ssyncset.done @p0 $0x0  }
0xda: {  	s16 =	simm.s32 @p0 $0x14400;
	[sflag:s10] =	ssyncadd.s32 @p0 $0xFFFFC000;
	s10 =	simm.s32 @p0 $0x14280  }
0xdb: {  	[spmem:s3] =	stream.indirect.scatter.add.f32 @p0 [tilespmem:s16], [sflag:$0x7], $0x80, s10, s17, $0xb8;
	[tilespmem:$0x1C400] =	vst v63  }
0xdc: {  	s10 =	simm.s32 @p0 $0x7  }
0xdd: {  	_ =	swait.ge @p0 [sflag:s10], $0x4000  }
0xde: {  	s16 =	sadd.s32 @!p0 $0xA0, s7;
	[sflag:s10] =	ssyncset.done @p0 $0x0  }
0xdf: {  	s17 =	simm.s32 @!p0 $0x14100;
	[sflag:s10] =	ssyncadd.s32 @p0 $0xFFFFC000;
	s10 =	simm.s32 @!p0 $0x5  }
0xe0: {  	[tilespmem:s17], [sflag:$0x2] =	stream.linear.gather @!p0 [hbm4b:s16+s8], $0x100, $0x38;
	[tilespmem:$0x1C400] =	vst v63  }
0xe1: {  	_ =	swait.ge @!p0 [sflag:s10], $0x4000  }
0xe2: {  	s16 =	simm.s32 @!p0 $0x14400;
	[sflag:s10] =	ssyncset.done @!p0 $0x0  }
0xe3: {  	s17 =	simm.s32 @!p0 $0x80;
	[sflag:s10] =	ssyncadd.s32 @!p0 $0xFFFFC000;
	s10 =	simm.s32 @!p0 $0x14280  }
0xe4: {  	[spmem:s3] =	stream.indirect.scatter.add.f32 @!p0 [tilespmem:s16], [sflag:$0x7], $0x80, s10, s17, $0xb8;
	[tilespmem:$0x1C400] =	vst v63  }
0xe5: {  	s10 =	simm.s32 @!p0 $0x7  }
0xe6: {  	_ =	swait.ge @!p0 [sflag:s10], $0x4000  }
0xe7: {  	[sflag:s10] =	ssyncset.done @!p0 $0x0  }
0xe8: {  	[sflag:s10] =	ssyncadd.s32 @!p0 $0xFFFFC000;
	s10 =	simm.s32 @!p0 $0x1  }
0xe9: {  	_ =	swait.ge @!p0 [sflag:s10], $0x100  }
0xea: {  	[sflag:s10] =	ssyncset.done @!p0 $0x0  }
0xeb: {  	[sflag:s10] =	ssyncadd.s32 @!p0 $0xFFFFFF00  }
0xec: {  	[tilespmem:s16], [sflag:$0x5] =	stream.indirect.gather @!p0 [hbm4b:s5+s17], $0x80, s9, s17, $0xb8;
	[tilespmem:$0x1C400] =	vst v63  }
0xed: {  	s7 =	sadd.s32 @!p0 $0xC0, s7;
	s9 =	simm.s32 @!p0 $0x14200  }
0xee: {  	[tilespmem:s9], [sflag:$0x3] =	stream.linear.gather @!p0 [hbm4b:s7+s8], $0x100, $0x38;
	[tilespmem:$0x1C400] =	vst v63  }
0xef: {  	_ =	swait.ge [sflag:s12], $0x4000  }
0xf0: {  	[sflag:s12] =	ssyncset.done $0x0  }
0xf1: {  	s9 =	rddreg [dreg:$0x6];
	[sflag:s12] =	ssyncadd.s32 $0xFFFFC000  }
0xf2: {  	[spmem:s3] =	stream.indirect.scatter.add.f32 [tilespmem:s30], [sflag:$0x8], $0x80, s9, s28, $0xb8;
	[tilespmem:$0x1C400] =	vst v63  }
0xf3: {  	_ =	swait.ge [sflag:s13], $0x4000  }
0xf4: {  	[sflag:s13] =	ssyncset.done $0x0  }
0xf5: {  	[sflag:s13] =	ssyncadd.s32 $0xFFFFC000  }
0xf6: {  	[bflag:$0x0] =	sbarrier.arrive $0xFFFF  }
0xf7: {  	[tilespmem:s21], [sflag:$0x9] =	stream.linear.gather [spmem:s6], $0x4000, $0x38;
	[tilespmem:$0x1C400] =	vst v63  }
0xf8: {  	_ =	swait.ge [sflag:s22], $0x4000  }
0xf9: {  	[sflag:s22] =	ssyncset.done $0x0  }
0xfa: {  	s10 =	rddreg [dreg:$0xd];
	[sflag:s22] =	ssyncadd.s32 $0xFFFFC000  }
0xfb: {  	[hbm4b:s10+s4] =	stream.linear.scatter [tilespmem:s21], [sflag:$0x9], $0x4000, $0x38;
	[tilespmem:$0x1C400] =	vst v63  }
0xfc: {  	_ =	swait.ge [sflag:s22], $0x4000  }
0xfd: {  	[sflag:s22] =	ssyncset.done $0x0  }
0xfe: {  	[sflag:s22] =	ssyncadd.s32 $0xFFFFC000  }
0xff: {  	[tilespmem:s21], [sflag:$0x9] =	stream.linear.gather [spmem:s11], $0x4000, $0x38;
	[tilespmem:$0x1C400] =	vst v63  }
0x100: {  	_ =	swait.ge [sflag:s22], $0x4000  }
0x101: {  	[sflag:s22] =	ssyncset.done $0x0  }
0x102: {  	s17 =	rddreg [dreg:$0xe];
	[sflag:s22] =	ssyncadd.s32 $0xFFFFC000  }
0x103: {  	[hbm4b:s17+s4] =	stream.linear.scatter [tilespmem:s21], [sflag:$0x9], $0x4000, $0x38;
	[tilespmem:$0x1C400] =	vst v63  }
0x104: {  	_ =	swait.ge [sflag:s22], $0x4000  }
0x105: {  	[sflag:s22] =	ssyncset.done $0x0  }
0x106: {  	s9 =	rddreg [dreg:$0x7];
	[sflag:s22] =	ssyncadd.s32 $0xFFFFC000  }
0x107: {  	[tilespmem:s21], [sflag:$0x9] =	stream.linear.gather [spmem:s9], $0x4000, $0x38;
	[tilespmem:$0x1C400] =	vst v63  }
0x108: {  	_ =	swait.ge [sflag:s22], $0x4000  }
0x109: {  	[sflag:s22] =	ssyncset.done $0x0  }
0x10a: {  	s18 =	rddreg [dreg:$0xf];
	[sflag:s22] =	ssyncadd.s32 $0xFFFFC000  }
0x10b: {  	[hbm4b:s18+s4] =	stream.linear.scatter [tilespmem:s21], [sflag:$0x9], $0x4000, $0x38;
	[tilespmem:$0x1C400] =	vst v63  }
0x10c: {  	_ =	swait.ge [sflag:s22], $0x4000  }
0x10d: {  	[sflag:s22] =	ssyncset.done $0x0  }
0x10e: {  	s17 =	rddreg [dreg:$0x8];
	[sflag:s22] =	ssyncadd.s32 $0xFFFFC000  }
0x10f: {  	[tilespmem:s21], [sflag:$0x9] =	stream.linear.gather [spmem:s17], $0x4000, $0x38;
	[tilespmem:$0x1C400] =	vst v63  }
0x110: {  	_ =	swait.ge [sflag:s22], $0x4000  }
0x111: {  	[sflag:s22] =	ssyncset.done $0x0  }
0x112: {  	s19 =	rddreg [dreg:$0x10];
	[sflag:s22] =	ssyncadd.s32 $0xFFFFC000  }
0x113: {  	[hbm4b:s19+s4] =	stream.linear.scatter [tilespmem:s21], [sflag:$0x9], $0x4000, $0x38;
	[tilespmem:$0x1C400] =	vst v63  }
0x114: {  	_ =	swait.ge [sflag:s22], $0x4000  }
0x115: {  	[sflag:s22] =	ssyncset.done $0x0  }
0x116: {  	s10 =	rddreg [dreg:$0xa];
	[sflag:s22] =	ssyncadd.s32 $0xFFFFC000  }
0x117: {  	[tilespmem:s21], [sflag:$0x9] =	stream.linear.gather [spmem:s10], $0x4000, $0x38;
	[tilespmem:$0x1C400] =	vst v63  }
0x118: {  	_ =	swait.ge [sflag:s22], $0x4000  }
0x119: {  	[sflag:s22] =	ssyncset.done $0x0  }
0x11a: {  	s23 =	rddreg [dreg:$0x11];
	[sflag:s22] =	ssyncadd.s32 $0xFFFFC000  }
0x11b: {  	[hbm4b:s23+s4] =	stream.linear.scatter [tilespmem:s21], [sflag:$0x9], $0x4000, $0x38;
	[tilespmem:$0x1C400] =	vst v63  }
0x11c: {  	_ =	swait.ge [sflag:s22], $0x4000  }
0x11d: {  	s15 =	sadd.s32 $0x1, s15;
	s26 =	rddreg [dreg:$0x12]  }
0x11e: {  	p0 =	sne.s32 s15, s26  }
.Ltmp1:
0x11f: {  	_ = 	snop;
	(pc) =	sbr.rel @p0 .LBB2_1-.Ltmp1, $3  }
0x120: {  	_ =	sdelay $0x1  }
0x121: {  	[sflag:s22] =	ssyncset.done $0x0  }
0x122: {  	s16 =	smov.u32 s6;
	s8 =	smov.u32 s11;
	[sflag:s22] =	ssyncadd.s32 $0xFFFFC000  }
0x123: {  	_ =	sfence.sel $0x180000  }
0x124: {  	[bflag:$0x0] =	sbarrier.arrive $0xFFFF  }
0x125: {  	_ =	strace $0x9000004D  }
0x126: {  	s0 =	stileid.u32;
	[bflag:$0x2] =	sbarrier.arrive $0xFFFF  }
0x127: {  	p0 =	sne.s32 s0, $0x0;
	s0 =	rddreg [dreg:$0x3]  }
0x128: {  	s0 =	sadd.s32 @!p0 $0x100000, s0  }
0x129: {  	[sflag:s0] =	ssyncadd.tile.s32 @!p0 $0x1;
	_ =	shalt  }
.Lfunc_end2:
_tile_overlayer_lowered:
.L_overlay_start_2:
0x12a: {  	(tag) =	ssettag $0x2  }
0x12b: {  	s0 =	rddreg [dreg:$0x0];
	s2 =	stileid.u32  }
0x12c: {  	s1 =	rddreg [dreg:$0x1];
	p0 =	sne.s32 s2, $0x0  }
0x12d: {  	s3 =	rddreg [dreg:$0x2];
	[bflag:$0x3] =	sbarrier.arrive $0xFFFF;
	s2 =	simm.s32 @!p0 $0x1C09  }
0x12e: {  	[timem:s3], [sflag:s2] =	dma.local @!p0 [hbm:s0], s1  }
0x12f: {  	s0 =	simm.s32 @!p0 $0x9  }
0x130: {  	_ =	swait.ge @!p0 [sflag:s0], s1  }
0x131: {  	s1 =	ssub.s32 @!p0 $0x0, s1;
	[sflag:s0] =	ssyncset.done @!p0 $0x0  }
0x132: {  	[sflag:s0] =	ssyncadd.s32 @!p0 s1  }
0x133: {  	[bflag:$0x3] =	sbarrier.arrive $0xFFFF  }
0x134: {  	_ =	shalt  }

// kernel: kernel.18.cloned.1.call-start
scs
__scs_entry_jumppad:
0x0: {  	(pc) =	sbr.rel $0x88, $3  }
0x1: {  	(tag) =	ssettag $0x0;
	lr =	simm.s32 $0x1  }
0x2: {  	[smem:$0x3F99] =	sst lr;
	_ =	strace $0xD0000000  }
0x3: {  	_ = 	snop  }
0x4: {  	_ = 	snop  }
0x5: {  	_ = 	snop  }
0x6: {  	_ = 	snop  }
0x7: {  	_ = 	snop  }
__scs_overlays_trampoline_lowered:
0x8: {  	[smem:$0x3FA8] =	sst s0  }
0x9: {  	[smem:$0x3FA9] =	sst s1  }
0xa: {  	[smem:$0x3FAA] =	sst s2  }
0xb: {  	[smem:$0x3FAB] =	sst s3  }
0xc: {  	[smem:$0x3FAC] =	sst s4  }
0xd: {  	[smem:$0x3FAD] =	sst s5  }
0xe: {  	[smem:$0x3FAE] =	sst s6  }
0xf: {  	[smem:$0x3FAF] =	sst s7  }
0x10: {  	[smem:$0x3FB0] =	sst s8  }
0x11: {  	[smem:$0x3FB1] =	sst s9;
	s0 =	simm.s32 @!p0 $0x0  }
0x12: {  	s1 =	sld [smem:$0x3F97];
	s0 =	simm.s32 @p0 $0x1  }
0x13: {  	[smem:$0x3FB2] =	sst s0;
	s0 =	simm.s32 @!p1 $0x0  }
0x14: {  	s2 =	sld [smem:$0x3F96];
	s0 =	simm.s32 @p1 $0x1  }
0x15: {  	[smem:$0x3FB3] =	sst s0;
	s0 =	simm.s32 @!p2 $0x0  }
0x16: {  	s3 =	sld [smem:$0x3FDB];
	s0 =	simm.s32 @p2 $0x1  }
0x17: {  	s4 =	simm.s32 $0x1BF5;
	[smem:$0x3FB5] =	sst s0  }
0x18: {  	s0 =	sld [smem:$0x3F98];
	_ =	swait.ge [sflag:s4], $0x0  }
0x19: {  	s7 =	sld [smem:$0x3F99]  }
0x1a: {  	s8 =	sadd.s32 $0xFFFFE003, lr  }
0x1b: {  	s9 =	sadd.s32 $0xFFFFFEF7, lr;
	s5 =	simm.s32 $0xFFFFFFFF;
	p2 =	slt.u32 s8, $0xFFFFF086  }
0x1c: {  	p1 =	slt.u32 s9, $0xF7A;
	s5 =	simm.s32 @!p2 $0x0  }
0x1d: {  	s5 =	simm.s32 @p1 $0x1;
	p0 =	seq.s32 s7, s2  }
0x1e: {  	s7 =	smul.u32 @!p0 $0xF7A, s2;
	p2 =	seq.s32 @!p0 s5, $0x0  }
0x1f: {  	s9 =	smul.u32 $0xF7A, s1;
	s8 =	simm.s32 @!p0 $0x1BF5;
	p2 =	por !p2, p0  }
0x20: {  	[sflag:s8] =	ssyncset.s32 @!p0 $0xFFFFF086;
	s6 =	sadd.s32 @!p0 s3, s7;
	s7 =	simm.s32 @!p0 $0x108  }
0x21: {  	s3 =	sadd.s32 s3, s9;
	s6 =	sadd.s32 @!p0 $0x88, s6;
	s7 =	simm.s32 @p2 $0x1082  }
0x22: {  	[simem:s7], [sflag:s8] =	dma.local @!p0 [hbm:s6], $0xF7A  }
0x23: {  	s9 =	sor.u32 $0xD0000000, s2;
	s6 =	simm.s32 $0x108;
	_ =	swait.ge @!p0 [sflag:s8], $0x0  }
0x24: {  	s3 =	sadd.s32 $0x88, s3;
	s6 =	simm.s32 @!p1 $0x1082;
	[sflag:s4] =	ssyncset.s32 $0xFFFFF086  }
0x25: {  	[simem:s6], [sflag:s4] =	dma.local [hbm:s3], $0xF7A  }
0x26: {  	[smem:$0x3F99] =	sst s1;
	(tag) =	ssettag s2;
	_ =	strace s9  }
0x27: {  	s1 =	sld [smem:$0x3FA9]  }
0x28: {  	s2 =	sld [smem:$0x3FAA]  }
0x29: {  	s4 =	sld [smem:$0x3FAC]  }
0x2a: {  	p0 =	seq.s32 s5, $0x0;
	s5 =	sld [smem:$0x3FAD]  }
0x2b: {  	s6 =	sld [smem:$0x3FAE]  }
0x2c: {  	s7 =	sld [smem:$0x3FAF]  }
0x2d: {  	s3 =	simm.s32 $0x108;
	s8 =	sld [smem:$0x3FB0]  }
0x2e: {  	s3 =	simm.s32 @!p0 $0x1082;
	s9 =	sld [smem:$0x3FB1]  }
0x2f: {  	lr =	sadd.s32 s0, s3;
	s0 =	sld [smem:$0x3FA8]  }
0x30: {  	s3 =	sld [smem:$0x3FAB]  }
0x31: {  	[smem:$0x3FB4] =	sst s10  }
0x32: {  	s10 =	sld [smem:$0x3FB2];
	_ =	sdelay $0x3  }
0x33: {  	p0 =	seq.s32 s10, $0x1;
	s10 =	sld [smem:$0x3FB4];
	_ =	sdelay $0x3  }
0x34: {  	[smem:$0x3FB4] =	sst s10  }
0x35: {  	s10 =	sld [smem:$0x3FB3];
	_ =	sdelay $0x3  }
0x36: {  	p1 =	seq.s32 s10, $0x1;
	s10 =	sld [smem:$0x3FB4];
	_ =	sdelay $0x3  }
0x37: {  	[smem:$0x3FB4] =	sst s10  }
0x38: {  	s10 =	sld [smem:$0x3FB5]  }
0x39: {  	_ = 	snop;
	(pc) =	sbr.ind lr, $3  }
0x3a: {  	_ = 	snop  }
0x3b: {  	_ = 	snop  }
0x3c: {  	p2 =	seq.s32 s10, $0x1;
	s10 =	sld [smem:$0x3FB4]  }
0x3d: {  	_ =	shalt  }
0x3e: {  	_ =	shalt  }
0x3f: {  	_ =	shalt  }
0x40: {  	_ =	shalt  }
0x41: {  	_ =	shalt  }
0x42: {  	_ =	shalt  }
0x43: {  	_ =	shalt  }
0x44: {  	_ =	shalt  }
0x45: {  	_ =	shalt  }
0x46: {  	_ =	shalt  }
0x47: {  	_ =	shalt  }
0x48: {  	_ =	shalt  }
0x49: {  	_ =	shalt  }
0x4a: {  	_ =	shalt  }
0x4b: {  	_ =	shalt  }
0x4c: {  	_ =	shalt  }
0x4d: {  	_ =	shalt  }
0x4e: {  	_ =	shalt  }
0x4f: {  	_ =	shalt  }
0x50: {  	_ =	shalt  }
0x51: {  	_ =	shalt  }
0x52: {  	_ =	shalt  }
0x53: {  	_ =	shalt  }
0x54: {  	_ =	shalt  }
0x55: {  	_ =	shalt  }
0x56: {  	_ =	shalt  }
0x57: {  	_ =	shalt  }
0x58: {  	_ =	shalt  }
0x59: {  	_ =	shalt  }
0x5a: {  	_ =	shalt  }
0x5b: {  	_ =	shalt  }
0x5c: {  	_ =	shalt  }
0x5d: {  	_ =	shalt  }
0x5e: {  	_ =	shalt  }
0x5f: {  	_ =	shalt  }
0x60: {  	_ =	shalt  }
0x61: {  	_ =	shalt  }
0x62: {  	_ =	shalt  }
0x63: {  	_ =	shalt  }
0x64: {  	_ =	shalt  }
0x65: {  	_ =	shalt  }
0x66: {  	_ =	shalt  }
0x67: {  	_ =	shalt  }
0x68: {  	_ =	shalt  }
0x69: {  	_ =	shalt  }
0x6a: {  	_ =	shalt  }
0x6b: {  	_ =	shalt  }
0x6c: {  	_ =	shalt  }
0x6d: {  	_ =	shalt  }
0x6e: {  	_ =	shalt  }
0x6f: {  	_ =	shalt  }
0x70: {  	_ =	shalt  }
0x71: {  	_ =	shalt  }
0x72: {  	_ =	shalt  }
0x73: {  	_ =	shalt  }
0x74: {  	_ =	shalt  }
0x75: {  	_ =	shalt  }
0x76: {  	_ =	shalt  }
0x77: {  	_ =	shalt  }
0x78: {  	_ =	shalt  }
0x79: {  	_ =	shalt  }
0x7a: {  	_ =	shalt  }
0x7b: {  	_ =	shalt  }
0x7c: {  	_ =	shalt  }
0x7d: {  	_ =	shalt  }
0x7e: {  	_ =	shalt  }
0x7f: {  	_ =	shalt  }
0x80: {  	_ =	shalt  }
0x81: {  	_ =	shalt  }
0x82: {  	_ =	shalt  }
0x83: {  	_ =	shalt  }
0x84: {  	_ =	shalt  }
0x85: {  	_ =	shalt  }
0x86: {  	_ =	shalt  }
0x87: {  	_ =	shalt  }
.Lfunc_end0:
.L_simem_size_0:
called_computation.3_lowered:
.L_overlay_start_0:
0x88: {  	s2 =	sld [smem:$0x3FD9]  }
0x89: {  	s3 =	sld [smem:$0x3FFE];
	_ =	sdelay $0x1  }
0x8a: {  	s1 =	srdreg.scid  }
0x8b: {  	s0 =	sand.u32 $0x1, s1  }
0x8c: {  	s14 =	sshll.u32 s0, $0xA;
	s2 =	sadd.s32 s3, s2  }
0x8d: {  	s2 =	sadd.s32 s2, s14  }
0x8e: {  	[smem:$0x3FC0] =	sst s2  }
0x8f: {  	_ = 	snop  }
0x90: {  	s2 =	sld [smem:$0x3FD0];
	_ =	sdelay $0x2  }
0x91: {  	s15 =	simm.s32 $0xA;
	s4 =	simm.s32 $0x10  }
0x92: {  	[smem:s4], [sflag:s15] =	dma.local [hbm:s2], $0x1  }
0x93: {  	_ =	swait.eq [sflag:s15], $0x1  }
0x94: {  	[sflag:s15] =	ssyncset.done $0x0  }
0x95: {  	[sflag:s15] =	ssyncadd.s32 $0xFFFFFFFF  }
0x96: {  	s16 =	sld [smem:$0x11];
	(tm) =	ssettm $0x1  }
0x97: {  	s17 =	sld [smem:$0x3FFB];
	_ =	sdelay $0x3  }
0x98: {  	_ =	strace s17  }
0x99: {  	s3 =	sld [smem:$0x3FFC];
	_ =	sdelay $0x3  }
0x9a: {  	_ =	strace s3  }
0x9b: {  	s3 =	sld [smem:$0x3FFD];
	_ =	sdelay $0x3  }
0x9c: {  	_ =	strace s3  }
0x9d: {  	_ =	strace $0x8FFFFFFF  }
0x9e: {  	s18 =	sld [smem:$0x3FDB];
	_ =	sdelay $0x1  }
0x9f: {  	s19 =	simm.s32 $_scs_section_size  }
0xa0: {  	s5 =	simm.s32 $_size__tile_overlayer_lowered;
	s6 =	simm.s32 $_tile_overlayer_lowered  }
0xa1: {  	s22 =	simm.s32 $0x1BFF;
	s21 =	sshll.u32 s6, $0x1;
	s3 =	sadd.s32 s19, s18  }
0xa2: {  	s7 =	simm.s32 $0x0;
	s20 =	sshll.u32 s5, $0x1;
	s5 =	sadd.s32 s21, s3  }
0xa3: {  	[timem:s7], [sflag:s22] =	dma.local [hbm:s5], s20  }
0xa4: {  	_ =	swait.ge [sflag:s22], s20  }
0xa5: {  	s4 =	ssub.s32 $0x0, s20;
	[sflag:s22] =	ssyncset.done $0x0  }
0xa6: {  	[sflag:s22] =	ssyncadd.s32 s4;
	_ =	sdelay $0x1  }
0xa7: {  	s23 =	simm.s32 $0x1B8B  }
0xa8: {  	_ =	swait.ge [sflag:s23], $0x1  }
0xa9: {  	[sflag:s23] =	ssyncset.done $0x0  }
0xaa: {  	s25 =	simm.s32 $0x1B8E;
	s24 =	sld [smem:$0x3FFE];
	[sflag:s23] =	ssyncadd.s32 $0xFFFFFFFF  }
0xab: {  	s26 =	simm.s32 $execute0_lowered;
	[smem:$0x3FD2] =	sst s25  }
0xac: {  	s5 =	sshll.u32 s26, $0x1;
	_ =	strace $0x8000004F;
	[dreg:$0x1] =	wrdreg $0xFFFFFFFF  }
0xad: {  	s28 =	simm.s32 $_size_execute0_lowered;
	s3 =	sadd.s32 s3, s5;
	[dreg:$0x0] =	wrdreg $0x0  }
0xae: {  	s5 =	sshll.u32 s28, $0x1;
	[dreg:$0x2] =	wrdreg s3  }
0xaf: {  	[dreg:$0x3] =	wrdreg s5  }
0xb0: {  	[dreg:$0x4] =	wrdreg $0xC0  }
0xb1: {  	_ =	task [dreg:s7], $0x5FFFF  }
0xb2: {  	[dreg:$0x1] =	wrdreg $0xFFFFFFFF  }
0xb3: {  	[dreg:$0x0] =	wrdreg $0x60  }
0xb4: {  	[dreg:$0x2] =	wrdreg s16  }
0xb5: {  	[dreg:$0x3] =	wrdreg s24  }
0xb6: {  	[dreg:$0x4] =	wrdreg $0x9  }
0xb7: {  	_ =	task.clear_ibuf [dreg:s7], $0x5FFFF;
	_ =	strace $0x9000004F  }
0xb8: {  	s29 =	simm.s32 $0x9;
	_ =	strace $0x80000051  }
0xb9: {  	_ =	swait.ge [sflag:s29], $0x1  }
0xba: {  	[sflag:s29] =	ssyncadd.s32 $0xFFFFFFFF  }
0xbb: {  	_ =	strace $0x90000051  }
0xbc: {  	_ =	sfence  }
0xbd: {  	s30 =	sld [smem:$0x0];
	_ =	sdelay $0x2  }
0xbe: {  	s31 =	sshll.u32 s1, $0xD;
	s1 =	sshrl.u32 s1, $0x2  }
0xbf: {  	s3 =	sand.u32 $0x4000, s31;
	s1 =	sadd.s32 s1, s30  }
0xc0: {  	s0 =	sor.u32 s3, s0;
	s1 =	sshll.u32 s1, $0x11  }
0xc1: {  	s0 =	sor.u32 s1, s0  }
0xc2: {  	s0 =	sadd.s32 $0x8F2B, s0  }
0xc3: {  	[sflag:s0] =	ssyncadd.remote.s32 $0x1  }
0xc4: {  	_ =	sfence.sel $0xFFFF  }
0xc5: {  	[dreg:$0x0] =	wrdreg $0xFFFFFFFF;
	(pc) =	sbr.abs _section_cstart, $3  }
0xc6: {  	[dreg:$0x1] =	wrdreg $0xFFFFFFFF  }
0xc7: {  	_ =	task.clear_ibuf [dreg:s7], $0x2FFFF;
	_ =	strace $0x9FFFFFFF  }
0xc8: {  	(tm) =	ssettm $0x7FFFFFFF  }
0xc9: {  	_ =	shalt  }
tec
execute0_lowered:
.L_overlay_start_1:
0x0: {  	(tag) =	ssettag $0x1  }
0x1: {  	s1 =	srdreg.scid;
	s0 =	stileid.u32  }
0x2: {  	s11 =	sand.u32 $0x1, s1;
	s28 =	sshll.u32 s0, $0x1  }
0x3: {  	s10 =	rddreg [dreg:$0x0];
	s9 =	sor.u32 s11, s28  }
0x4: {  	s12 =	rddreg [dreg:$0x1];
	s13 =	smul.u32 $0xC0, s9  }
0x5: {  	s2 =	simm.s32 $0x0;
	s1 =	rddreg [dreg:$0x2]  }
0x6: {  	[smem:$0x7FF] =	sst s2;
	s3 =	sshrl.u32 s13, $0x3  }
0x7: {  	_ =	strace $0x80000050;
	s4 =	sadd.s32 s10, s3;
	s3 =	simm.s32 $0x2  }
0x8: {  	[tilespmem:s2], [sflag:$0x2] =	stream.linear.gather [hbm4b:s4+s2], $0x60, $0x38;
	[tilespmem:$0x3080] =	vst v63  }
0x9: {  	_ =	swait.ge [sflag:s3], $0x60  }
0xa: {  	s6 =	simm.s32 $0x60;
	s7 =	simm.s32 $0x80;
	[sflag:s3] =	ssyncset.done $0x0  }
0xb: {  	s8 =	simm.s32 $0x1;
	s5 =	sadd.s32 $0x3800, s12;
	[sflag:s3] =	ssyncadd.s32 $0xFFFFFFA0  }
0xc: {  	[tilespmem:s7], [sflag:$0x1] =	stream.indirect.gather [hbm4b:s5+s6], $0x80, s2, s6, $0xb8;
	[tilespmem:$0x3080] =	vst v63  }
0xd: {  	s9 =	smul.u32 $0xC00, s9;
	_ =	swait.ge [sflag:s8], $0x3000  }
0xe: {  	s12 =	sadd.s32 $0x53800, s12;
	[sflag:s8] =	ssyncset.done $0x0  }
0xf: {  	s9 =	sadd.s32 s12, s9;
	[sflag:s8] =	ssyncadd.s32 $0xFFFFD000  }
0x10: {  	[hbm4b:s9+s2] =	stream.linear.scatter [tilespmem:s7], [sflag:$0x2], $0x3000, $0x38;
	[tilespmem:$0x3080] =	vst v63  }
0x11: {  	s13 =	sadd.s32 $0x60, s13;
	_ =	swait.ge [sflag:s3], $0x3000  }
0x12: {  	s14 =	sshrl.u32 s13, $0x3;
	[sflag:s3] =	ssyncset.done $0x0  }
0x13: {  	s11 =	ssub.s32 $0x2, s11;
	s10 =	sadd.s32 s10, s14;
	[sflag:s3] =	ssyncadd.s32 $0xFFFFD000  }
0x14: {  	[tilespmem:s2], [sflag:$0x2] =	stream.linear.gather [hbm4b:s10+s2], $0x60, $0x38;
	[tilespmem:$0x3080] =	vst v63  }
0x15: {  	s29 =	sshrl.u32 s11, $0x1;
	_ =	swait.ge [sflag:s3], $0x60  }
0x16: {  	s14 =	ssub.s32 s11, s29;
	[sflag:s3] =	ssyncset.done $0x0  }
0x17: {  	s31 =	smax.u32 s14, $0x1;
	[sflag:s3] =	ssyncadd.s32 $0xFFFFFFA0  }
0x18: {  	[tilespmem:s7], [sflag:$0x1] =	stream.indirect.gather [hbm4b:s5+s6], $0x80, s2, s6, $0xb8;
	[tilespmem:$0x3080] =	vst v63  }
0x19: {  	p0 =	sne.s32 s31, $0x1;
	_ =	swait.ge [sflag:s8], $0x3000  }
.Ltmp0:
0x1a: {  	s30 =	sshll.u32 s13, $0x4;
	[sflag:s8] =	ssyncset.done $0x0;
	(pc) =	sbr.rel @!p0 .LBB2_2-.Ltmp0, $4  }
0x1b: {  	s11 =	sadd.s32 s12, s30;
	[sflag:s8] =	ssyncadd.s32 $0xFFFFD000  }
0x1c: {  	[hbm4b:s11+s2] =	stream.linear.scatter [tilespmem:s7], [sflag:$0x2], $0x3000, $0x38;
	[tilespmem:$0x3080] =	vst v63  }
0x1d: {  	_ =	swait.ge [sflag:s3], $0x3000  }
0x1e: {  	s12 =	sadd.s32 $0xFFFFFFFF, s31;
	[sflag:s3] =	ssyncset.done $0x0  }
.LBB2_1:
0x1f: {  	p0 =	sne.s32 s12, $0x1;
	s12 =	sadd.s32 $0xFFFFFFFF, s12;
	[sflag:s3] =	ssyncadd.s32 $0xFFFFD000  }
0x20: {  	[tilespmem:s2], [sflag:$0x2] =	stream.linear.gather [hbm4b:s4+s2], $0x60, $0x38;
	[tilespmem:$0x3080] =	vst v63  }
0x21: {  	_ =	swait.ge [sflag:s3], $0x60  }
0x22: {  	[sflag:s3] =	ssyncset.done $0x0  }
0x23: {  	[sflag:s3] =	ssyncadd.s32 $0xFFFFFFA0  }
0x24: {  	[tilespmem:s7], [sflag:$0x1] =	stream.indirect.gather [hbm4b:s5+s6], $0x80, s2, s6, $0xb8;
	[tilespmem:$0x3080] =	vst v63  }
0x25: {  	_ =	swait.ge [sflag:s8], $0x3000  }
0x26: {  	[sflag:s8] =	ssyncset.done $0x0  }
0x27: {  	[sflag:s8] =	ssyncadd.s32 $0xFFFFD000  }
0x28: {  	[hbm4b:s9+s2] =	stream.linear.scatter [tilespmem:s7], [sflag:$0x2], $0x3000, $0x38;
	[tilespmem:$0x3080] =	vst v63  }
0x29: {  	_ =	swait.ge [sflag:s3], $0x3000  }
0x2a: {  	[sflag:s3] =	ssyncset.done $0x0  }
0x2b: {  	[sflag:s3] =	ssyncadd.s32 $0xFFFFD000  }
0x2c: {  	[tilespmem:s2], [sflag:$0x2] =	stream.linear.gather [hbm4b:s10+s2], $0x60, $0x38;
	[tilespmem:$0x3080] =	vst v63  }
0x2d: {  	_ =	swait.ge [sflag:s3], $0x60  }
0x2e: {  	[sflag:s3] =	ssyncset.done $0x0  }
0x2f: {  	[sflag:s3] =	ssyncadd.s32 $0xFFFFFFA0  }
0x30: {  	[tilespmem:s7], [sflag:$0x1] =	stream.indirect.gather [hbm4b:s5+s6], $0x80, s2, s6, $0xb8;
	[tilespmem:$0x3080] =	vst v63  }
0x31: {  	_ =	swait.ge [sflag:s8], $0x3000  }
.Ltmp1:
0x32: {  	[sflag:s8] =	ssyncset.done $0x0;
	(pc) =	sbr.rel @p0 .LBB2_1-.Ltmp1, $4  }
0x33: {  	[sflag:s8] =	ssyncadd.s32 $0xFFFFD000  }
0x34: {  	[hbm4b:s11+s2] =	stream.linear.scatter [tilespmem:s7], [sflag:$0x2], $0x3000, $0x38;
	[tilespmem:$0x3080] =	vst v63  }
0x35: {  	_ =	swait.ge [sflag:s3], $0x3000  }
0x36: {  	[sflag:s3] =	ssyncset.done $0x0  }
.LBB2_2:
0x37: {  	[sflag:s3] =	ssyncadd.s32 $0xFFFFD000  }
0x38: {  	_ =	sfence.sel $0x180000  }
0x39: {  	[bflag:$0x0] =	sbarrier.arrive $0xFFFF  }
0x3a: {  	p0 =	sne.s32 s0, $0x0;
	_ =	strace $0x90000050  }
0x3b: {  	s0 =	sadd.s32 @!p0 $0x100000, s1;
	[bflag:$0x2] =	sbarrier.arrive $0xFFFF  }
0x3c: {  	[sflag:s0] =	ssyncadd.tile.s32 @!p0 $0x1;
	_ =	shalt  }
.Lfunc_end2:
_tile_overlayer_lowered:
.L_overlay_start_2:
0x3d: {  	(tag) =	ssettag $0x2  }
0x3e: {  	s0 =	rddreg [dreg:$0x0];
	s2 =	stileid.u32  }
0x3f: {  	s1 =	rddreg [dreg:$0x1];
	p0 =	sne.s32 s2, $0x0  }
0x40: {  	s3 =	rddreg [dreg:$0x2];
	[bflag:$0x3] =	sbarrier.arrive $0xFFFF;
	s2 =	simm.s32 @!p0 $0x1C02  }
0x41: {  	[timem:s3], [sflag:s2] =	dma.local @!p0 [hbm:s0], s1  }
0x42: {  	s0 =	simm.s32 @!p0 $0x2  }
0x43: {  	_ =	swait.ge @!p0 [sflag:s0], s1  }
0x44: {  	s1 =	ssub.s32 @!p0 $0x0, s1;
	[sflag:s0] =	ssyncset.done @!p0 $0x0  }
0x45: {  	[sflag:s0] =	ssyncadd.s32 @!p0 s1  }
0x46: {  	[bflag:$0x3] =	sbarrier.arrive $0xFFFF  }
0x47: {  	_ =	shalt  }

// kernel: kernel.9.cloned.1.call-start
scs
__scs_entry_jumppad:
0x0: {  	(pc) =	sbr.rel $0x88, $3  }
0x1: {  	(tag) =	ssettag $0x0;
	lr =	simm.s32 $0x1  }
0x2: {  	[smem:$0x3F99] =	sst lr;
	_ =	strace $0xD0000000  }
0x3: {  	_ = 	snop  }
0x4: {  	_ = 	snop  }
0x5: {  	_ = 	snop  }
0x6: {  	_ = 	snop  }
0x7: {  	_ = 	snop  }
__scs_overlays_trampoline_lowered:
0x8: {  	[smem:$0x3FA8] =	sst s0  }
0x9: {  	[smem:$0x3FA9] =	sst s1  }
0xa: {  	[smem:$0x3FAA] =	sst s2  }
0xb: {  	[smem:$0x3FAB] =	sst s3  }
0xc: {  	[smem:$0x3FAC] =	sst s4  }
0xd: {  	[smem:$0x3FAD] =	sst s5  }
0xe: {  	[smem:$0x3FAE] =	sst s6  }
0xf: {  	[smem:$0x3FAF] =	sst s7  }
0x10: {  	[smem:$0x3FB0] =	sst s8  }
0x11: {  	[smem:$0x3FB1] =	sst s9;
	s0 =	simm.s32 @!p0 $0x0  }
0x12: {  	s1 =	sld [smem:$0x3F97];
	s0 =	simm.s32 @p0 $0x1  }
0x13: {  	[smem:$0x3FB2] =	sst s0;
	s0 =	simm.s32 @!p1 $0x0  }
0x14: {  	s2 =	sld [smem:$0x3F96];
	s0 =	simm.s32 @p1 $0x1  }
0x15: {  	[smem:$0x3FB3] =	sst s0;
	s0 =	simm.s32 @!p2 $0x0  }
0x16: {  	s3 =	sld [smem:$0x3FDB];
	s0 =	simm.s32 @p2 $0x1  }
0x17: {  	s4 =	simm.s32 $0x1BF5;
	[smem:$0x3FB5] =	sst s0  }
0x18: {  	s0 =	sld [smem:$0x3F98];
	_ =	swait.ge [sflag:s4], $0x0  }
0x19: {  	s7 =	sld [smem:$0x3F99]  }
0x1a: {  	s8 =	sadd.s32 $0xFFFFE003, lr  }
0x1b: {  	s9 =	sadd.s32 $0xFFFFFEF7, lr;
	s5 =	simm.s32 $0xFFFFFFFF;
	p2 =	slt.u32 s8, $0xFFFFF086  }
0x1c: {  	p1 =	slt.u32 s9, $0xF7A;
	s5 =	simm.s32 @!p2 $0x0  }
0x1d: {  	s5 =	simm.s32 @p1 $0x1;
	p0 =	seq.s32 s7, s2  }
0x1e: {  	s7 =	smul.u32 @!p0 $0xF7A, s2;
	p2 =	seq.s32 @!p0 s5, $0x0  }
0x1f: {  	s9 =	smul.u32 $0xF7A, s1;
	s8 =	simm.s32 @!p0 $0x1BF5;
	p2 =	por !p2, p0  }
0x20: {  	[sflag:s8] =	ssyncset.s32 @!p0 $0xFFFFF086;
	s6 =	sadd.s32 @!p0 s3, s7;
	s7 =	simm.s32 @!p0 $0x108  }
0x21: {  	s3 =	sadd.s32 s3, s9;
	s6 =	sadd.s32 @!p0 $0x88, s6;
	s7 =	simm.s32 @p2 $0x1082  }
0x22: {  	[simem:s7], [sflag:s8] =	dma.local @!p0 [hbm:s6], $0xF7A  }
0x23: {  	s9 =	sor.u32 $0xD0000000, s2;
	s6 =	simm.s32 $0x108;
	_ =	swait.ge @!p0 [sflag:s8], $0x0  }
0x24: {  	s3 =	sadd.s32 $0x88, s3;
	s6 =	simm.s32 @!p1 $0x1082;
	[sflag:s4] =	ssyncset.s32 $0xFFFFF086  }
0x25: {  	[simem:s6], [sflag:s4] =	dma.local [hbm:s3], $0xF7A  }
0x26: {  	[smem:$0x3F99] =	sst s1;
	(tag) =	ssettag s2;
	_ =	strace s9  }
0x27: {  	s1 =	sld [smem:$0x3FA9]  }
0x28: {  	s2 =	sld [smem:$0x3FAA]  }
0x29: {  	s4 =	sld [smem:$0x3FAC]  }
0x2a: {  	p0 =	seq.s32 s5, $0x0;
	s5 =	sld [smem:$0x3FAD]  }
0x2b: {  	s6 =	sld [smem:$0x3FAE]  }
0x2c: {  	s7 =	sld [smem:$0x3FAF]  }
0x2d: {  	s3 =	simm.s32 $0x108;
	s8 =	sld [smem:$0x3FB0]  }
0x2e: {  	s3 =	simm.s32 @!p0 $0x1082;
	s9 =	sld [smem:$0x3FB1]  }
0x2f: {  	lr =	sadd.s32 s0, s3;
	s0 =	sld [smem:$0x3FA8]  }
0x30: {  	s3 =	sld [smem:$0x3FAB]  }
0x31: {  	[smem:$0x3FB4] =	sst s10  }
0x32: {  	s10 =	sld [smem:$0x3FB2];
	_ =	sdelay $0x3  }
0x33: {  	p0 =	seq.s32 s10, $0x1;
	s10 =	sld [smem:$0x3FB4];
	_ =	sdelay $0x3  }
0x34: {  	[smem:$0x3FB4] =	sst s10  }
0x35: {  	s10 =	sld [smem:$0x3FB3];
	_ =	sdelay $0x3  }
0x36: {  	p1 =	seq.s32 s10, $0x1;
	s10 =	sld [smem:$0x3FB4];
	_ =	sdelay $0x3  }
0x37: {  	[smem:$0x3FB4] =	sst s10  }
0x38: {  	s10 =	sld [smem:$0x3FB5]  }
0x39: {  	_ = 	snop;
	(pc) =	sbr.ind lr, $3  }
0x3a: {  	_ = 	snop  }
0x3b: {  	_ = 	snop  }
0x3c: {  	p2 =	seq.s32 s10, $0x1;
	s10 =	sld [smem:$0x3FB4]  }
0x3d: {  	_ =	shalt  }
0x3e: {  	_ =	shalt  }
0x3f: {  	_ =	shalt  }
0x40: {  	_ =	shalt  }
0x41: {  	_ =	shalt  }
0x42: {  	_ =	shalt  }
0x43: {  	_ =	shalt  }
0x44: {  	_ =	shalt  }
0x45: {  	_ =	shalt  }
0x46: {  	_ =	shalt  }
0x47: {  	_ =	shalt  }
0x48: {  	_ =	shalt  }
0x49: {  	_ =	shalt  }
0x4a: {  	_ =	shalt  }
0x4b: {  	_ =	shalt  }
0x4c: {  	_ =	shalt  }
0x4d: {  	_ =	shalt  }
0x4e: {  	_ =	shalt  }
0x4f: {  	_ =	shalt  }
0x50: {  	_ =	shalt  }
0x51: {  	_ =	shalt  }
0x52: {  	_ =	shalt  }
0x53: {  	_ =	shalt  }
0x54: {  	_ =	shalt  }
0x55: {  	_ =	shalt  }
0x56: {  	_ =	shalt  }
0x57: {  	_ =	shalt  }
0x58: {  	_ =	shalt  }
0x59: {  	_ =	shalt  }
0x5a: {  	_ =	shalt  }
0x5b: {  	_ =	shalt  }
0x5c: {  	_ =	shalt  }
0x5d: {  	_ =	shalt  }
0x5e: {  	_ =	shalt  }
0x5f: {  	_ =	shalt  }
0x60: {  	_ =	shalt  }
0x61: {  	_ =	shalt  }
0x62: {  	_ =	shalt  }
0x63: {  	_ =	shalt  }
0x64: {  	_ =	shalt  }
0x65: {  	_ =	shalt  }
0x66: {  	_ =	shalt  }
0x67: {  	_ =	shalt  }
0x68: {  	_ =	shalt  }
0x69: {  	_ =	shalt  }
0x6a: {  	_ =	shalt  }
0x6b: {  	_ =	shalt  }
0x6c: {  	_ =	shalt  }
0x6d: {  	_ =	shalt  }
0x6e: {  	_ =	shalt  }
0x6f: {  	_ =	shalt  }
0x70: {  	_ =	shalt  }
0x71: {  	_ =	shalt  }
0x72: {  	_ =	shalt  }
0x73: {  	_ =	shalt  }
0x74: {  	_ =	shalt  }
0x75: {  	_ =	shalt  }
0x76: {  	_ =	shalt  }
0x77: {  	_ =	shalt  }
0x78: {  	_ =	shalt  }
0x79: {  	_ =	shalt  }
0x7a: {  	_ =	shalt  }
0x7b: {  	_ =	shalt  }
0x7c: {  	_ =	shalt  }
0x7d: {  	_ =	shalt  }
0x7e: {  	_ =	shalt  }
0x7f: {  	_ =	shalt  }
0x80: {  	_ =	shalt  }
0x81: {  	_ =	shalt  }
0x82: {  	_ =	shalt  }
0x83: {  	_ =	shalt  }
0x84: {  	_ =	shalt  }
0x85: {  	_ =	shalt  }
0x86: {  	_ =	shalt  }
0x87: {  	_ =	shalt  }
.Lfunc_end0:
.L_simem_size_0:
called_computation_lowered:
.L_overlay_start_0:
0x88: {  	s2 =	sld [smem:$0x3FD9]  }
0x89: {  	s3 =	sld [smem:$0x3FFE];
	_ =	sdelay $0x1  }
0x8a: {  	s1 =	srdreg.scid  }
0x8b: {  	s0 =	sand.u32 $0x1, s1  }
0x8c: {  	s14 =	sshll.u32 s0, $0xA;
	s2 =	sadd.s32 s3, s2  }
0x8d: {  	s2 =	sadd.s32 s2, s14  }
0x8e: {  	[smem:$0x3FC0] =	sst s2  }
0x8f: {  	_ = 	snop  }
0x90: {  	s2 =	sld [smem:$0x3FD0];
	_ =	sdelay $0x2  }
0x91: {  	s15 =	simm.s32 $0xA;
	s4 =	simm.s32 $0x10  }
0x92: {  	[smem:s4], [sflag:s15] =	dma.local [hbm:s2], $0x1  }
0x93: {  	_ =	swait.eq [sflag:s15], $0x1  }
0x94: {  	[sflag:s15] =	ssyncset.done $0x0  }
0x95: {  	s16 =	sld [smem:$0x10];
	[sflag:s15] =	ssyncadd.s32 $0xFFFFFFFF  }
0x96: {  	s17 =	sld [smem:$0x11];
	(tm) =	ssettm $0x1  }
0x97: {  	s18 =	sld [smem:$0x3FFB];
	_ =	sdelay $0x3  }
0x98: {  	_ =	strace s18  }
0x99: {  	s4 =	sld [smem:$0x3FFC];
	_ =	sdelay $0x3  }
0x9a: {  	_ =	strace s4  }
0x9b: {  	s4 =	sld [smem:$0x3FFD];
	_ =	sdelay $0x3  }
0x9c: {  	_ =	strace s4  }
0x9d: {  	_ =	strace $0x8FFFFFFF  }
0x9e: {  	s19 =	sld [smem:$0x3FDB];
	_ =	sdelay $0x1  }
0x9f: {  	s5 =	simm.s32 $_scs_section_size  }
0xa0: {  	s6 =	simm.s32 $_size__tile_overlayer_lowered;
	s7 =	simm.s32 $_tile_overlayer_lowered  }
0xa1: {  	s22 =	simm.s32 $0x1BFF;
	s21 =	sshll.u32 s7, $0x1;
	s4 =	sadd.s32 s5, s19  }
0xa2: {  	s8 =	simm.s32 $0x0;
	s20 =	sshll.u32 s6, $0x1;
	s6 =	sadd.s32 s21, s4  }
0xa3: {  	[timem:s8], [sflag:s22] =	dma.local [hbm:s6], s20  }
0xa4: {  	_ =	swait.ge [sflag:s22], s20  }
0xa5: {  	s5 =	ssub.s32 $0x0, s20;
	[sflag:s22] =	ssyncset.done $0x0  }
0xa6: {  	[sflag:s22] =	ssyncadd.s32 s5;
	_ =	sdelay $0x1  }
0xa7: {  	s23 =	simm.s32 $0x1B8B  }
0xa8: {  	_ =	swait.ge [sflag:s23], $0x1  }
0xa9: {  	[sflag:s23] =	ssyncset.done $0x0  }
0xaa: {  	s25 =	simm.s32 $0x1B8E;
	s24 =	sld [smem:$0x3FFE];
	[sflag:s23] =	ssyncadd.s32 $0xFFFFFFFF  }
0xab: {  	s26 =	simm.s32 $execute0_lowered;
	[smem:$0x3FD2] =	sst s25  }
0xac: {  	s6 =	sshll.u32 s26, $0x1;
	_ =	strace $0x80000046;
	[dreg:$0x1] =	wrdreg $0xFFFFFFFF  }
0xad: {  	s28 =	simm.s32 $_size_execute0_lowered;
	s4 =	sadd.s32 s4, s6;
	[dreg:$0x0] =	wrdreg $0x0  }
0xae: {  	s6 =	sshll.u32 s28, $0x1;
	[dreg:$0x2] =	wrdreg s4  }
0xaf: {  	[dreg:$0x3] =	wrdreg s6  }
0xb0: {  	[dreg:$0x4] =	wrdreg $0xC0  }
0xb1: {  	_ =	task [dreg:s8], $0x5FFFF  }
0xb2: {  	[dreg:$0x1] =	wrdreg $0xFFFFFFFF  }
0xb3: {  	[dreg:$0x0] =	wrdreg $0x60  }
0xb4: {  	[dreg:$0x2] =	wrdreg s24  }
0xb5: {  	[dreg:$0x3] =	wrdreg s17  }
0xb6: {  	[dreg:$0x4] =	wrdreg s16  }
0xb7: {  	[dreg:$0x5] =	wrdreg $0x9  }
0xb8: {  	_ =	task.clear_ibuf [dreg:s8], $0x6FFFF;
	_ =	strace $0x90000046  }
0xb9: {  	s29 =	simm.s32 $0x9;
	_ =	strace $0x80000048  }
0xba: {  	_ =	swait.ge [sflag:s29], $0x1  }
0xbb: {  	[sflag:s29] =	ssyncadd.s32 $0xFFFFFFFF  }
0xbc: {  	_ =	strace $0x90000048  }
0xbd: {  	_ =	sfence  }
0xbe: {  	s30 =	sld [smem:$0x0];
	_ =	sdelay $0x2  }
0xbf: {  	s31 =	sshll.u32 s1, $0xD;
	s1 =	sshrl.u32 s1, $0x2  }
0xc0: {  	s3 =	sand.u32 $0x4000, s31;
	s1 =	sadd.s32 s1, s30  }
0xc1: {  	s0 =	sor.u32 s3, s0;
	s1 =	sshll.u32 s1, $0x11  }
0xc2: {  	s0 =	sor.u32 s1, s0  }
0xc3: {  	s0 =	sadd.s32 $0x8F2B, s0  }
0xc4: {  	[sflag:s0] =	ssyncadd.remote.s32 $0x1  }
0xc5: {  	_ =	sfence.sel $0xFFFF  }
0xc6: {  	[dreg:$0x0] =	wrdreg $0xFFFFFFFF;
	(pc) =	sbr.abs _section_cstart, $3  }
0xc7: {  	[dreg:$0x1] =	wrdreg $0xFFFFFFFF  }
0xc8: {  	_ =	task.clear_ibuf [dreg:s8], $0x2FFFF;
	_ =	strace $0x9FFFFFFF  }
0xc9: {  	(tm) =	ssettm $0x7FFFFFFF  }
tec
execute0_lowered:
.L_overlay_start_1:
0x0: {  	(tag) =	ssettag $0x1  }
0x1: {  	s4 =	rddreg [dreg:$0x0]  }
0x2: {  	s2 =	rddreg [dreg:$0x1]  }
0x3: {  	s0 =	srdreg.scid;
	s1 =	stileid.u32  }
0x4: {  	s5 =	rddreg [dreg:$0x2];
	s6 =	sand.u32 $0x1, s0;
	s8 =	smul.u32 $0x9E00, s1  }
0x5: {  	s3 =	simm.s32 $0x0;
	s0 =	rddreg [dreg:$0x3];
	s7 =	smul.u32 $0x9E000, s6  }
0x6: {  	s10 =	sshrl.u32 s1, $0x3;
	[smem:$0x7FF] =	sst s3;
	s9 =	smul.u32 $0x28000, s6  }
0x7: {  	s11 =	sshll.u32 s1, $0x7;
	s10 =	smul.u32 $0x14000, s10;
	_ =	strace $0x80000047  }
0x8: {  	s30 =	sand.u32 $0x380, s11;
	s6 =	ssub.s32 $0x2, s6;
	s11 =	simm.s32 $0x0  }
0x9: {  	s31 =	sshrl.u32 s6, $0x1;
	s7 =	sadd.s32 s8, s7;
	s29 =	sadd.s32 s9, s10  }
0xa: {  	s6 =	ssub.s32 s6, s31;
	s9 =	simm.s32 $0x80;
	s10 =	simm.s32 $0x400  }
0xb: {  	s7 =	sshrl.u32 s7, $0x3;
	s8 =	sor.u32 s30, s29;
	s6 =	smax.u32 s6, $0x1  }
0xc: {  	s4 =	sadd.s32 s7, s4;
	s8 =	sshrl.u32 s8, $0x3;
	s7 =	simm.s32 $0x9E00  }
0xd: {  	v0 =	vimm.f32 $1.000000000e+00;
	s4 =	sadd.s32 $0x3800, s4;
	s5 =	sadd.s32 s5, s8;
	s8 =	simm.s32 $0x1  }
.LBB2_1:
0xe: {  	[tilespmem:s7], [sflag:$0x1] =	stream.linear.gather [hbm4b:s2+s3], $0x2800, $0x38;
	[tilespmem:$0xC600] =	vst v63  }
0xf: {  	_ =	swait.ge [sflag:s8], $0x2800  }
0x10: {  	[sflag:s8] =	ssyncset.done $0x0  }
0x11: {  	[sflag:s8] =	ssyncadd.s32 $0xFFFFD800  }
0x12: {  	[tilespmem:s3], [sflag:$0x1] =	stream.linear.gather [hbm4b:s4+s3], $0x9E00, $0x38;
	[tilespmem:$0xC600] =	vst v63  }
0x13: {  	_ =	swait.ge [sflag:s8], $0x9E00  }
0x14: {  	[sflag:s8] =	ssyncset.done $0x0  }
0x15: {  	s12 =	simm.s32 $0x0;
	[sflag:s8] =	ssyncadd.s32 $0xFFFF6200  }
.LBB2_2:
0x16: {  	s13 =	sshra.s32 s12, $0x2  }
0x17: {  	v1 =	vld [tilespmem:s13+$0x0];
	_ =	sdelay $0x7  }
0x18: {  	[tilespmem:v1+s7+$0x0] =	vst.idx.add.f32.msk $0xffff, v0  }
0x19: {  	v1 =	vld [tilespmem:s13+$0x10];
	_ =	sdelay $0x7  }
0x1a: {  	[tilespmem:v1+s7+$0x0] =	vst.idx.add.f32.msk $0xffff, v0  }
0x1b: {  	v1 =	vld [tilespmem:s13+$0x20];
	_ =	sdelay $0x7  }
0x1c: {  	[tilespmem:v1+s7+$0x0] =	vst.idx.add.f32.msk $0xffff, v0  }
0x1d: {  	v1 =	vld [tilespmem:s13+$0x30];
	_ =	sdelay $0x7  }
0x1e: {  	[tilespmem:v1+s7+$0x0] =	vst.idx.add.f32.msk $0xffff, v0  }
0x1f: {  	v1 =	vld [tilespmem:s13+$0x40];
	_ =	sdelay $0x7  }
0x20: {  	[tilespmem:v1+s7+$0x0] =	vst.idx.add.f32.msk $0xffff, v0  }
0x21: {  	v1 =	vld [tilespmem:s13+$0x50];
	_ =	sdelay $0x7  }
0x22: {  	[tilespmem:v1+s7+$0x0] =	vst.idx.add.f32.msk $0xffff, v0  }
0x23: {  	v1 =	vld [tilespmem:s13+$0x60];
	_ =	sdelay $0x7  }
0x24: {  	[tilespmem:v1+s7+$0x0] =	vst.idx.add.f32.msk $0xffff, v0  }
0x25: {  	v1 =	vld [tilespmem:s13+$0x70];
	_ =	sdelay $0x2  }
0x26: {  	p0 =	sne.s32 s12, $0x27600  }
.Ltmp0:
0x27: {  	_ = 	snop;
	(pc) =	sbr.rel @p0 .LBB2_2-.Ltmp0, $2  }
0x28: {  	_ =	sdelay $0x2  }
0x29: {  	s12 =	sadd.s32 $0x200, s12;
	[tilespmem:v1+s7+$0x0] =	vst.idx.add.f32.msk $0xffff, v0  }
0x2a: {  	s11 =	sadd.s32 $0x1, s11  }
0x2b: {  	p0 =	sne.s32 s11, s6  }
.Ltmp1:
0x2c: {  	_ = 	snop;
	(pc) =	sbr.rel @p0 .LBB2_1-.Ltmp1, $4  }
0x2d: {  	[hbm4b:s5+s9] =	stream.strided.scatter [tilespmem:s7], [sflag:$0x1], $0x2800, s10, s9, $0x38;
	[tilespmem:$0xC600] =	vst v63  }
0x2e: {  	_ =	swait.ge [sflag:s8], $0x2800  }
0x2f: {  	[sflag:s8] =	ssyncset.done $0x0  }
0x30: {  	[sflag:s8] =	ssyncadd.s32 $0xFFFFD800  }
0x31: {  	_ =	sfence.sel $0x180000  }
0x32: {  	[bflag:$0x0] =	sbarrier.arrive $0xFFFF  }
0x33: {  	p0 =	sne.s32 s1, $0x0;
	_ =	strace $0x90000047  }
0x34: {  	s0 =	sadd.s32 @!p0 $0x100000, s0;
	[bflag:$0x2] =	sbarrier.arrive $0xFFFF  }
0x35: {  	[sflag:s0] =	ssyncadd.tile.s32 @!p0 $0x1;
	_ =	shalt  }
.Lfunc_end2:
_tile_overlayer_lowered:
.L_overlay_start_2:
0x36: {  	(tag) =	ssettag $0x2  }
0x37: {  	s0 =	rddreg [dreg:$0x0];
	s2 =	stileid.u32  }
0x38: {  	s1 =	rddreg [dreg:$0x1];
	p0 =	sne.s32 s2, $0x0  }
0x39: {  	s3 =	rddreg [dreg:$0x2];
	[bflag:$0x3] =	sbarrier.arrive $0xFFFF;
	s2 =	simm.s32 @!p0 $0x1C01  }
0x3a: {  	[timem:s3], [sflag:s2] =	dma.local @!p0 [hbm:s0], s1  }
0x3b: {  	s0 =	simm.s32 @!p0 $0x1  }
0x3c: {  	_ =	swait.ge @!p0 [sflag:s0], s1  }
0x3d: {  	s1 =	ssub.s32 @!p0 $0x0, s1;
	[sflag:s0] =	ssyncset.done @!p0 $0x0  }
0x3e: {  	[sflag:s0] =	ssyncadd.s32 @!p0 s1  }
0x3f: {  	[bflag:$0x3] =	sbarrier.arrive $0xFFFF  }
0x40: {  	_ =	shalt  }

</sc_bundles>
